<compile_context>
chip_gen: v7x
topology: tpu7x:2x2x1
jax: 0.10.2.dev20260603
libtpu: 0.0.44.dev20260713+nightly
codegen_flags: <defaults>
</compile_context>

<pallas_src>
import functools

import jax
import jax.numpy as jnp
from jax import lax
from jax.experimental import pallas as pl
from jax.experimental.pallas import tpu as pltpu
from jax.experimental.pallas import tpu_sc as plsc

N = 10000
E = 320000
H = 128
G = 64
L = 3

NC = 2
NS = 16
NW = NC * NS

CH = 128
GRP = 2
NGRP = 39
CHPW = GRP * NGRP
EPW = CHPW * CH
TAIL0 = NW * EPW
NTAIL = (E - TAIL0) // CH
ZFULL = N // CH
ZREM = N - ZFULL * CH

BN = 1000
NBLK = N // BN


_sc_mesh = plsc.VectorSubcoreMesh(core_axis_name="c", subcore_axis_name="s",
                                  num_cores=NC, num_subcores=NS)


@functools.partial(
    pl.kernel,
    out_type=jax.ShapeDtypeStruct((NC, N, H), jnp.float32),
    mesh=_sc_mesh,
    scratch_types=[
        pltpu.VMEM((EPW,), jnp.int32),
        [pltpu.VMEM((CH,), jnp.int32) for _ in range(GRP)],
        [pltpu.VMEM((CH, H), jnp.float32) for _ in range(GRP)],
        pltpu.VMEM_SHARED((N, H), jnp.float32),
        pltpu.SemaphoreType.DMA,
        pltpu.SemaphoreType.DMA,
        pltpu.SemaphoreType.DMA,
        pltpu.SemaphoreType.DMA,
        pltpu.SemaphoreType.DMA,
    ],
)
def _segsum_sc(h_hbm, src_hbm, dst_hbm, out_hbm, srcall_v, dst_vs, rows_vs,
               agg_sp, sem_g, sem_i, sem_s, sem_g2, sem_s2):
    c = lax.axis_index("c")
    s = lax.axis_index("s")
    wid = c * NS + s
    base_e = wid * EPW

    d_idx = pltpu.async_copy(src_hbm.at[pl.ds(base_e, EPW)], srcall_v, sem_i)

    def zfill(i, _):
        rows_vs[1][i // 8, pl.ds((i % 8) * 16, 16)] = jnp.zeros((16,),
                                                               jnp.float32)
        return 0
    lax.fori_loop(0, CH * 8, zfill, 0)

    d_idx.wait()

    sem_gs = [sem_g, sem_g2]
    sem_ss = [sem_s, sem_s2]

    def issue_gather(j, p):
        pltpu.async_copy(dst_hbm.at[pl.ds(base_e + j * CH, CH)],
                         dst_vs[p], sem_gs[p])
        pltpu.async_copy(h_hbm.at[srcall_v.at[pl.ds(j * CH, CH)]],
                         rows_vs[p], sem_gs[p])

    def drain_gather(p):
        pltpu.make_async_copy(dst_hbm.at[pl.ds(base_e, CH)],
                              dst_vs[p], sem_gs[p]).wait()
        pltpu.make_async_copy(h_hbm.at[srcall_v.at[pl.ds(0, CH)]],
                              rows_vs[p], sem_gs[p]).wait()

    def drain_scatter(p):
        pltpu.make_async_copy(rows_vs[p],
                              agg_sp.at[dst_vs[p]], sem_ss[p]).wait()

    issue_gather(0, 0)

    def zblk(k, _):
        b = s + k * NS

        @pl.when(b < ZFULL)
        def _():
            pltpu.sync_copy(rows_vs[1], agg_sp.at[pl.ds(b * CH, CH)])

        @pl.when(b == ZFULL)
        def _():
            pltpu.sync_copy(rows_vs[1].at[pl.ds(0, ZREM)],
                            agg_sp.at[pl.ds(ZFULL * CH, ZREM)])
        return 0
    lax.fori_loop(0, -(-(ZFULL + 1) // NS), zblk, 0)

    plsc.subcore_barrier()

    def ebody(g, _):
        for b in range(2):
            j = g * 2 + b
            q = 1 - b
            drain_gather(b)

            @pl.when(j >= 1)
            def _():
                drain_scatter(q)

            @pl.when(j + 1 < CHPW)
            def _():
                issue_gather(j + 1, q)
            pltpu.async_copy(rows_vs[b], agg_sp.at[dst_vs[b]], sem_ss[b],
                             add=True)
        return 0
    lax.fori_loop(0, NGRP, ebody, 0)
    drain_scatter(1)

    @pl.when(wid < NTAIL)
    def _():
        tb = TAIL0 + wid * CH
        pltpu.sync_copy(src_hbm.at[pl.ds(tb, CH)], dst_vs[1])
        pltpu.sync_copy(dst_hbm.at[pl.ds(tb, CH)], dst_vs[0])
        pltpu.async_copy(h_hbm.at[dst_vs[1]], rows_vs[0], sem_g).wait()
        pltpu.sync_copy(rows_vs[0], agg_sp.at[dst_vs[0]], add=True)

    plsc.subcore_barrier()

    def wblk(k, _):
        b = s + k * NS

        @pl.when(b < ZFULL)
        def _():
            pltpu.sync_copy(agg_sp.at[pl.ds(b * CH, CH)],
                            out_hbm.at[c, pl.ds(b * CH, CH)])

        @pl.when(b == ZFULL)
        def _():
            pltpu.sync_copy(agg_sp.at[pl.ds(ZFULL * CH, ZREM)],
                            out_hbm.at[c, pl.ds(ZFULL * CH, ZREM)])
        return 0
    lax.fori_loop(0, -(-(ZFULL + 1) // NS), wblk, 0)


def _mlp_body(ep_ref, h_ref, p0_ref, p1_ref, w1_ref, b1_ref, w2_ref, b2_ref,
              sc_ref, sb_ref, out_ref):
    ep = ep_ref[0]
    z = h_ref[...] * ep + p0_ref[...] + p1_ref[...]
    z = jnp.maximum(jnp.dot(z, w1_ref[...],
                            preferred_element_type=jnp.float32) + b1_ref[...], 0.0)
    z = jnp.maximum(jnp.dot(z, w2_ref[...],
                            preferred_element_type=jnp.float32) + b2_ref[...], 0.0)
    out_ref[...] = z * sc_ref[...] + sb_ref[...]


def _mlp_tc(h, p0, p1, w1, b1, w2, b2, scale, shift, epsp1):
    return pl.pallas_call(
        _mlp_body,
        grid=(NBLK,),
        in_specs=[
            pl.BlockSpec(memory_space=pltpu.SMEM),
            pl.BlockSpec((BN, H), lambda i: (i, 0)),
            pl.BlockSpec((BN, H), lambda i: (i, 0)),
            pl.BlockSpec((BN, H), lambda i: (i, 0)),
            pl.BlockSpec((H, H), lambda i: (0, 0)),
            pl.BlockSpec((1, H), lambda i: (0, 0)),
            pl.BlockSpec((H, H), lambda i: (0, 0)),
            pl.BlockSpec((1, H), lambda i: (0, 0)),
            pl.BlockSpec((1, H), lambda i: (0, 0)),
            pl.BlockSpec((1, H), lambda i: (0, 0)),
        ],
        out_specs=pl.BlockSpec((BN, H), lambda i: (i, 0)),
        out_shape=jax.ShapeDtypeStruct((N, H), jnp.float32),
    )(epsp1, h, p0, p1, w1, b1, w2, b2, scale, shift)


def _final_body(ep_ref, b_ref, h1_ref, h2_ref, p0_ref, p1_ref, w1_ref,
                b1_ref, w2_ref, b2_ref, sc_ref, sb_ref, l1w_ref, l1b_ref,
                l2w_ref, l2b_ref, logp_ref, em_ref, acc, cnt):
    i = pl.program_id(0)

    @pl.when(i == 0)
    def _():
        acc[...] = jnp.zeros_like(acc)
        cnt[...] = jnp.zeros_like(cnt)

    z = h2_ref[...] * ep_ref[0] + p0_ref[...] + p1_ref[...]
    z = jnp.maximum(jnp.dot(z, w1_ref[...],
                            preferred_element_type=jnp.float32) + b1_ref[...], 0.0)
    z = jnp.maximum(jnp.dot(z, w2_ref[...],
                            preferred_element_type=jnp.float32) + b2_ref[...], 0.0)
    h3 = z * sc_ref[...] + sb_ref[...]

    em_ref[:, 0:H] = h1_ref[...]
    em_ref[:, H:2 * H] = h2_ref[...]
    em_ref[:, 2 * H:3 * H] = h3

    b = b_ref[0, 0, :]
    iota_g = lax.broadcasted_iota(jnp.int32, (BN, G), 1)
    onehot = (b[:, None] == iota_g).astype(jnp.float32)
    dn = (((0,), (0,)), ((), ()))
    acc[:, 0:H] += lax.dot_general(onehot, h1_ref[...], dn,
                                   preferred_element_type=jnp.float32)
    acc[:, H:2 * H] += lax.dot_general(onehot, h2_ref[...], dn,
                                       preferred_element_type=jnp.float32)
    acc[:, 2 * H:3 * H] += lax.dot_general(onehot, h3, dn,
                                           preferred_element_type=jnp.float32)
    cnt[...] += jnp.sum(onehot, axis=0)[:, None]

    @pl.when(i == NBLK - 1)
    def _():
        inv = 1.0 / jnp.maximum(cnt[...], 1.0)
        h2a = l1b_ref[...]
        for j in range(L):
            pooled = acc[:, j * H:(j + 1) * H] * inv
            h2a = h2a + jnp.dot(pooled, l1w_ref[pl.ds(j * H, H), :],
                                preferred_element_type=jnp.float32)
        h2a = jnp.maximum(h2a, 0.0)
        logits = jnp.dot(h2a, l2w_ref[...],
                         preferred_element_type=jnp.float32) + l2b_ref[...]
        m = jnp.max(logits, axis=-1, keepdims=True)
        lse = jnp.log(jnp.sum(jnp.exp(logits - m), axis=-1, keepdims=True)) + m
        logp_ref[...] = logits - lse


def _final_tc(batch_r, h1, h2, p0, p1, w1, b1, w2, b2, scale, shift, epsp1,
              l1w, l1b, l2w, l2b):
    return pl.pallas_call(
        _final_body,
        grid=(NBLK,),
        in_specs=[
            pl.BlockSpec(memory_space=pltpu.SMEM),
            pl.BlockSpec((1, 1, BN), lambda i: (i, 0, 0)),
            pl.BlockSpec((BN, H), lambda i: (i, 0)),
            pl.BlockSpec((BN, H), lambda i: (i, 0)),
            pl.BlockSpec((BN, H), lambda i: (i, 0)),
            pl.BlockSpec((BN, H), lambda i: (i, 0)),
            pl.BlockSpec((H, H), lambda i: (0, 0)),
            pl.BlockSpec((1, H), lambda i: (0, 0)),
            pl.BlockSpec((H, H), lambda i: (0, 0)),
            pl.BlockSpec((1, H), lambda i: (0, 0)),
            pl.BlockSpec((1, H), lambda i: (0, 0)),
            pl.BlockSpec((1, H), lambda i: (0, 0)),
            pl.BlockSpec((L * H, H), lambda i: (0, 0)),
            pl.BlockSpec((1, H), lambda i: (0, 0)),
            pl.BlockSpec((H, H), lambda i: (0, 0)),
            pl.BlockSpec((1, H), lambda i: (0, 0)),
        ],
        out_specs=[
            pl.BlockSpec((G, H), lambda i: (0, 0)),
            pl.BlockSpec((BN, L * H), lambda i: (i, 0)),
        ],
        out_shape=[
            jax.ShapeDtypeStruct((G, H), jnp.float32),
            jax.ShapeDtypeStruct((N, L * H), jnp.float32),
        ],
        scratch_shapes=[
            pltpu.VMEM((G, L * H), jnp.float32),
            pltpu.VMEM((G, H), jnp.float32),
        ],
    )(epsp1, batch_r, h1, h2, p0, p1, w1, b1, w2, b2, scale, shift,
      l1w, l1b, l2w, l2b)


@jax.jit
def kernel(x, edge_index, batch, W1, b1, W2, b2, bnw, bnb, eps,
           lin1_W, lin1_b, lin2_W, lin2_b):
    src = edge_index[0].astype(jnp.int32)
    dst = edge_index[1].astype(jnp.int32)
    batch_r = batch.astype(jnp.int32).reshape(NBLK, 1, BN)

    bn_scale = (bnw / jnp.sqrt(1.0 + 1e-5)).reshape(L, 1, H)
    bn_shift = bnb.reshape(L, 1, H)
    b1r = b1.reshape(L, 1, H)
    b2r = b2.reshape(L, 1, H)
    epsp1 = (1.0 + eps).reshape(L, 1)

    h = x
    hs = []
    for i in range(L - 1):
        parts = _segsum_sc(h, src, dst)
        h = _mlp_tc(h, parts[0], parts[1], W1[i], b1r[i], W2[i], b2r[i],
                    bn_scale[i], bn_shift[i], epsp1[i])
        hs.append(h)

    parts = _segsum_sc(h, src, dst)
    logp, em = _final_tc(batch_r, hs[0], hs[1], parts[0], parts[1],
                         W1[2], b1r[2], W2[2], b2r[2], bn_scale[2],
                         bn_shift[2], epsp1[2],
                         lin1_W, lin1_b.reshape(1, H), lin2_W,
                         lin2_b.reshape(1, H))
    return (logp, em)

# --- scband reference (transcript-rebuilt; emitter-appended) ---
"""Pipeline reference for scband-ginwith-jk-38371237822822 (READ-ONLY COPY).

The authoritative reference and input builder live on the scoring server;
editing this copy changes nothing except your own understanding.
"""

import jax, jax.numpy as jnp
import numpy as np

N = 10000
E = 320000
F = 128
H = 128
C = 128
L = 3
G = 64


def setup_inputs(seed: int = 0) -> dict:
    key = jax.random.key(seed)
    ks = [jax.random.fold_in(key, i) for i in range(20)]
    x = jax.random.normal(ks[0], (N, F), dtype=jnp.float32)
    edge_index = jax.random.randint(ks[1], (2, E), 0, N, dtype=jnp.int64)
    batch = jnp.sort(jax.random.randint(ks[2], (N,), 0, G, dtype=jnp.int64))
    # GIN layer params (L layers; in_dim == hidden == 128 so we can stack)
    W1 = jax.random.normal(ks[3], (L, H, H), dtype=jnp.float32) * 0.05
    b1 = jnp.zeros((L, H), dtype=jnp.float32)
    W2 = jax.random.normal(ks[4], (L, H, H), dtype=jnp.float32) * 0.05
    b2 = jnp.zeros((L, H), dtype=jnp.float32)
    bnw = jnp.ones((L, H), dtype=jnp.float32)
    bnb = jnp.zeros((L, H), dtype=jnp.float32)
    eps = jnp.zeros((L,), dtype=jnp.float32)  # train_eps=True, init 0
    lin1_W = jax.random.normal(ks[5], (L * H, H), dtype=jnp.float32) * 0.05
    lin1_b = jnp.zeros((H,), dtype=jnp.float32)
    lin2_W = jax.random.normal(ks[6], (H, C), dtype=jnp.float32) * 0.05
    lin2_b = jnp.zeros((C,), dtype=jnp.float32)
    return {"x": x, "edge_index": edge_index, "batch": batch,
            "W1": W1, "b1": b1, "W2": W2, "b2": b2,
            "bnw": bnw, "bnb": bnb, "eps": eps,
            "lin1_W": lin1_W, "lin1_b": lin1_b,
            "lin2_W": lin2_W, "lin2_b": lin2_b}


def reference(x, edge_index, batch, W1, b1, W2, b2, bnw, bnb, eps,
              lin1_W, lin1_b, lin2_W, lin2_b):
    n_nodes = x.shape[0]
    src, dst = edge_index[0], edge_index[1]

    def gin_layer(h, i):
        # message passing: sum aggregation of neighbor features at dst
        agg = jax.ops.segment_sum(h[src], dst, num_segments=n_nodes)
        z = (1.0 + eps[i]) * h + agg
        # MLP: Linear -> ReLU -> Linear -> ReLU -> BatchNorm1d (eval mode)
        z = jax.nn.relu(z @ W1[i] + b1[i])
        z = jax.nn.relu(z @ W2[i] + b2[i])
        # BN eval: running_mean=0, running_var=1
        z = (z / jnp.sqrt(1.0 + 1e-5)) * bnw[i] + bnb[i]
        return z

    xs = []
    h = x
    for i in range(L):
        h = gin_layer(h, i)
        xs.append(h)
    # JumpingKnowledge mode='cat'
    x_cat = jnp.concatenate(xs, axis=-1)
    em = x_cat
    # global_mean_pool
    sums = jax.ops.segment_sum(x_cat, batch, num_segments=G)
    counts = jax.ops.segment_sum(jnp.ones((n_nodes,), dtype=jnp.float32), batch, num_segments=G)
    pooled = sums / jnp.maximum(counts, 1.0)[:, None]
    h2 = jax.nn.relu(pooled @ lin1_W + lin1_b)
    # dropout p=0.5: identity in eval mode
    logits = h2 @ lin2_W + lin2_b
    logp = jax.nn.log_softmax(logits, axis=-1)
    return (logp, em)

if __name__ == "__main__":
    import jax
    _d = setup_inputs()
    print(jax.jit(kernel)(*tuple(_d.values())))

</pallas_src>

<mosaic_0001>
#map = affine_map<(d0, d1) -> (0, 0)>
#map1 = affine_map<(d0, d1) -> (0)>
#map2 = affine_map<(d0, d1) -> (0, 0, 0)>
module attributes {stable_mosaic.version = 14 : i64} {
  func.func @_segsum_sc(%arg0: i32, %arg1: i32, %arg2: memref<10000x128xf32, #tpu.memory_space<hbm>>, %arg3: memref<320000xi32, #tpu.memory_space<hbm>>, %arg4: memref<320000xi32, #tpu.memory_space<hbm>>, %arg5: memref<2x10000x128xf32, #tpu.memory_space<hbm>>, %arg6: memref<9984xi32, #tpu.memory_space<vmem>>, %arg7: memref<128xi32, #tpu.memory_space<vmem>>, %arg8: memref<128xi32, #tpu.memory_space<vmem>>, %arg9: memref<128x128xf32, #tpu.memory_space<vmem>>, %arg10: memref<128x128xf32, #tpu.memory_space<vmem>>, %arg11: memref<10000x128xf32, #tpu.memory_space<vmem_shared>>, %arg12: memref<!tpu.dma_semaphore, #tpu.memory_space<semaphore_mem>>, %arg13: memref<!tpu.dma_semaphore, #tpu.memory_space<semaphore_mem>>, %arg14: memref<!tpu.dma_semaphore, #tpu.memory_space<semaphore_mem>>, %arg15: memref<!tpu.dma_semaphore, #tpu.memory_space<semaphore_mem>>, %arg16: memref<!tpu.dma_semaphore, #tpu.memory_space<semaphore_mem>>) attributes {dimension_semantics = [#tpu.dimension_semantics<core_parallel>, #tpu.dimension_semantics<subcore_parallel>], iteration_bounds = array<i64: 2, 16>, scalar_prefetch = 0 : i64, scratch_operands = 11 : i64, tpu.core_type = #tpu.core_type<sc_vector_subcore>, window_params = [{transform_indices = #map}, {transform_indices = #map1}, {transform_indices = #map1}, {transform_indices = #map2}]} {
    %mul3A = arith.constant 16 : i32
    %mul3A_0 = arith.muli %arg0, %mul3A : i32
    %add3A = arith.addi %mul3A_0, %arg1 : i32
    %mul3A_1 = arith.constant 9984 : i32
    %mul3A_2 = arith.muli %add3A, %mul3A_1 : i32
    %dma_start3A = tpu.memref_slice %arg3[%mul3A_2] : memref<320000xi32, #tpu.memory_space<hbm>> -> memref<9984xi32, #tpu.memory_space<hbm>>
    %dma_start3A_3 = tpu.memref_slice %arg3[%mul3A_2] : memref<320000xi32, #tpu.memory_space<hbm>> -> memref<9984xi32, #tpu.memory_space<hbm>>
    tpu.enqueue_dma source(%dma_start3A_3 : memref<9984xi32, #tpu.memory_space<hbm>>) target(%arg6 : memref<9984xi32, #tpu.memory_space<vmem>>) target_semaphore(%arg13 : memref<!tpu.dma_semaphore, #tpu.memory_space<semaphore_mem>>)
    %scan3A = arith.constant 0 : i32
    %scan3A_4 = arith.constant 0 : i32
    %scan3A_5 = arith.constant 1024 : i32
    %scan3A_6 = arith.addi %scan3A_4, %scan3A_5 : i32
    %scan3A_7 = arith.constant 1 : i32
    %scan3A_8 = scf.for %scan3A_47 = %scan3A_4 to %scan3A_6 step %scan3A_7 iter_args(%scan3A_48 = %scan3A) -> (i32)  : i32 {
      %broadcast_in_dim3A = arith.constant 0.000000e+00 : f32
      %broadcast_in_dim3A_49 = vector.broadcast %broadcast_in_dim3A : f32 to vector<16xf32>
      %jit3A = arith.constant 8 : i32
      %div3A = arith.divsi %scan3A_47, %jit3A : i32
      %sign3A = arith.constant 0 : i32
      %sign3A_50 = arith.cmpi sgt, %scan3A_47, %sign3A : i32
      %sign3A_51 = arith.extui %sign3A_50 : i1 to i32
      %sign3A_52 = arith.constant 0 : i32
      %sign3A_53 = arith.cmpi slt, %scan3A_47, %sign3A_52 : i32
      %sign3A_54 = arith.extui %sign3A_53 : i1 to i32
      %sign3A_55 = arith.subi %sign3A_51, %sign3A_54 : i32
      %sign3A_56 = arith.constant 0 : i32
      %sign3A_57 = arith.cmpi sgt, %jit3A, %sign3A_56 : i32
      %sign3A_58 = arith.extui %sign3A_57 : i1 to i32
      %sign3A_59 = arith.constant 0 : i32
      %sign3A_60 = arith.cmpi slt, %jit3A, %sign3A_59 : i32
      %sign3A_61 = arith.extui %sign3A_60 : i1 to i32
      %sign3A_62 = arith.subi %sign3A_58, %sign3A_61 : i32
      %ne3A = arith.cmpi ne, %sign3A_55, %sign3A_62 : i32
      %rem3A = arith.remsi %scan3A_47, %jit3A : i32
      %ne3A_63 = arith.constant 0 : i32
      %ne3A_64 = arith.cmpi ne, %rem3A, %ne3A_63 : i32
      %and3A = arith.andi %ne3A, %ne3A_64 : i1
      %sub3A = arith.constant 1 : i32
      %sub3A_65 = arith.subi %div3A, %sub3A : i32
      %select_n3A = arith.select %and3A, %sub3A_65, %div3A : i32
      %jit3A_66 = arith.constant 8 : i32
      %eq3A = arith.constant 0 : i32
      %eq3A_67 = arith.cmpi eq, %jit3A_66, %eq3A : i32
      %jit3A_68 = arith.constant 1 : i32
      %select_n3A_69 = arith.select %eq3A_67, %jit3A_68, %jit3A_66 : i32
      %rem3A_70 = arith.remsi %scan3A_47, %select_n3A_69 : i32
      %ne3A_71 = arith.constant 0 : i32
      %ne3A_72 = arith.cmpi ne, %rem3A_70, %ne3A_71 : i32
      %lt3A_73 = arith.constant 0 : i32
      %lt3A_74 = arith.cmpi slt, %rem3A_70, %lt3A_73 : i32
      %lt3A_75 = arith.constant 0 : i32
      %lt3A_76 = arith.cmpi slt, %select_n3A_69, %lt3A_75 : i32
      %ne3A_77 = arith.xori %lt3A_74, %lt3A_76 : i1
      %and3A_78 = arith.andi %ne3A_77, %ne3A_72 : i1
      %add3A_79 = arith.addi %rem3A_70, %select_n3A_69 : i32
      %select_n3A_80 = arith.select %and3A_78, %add3A_79, %rem3A_70 : i32
      %mul3A_81 = arith.constant 16 : i32
      %mul3A_82 = arith.muli %select_n3A_80, %mul3A_81 : i32
      %swap3A = arith.index_cast %select_n3A : i32 to index
      %swap3A_83 = arith.index_cast %mul3A_82 : i32 to index
      %swap3A_84 = tpu.vector_load %arg10[%swap3A, %swap3A_83] {strides = array<i32>} : memref<128x128xf32, #tpu.memory_space<vmem>>, vector<1x16xf32>,
      %swap3A_85 = vector.shape_cast %swap3A_84 : vector<1x16xf32> to vector<16xf32>
      %swap3A_86 = vector.shape_cast %broadcast_in_dim3A_49 : vector<16xf32> to vector<1x16xf32>
      tpu.vector_store %arg10[%swap3A, %swap3A_83], %swap3A_86 {strides = array<i32>} : memref<128x128xf32, #tpu.memory_space<vmem>>, vector<1x16xf32>,
      %scan3A_87 = arith.constant 0 : i32
      scf.yield %scan3A_87 : i32
    }
    %scan3A_9 = arith.constant 1024 : i32
    %dma_wait3A = tpu.memref_slice %arg3[%mul3A_2] : memref<320000xi32, #tpu.memory_space<hbm>> -> memref<9984xi32, #tpu.memory_space<hbm>>
    %dma_wait3A_10 = tpu.memref_slice %arg3[%mul3A_2] : memref<320000xi32, #tpu.memory_space<hbm>> -> memref<9984xi32, #tpu.memory_space<hbm>>
    tpu.wait_dma2 semaphore(%arg13 : memref<!tpu.dma_semaphore, #tpu.memory_space<semaphore_mem>>) src(%dma_wait3A_10 : memref<9984xi32, #tpu.memory_space<hbm>>) dst(%arg6 : memref<9984xi32, #tpu.memory_space<vmem>>)
    %add3A_11 = arith.constant 0 : i32
    %add3A_12 = arith.addi %mul3A_2, %add3A_11 : i32
    %dma_start3A_13 = tpu.memref_slice %arg4[%add3A_12] : memref<320000xi32, #tpu.memory_space<hbm>> -> memref<128xi32, #tpu.memory_space<hbm>>
    %dma_start3A_14 = tpu.memref_slice %arg4[%add3A_12] : memref<320000xi32, #tpu.memory_space<hbm>> -> memref<128xi32, #tpu.memory_space<hbm>>
    tpu.enqueue_dma source(%dma_start3A_14 : memref<128xi32, #tpu.memory_space<hbm>>) target(%arg7 : memref<128xi32, #tpu.memory_space<vmem>>) target_semaphore(%arg12 : memref<!tpu.dma_semaphore, #tpu.memory_space<semaphore_mem>>)
    %dma_start3A_15 = arith.constant 0 : i32
    %dma_start3A_16 = tpu.memref_slice %arg6[%dma_start3A_15] : memref<9984xi32, #tpu.memory_space<vmem>> -> memref<128xi32, #tpu.memory_space<vmem>>
    %dma_start3A_17 = arith.constant 0 : i32
    %dma_start3A_18 = arith.constant 0 : i32
    %dma_start3A_19 = tpu.memref_slice %arg2[%dma_start3A_17, %dma_start3A_18] : memref<10000x128xf32, #tpu.memory_space<hbm>> -> memref<10000x128xf32, #tpu.memory_space<hbm>>
    tpu.enqueue_indirect_dma source(%dma_start3A_19 : memref<10000x128xf32, #tpu.memory_space<hbm>>) target(%arg9 : memref<128x128xf32, #tpu.memory_space<vmem>>) offsets(%dma_start3A_16 : memref<128xi32, #tpu.memory_space<vmem>>) semaphore(%arg12 : memref<!tpu.dma_semaphore, #tpu.memory_space<semaphore_mem>>)
    %scan3A_20 = arith.constant 0 : i32
    %scan3A_21 = arith.constant 0 : i32
    %scan3A_22 = arith.constant 5 : i32
    %scan3A_23 = arith.addi %scan3A_21, %scan3A_22 : i32
    %scan3A_24 = arith.constant 1 : i32
    %scan3A_25 = scf.for %scan3A_47 = %scan3A_21 to %scan3A_23 step %scan3A_24 iter_args(%scan3A_48 = %scan3A_20) -> (i32)  : i32 {
      %mul3A_49 = arith.constant 16 : i32
      %mul3A_50 = arith.muli %scan3A_47, %mul3A_49 : i32
      %add3A_51 = arith.addi %arg1, %mul3A_50 : i32
      %lt3A_52 = arith.constant 78 : i32
      %lt3A_53 = arith.cmpi slt, %add3A_51, %lt3A_52 : i32
      %convert_element_type3A_54 = arith.extui %lt3A_53 : i1 to i32
      %cond3A_55 = arith.constant 0 : i32
      %cond3A_56 = arith.cmpi ne, %convert_element_type3A_54, %cond3A_55 : i32
      scf.if %cond3A_56 {
        %mul3A_62 = arith.constant 128 : i32
        %mul3A_63 = arith.muli %add3A_51, %mul3A_62 : i32
        "tpu.region"() ({
          %run_scoped3A = tpu.sem_alloc : memref<!tpu.dma_semaphore, #tpu.memory_space<semaphore_mem>>
          %dma_start3A_64 = arith.constant 0 : i32
          %dma_start3A_65 = tpu.memref_slice %arg11[%mul3A_63, %dma_start3A_64] : memref<10000x128xf32, #tpu.memory_space<vmem_shared>> -> memref<128x128xf32, #tpu.memory_space<vmem_shared>>
          %dma_start3A_66 = arith.constant 0 : i32
          %dma_start3A_67 = tpu.memref_slice %arg11[%mul3A_63, %dma_start3A_66] : memref<10000x128xf32, #tpu.memory_space<vmem_shared>> -> memref<128x128xf32, #tpu.memory_space<vmem_shared>>
          tpu.enqueue_dma source(%arg10 : memref<128x128xf32, #tpu.memory_space<vmem>>) target(%dma_start3A_67 : memref<128x128xf32, #tpu.memory_space<vmem_shared>>) target_semaphore(%run_scoped3A : memref<!tpu.dma_semaphore, #tpu.memory_space<semaphore_mem>>)
          %dma_wait3A_68 = arith.constant 0 : i32
          %dma_wait3A_69 = tpu.memref_slice %arg11[%mul3A_63, %dma_wait3A_68] : memref<10000x128xf32, #tpu.memory_space<vmem_shared>> -> memref<128x128xf32, #tpu.memory_space<vmem_shared>>
          %dma_wait3A_70 = arith.constant 0 : i32
          %dma_wait3A_71 = tpu.memref_slice %arg11[%mul3A_63, %dma_wait3A_70] : memref<10000x128xf32, #tpu.memory_space<vmem_shared>> -> memref<128x128xf32, #tpu.memory_space<vmem_shared>>
          tpu.wait_dma2 semaphore(%run_scoped3A : memref<!tpu.dma_semaphore, #tpu.memory_space<semaphore_mem>>) src(%arg10 : memref<128x128xf32, #tpu.memory_space<vmem>>) dst(%dma_wait3A_71 : memref<128x128xf32, #tpu.memory_space<vmem_shared>>)
          tpu.yield
        }) : () -> ()
      } else {
      }
      %eq3A = arith.constant 78 : i32
      %eq3A_57 = arith.cmpi eq, %add3A_51, %eq3A : i32
      %convert_element_type3A_58 = arith.extui %eq3A_57 : i1 to i32
      %cond3A_59 = arith.constant 0 : i32
      %cond3A_60 = arith.cmpi ne, %convert_element_type3A_58, %cond3A_59 : i32
      scf.if %cond3A_60 {
        "tpu.region"() ({
          %run_scoped3A = tpu.sem_alloc : memref<!tpu.dma_semaphore, #tpu.memory_space<semaphore_mem>>
          %dma_start3A_62 = arith.constant 0 : i32
          %dma_start3A_63 = arith.constant 0 : i32
          %dma_start3A_64 = tpu.memref_slice %arg10[%dma_start3A_62, %dma_start3A_63] : memref<128x128xf32, #tpu.memory_space<vmem>> -> memref<16x128xf32, #tpu.memory_space<vmem>>
          %dma_start3A_65 = arith.constant 9984 : i32
          %dma_start3A_66 = arith.constant 0 : i32
          %dma_start3A_67 = tpu.memref_slice %arg11[%dma_start3A_65, %dma_start3A_66] : memref<10000x128xf32, #tpu.memory_space<vmem_shared>> -> memref<16x128xf32, #tpu.memory_space<vmem_shared>>
          %dma_start3A_68 = arith.constant 9984 : i32
          %dma_start3A_69 = arith.constant 0 : i32
          %dma_start3A_70 = tpu.memref_slice %arg11[%dma_start3A_68, %dma_start3A_69] : memref<10000x128xf32, #tpu.memory_space<vmem_shared>> -> memref<16x128xf32, #tpu.memory_space<vmem_shared>>
          %dma_start3A_71 = arith.constant 0 : i32
          %dma_start3A_72 = arith.constant 0 : i32
          %dma_start3A_73 = tpu.memref_slice %arg10[%dma_start3A_71, %dma_start3A_72] : memref<128x128xf32, #tpu.memory_space<vmem>> -> memref<16x128xf32, #tpu.memory_space<vmem>>
          tpu.enqueue_dma source(%dma_start3A_73 : memref<16x128xf32, #tpu.memory_space<vmem>>) target(%dma_start3A_70 : memref<16x128xf32, #tpu.memory_space<vmem_shared>>) target_semaphore(%run_scoped3A : memref<!tpu.dma_semaphore, #tpu.memory_space<semaphore_mem>>)
          %dma_wait3A_74 = arith.constant 0 : i32
          %dma_wait3A_75 = arith.constant 0 : i32
          %dma_wait3A_76 = tpu.memref_slice %arg10[%dma_wait3A_74, %dma_wait3A_75] : memref<128x128xf32, #tpu.memory_space<vmem>> -> memref<16x128xf32, #tpu.memory_space<vmem>>
          %dma_wait3A_77 = arith.constant 9984 : i32
          %dma_wait3A_78 = arith.constant 0 : i32
          %dma_wait3A_79 = tpu.memref_slice %arg11[%dma_wait3A_77, %dma_wait3A_78] : memref<10000x128xf32, #tpu.memory_space<vmem_shared>> -> memref<16x128xf32, #tpu.memory_space<vmem_shared>>
          %dma_wait3A_80 = arith.constant 9984 : i32
          %dma_wait3A_81 = arith.constant 0 : i32
          %dma_wait3A_82 = tpu.memref_slice %arg11[%dma_wait3A_80, %dma_wait3A_81] : memref<10000x128xf32, #tpu.memory_space<vmem_shared>> -> memref<16x128xf32, #tpu.memory_space<vmem_shared>>
          %dma_wait3A_83 = arith.constant 0 : i32
          %dma_wait3A_84 = arith.constant 0 : i32
          %dma_wait3A_85 = tpu.memref_slice %arg10[%dma_wait3A_83, %dma_wait3A_84] : memref<128x128xf32, #tpu.memory_space<vmem>> -> memref<16x128xf32, #tpu.memory_space<vmem>>
          tpu.wait_dma2 semaphore(%run_scoped3A : memref<!tpu.dma_semaphore, #tpu.memory_space<semaphore_mem>>) src(%dma_wait3A_85 : memref<16x128xf32, #tpu.memory_space<vmem>>) dst(%dma_wait3A_82 : memref<16x128xf32, #tpu.memory_space<vmem_shared>>)
          tpu.yield
        }) : () -> ()
      } else {
      }
      %scan3A_61 = arith.constant 0 : i32
      scf.yield %scan3A_61 : i32
    }
    %scan3A_26 = arith.constant 5 : i32
    %barrier3A = arith.constant 0 : index
    tpu.barrier barrier_id(%barrier3A)
    %scan3A_27 = arith.constant 0 : i32
    %scan3A_28 = arith.constant 0 : i32
    %scan3A_29 = arith.constant 39 : i32
    %scan3A_30 = arith.addi %scan3A_28, %scan3A_29 : i32
    %scan3A_31 = arith.constant 1 : i32
    %scan3A_32 = scf.for %scan3A_47 = %scan3A_28 to %scan3A_30 step %scan3A_31 iter_args(%scan3A_48 = %scan3A_27) -> (i32)  : i32 {
      %mul3A_49 = arith.constant 2 : i32
      %mul3A_50 = arith.muli %scan3A_47, %mul3A_49 : i32
      %add3A_51 = arith.constant 0 : i32
      %add3A_52 = arith.addi %mul3A_50, %add3A_51 : i32
      %dma_wait3A_53 = tpu.memref_slice %arg4[%mul3A_2] : memref<320000xi32, #tpu.memory_space<hbm>> -> memref<128xi32, #tpu.memory_space<hbm>>
      %dma_wait3A_54 = tpu.memref_slice %arg4[%mul3A_2] : memref<320000xi32, #tpu.memory_space<hbm>> -> memref<128xi32, #tpu.memory_space<hbm>>
      tpu.wait_dma2 semaphore(%arg12 : memref<!tpu.dma_semaphore, #tpu.memory_space<semaphore_mem>>) src(%dma_wait3A_54 : memref<128xi32, #tpu.memory_space<hbm>>) dst(%arg7 : memref<128xi32, #tpu.memory_space<vmem>>)
      %dma_wait3A_55 = arith.constant 0 : i32
      %dma_wait3A_56 = tpu.memref_slice %arg6[%dma_wait3A_55] : memref<9984xi32, #tpu.memory_space<vmem>> -> memref<128xi32, #tpu.memory_space<vmem>>
      %dma_wait3A_57 = arith.constant 0 : i32
      %dma_wait3A_58 = arith.constant 0 : i32
      %dma_wait3A_59 = tpu.memref_slice %arg2[%dma_wait3A_57, %dma_wait3A_58] : memref<10000x128xf32, #tpu.memory_space<hbm>> -> memref<10000x128xf32, #tpu.memory_space<hbm>>
      tpu.wait_indirect_dma semaphore(%arg12 : memref<!tpu.dma_semaphore, #tpu.memory_space<semaphore_mem>>) src(%dma_wait3A_59 : memref<10000x128xf32, #tpu.memory_space<hbm>>) dst(%arg9 : memref<128x128xf32, #tpu.memory_space<vmem>>)
      %ge3A = arith.constant 1 : i32
      %ge3A_60 = arith.cmpi sge, %add3A_52, %ge3A : i32
      %convert_element_type3A_61 = arith.extui %ge3A_60 : i1 to i32
      %cond3A_62 = arith.constant 0 : i32
      %cond3A_63 = arith.cmpi ne, %convert_element_type3A_61, %cond3A_62 : i32
      scf.if %cond3A_63 {
        %dma_wait3A_101 = arith.constant 0 : i32
        %dma_wait3A_102 = arith.constant 0 : i32
        %dma_wait3A_103 = tpu.memref_slice %arg11[%dma_wait3A_101, %dma_wait3A_102] : memref<10000x128xf32, #tpu.memory_space<vmem_shared>> -> memref<10000x128xf32, #tpu.memory_space<vmem_shared>>
        tpu.wait_indirect_dma semaphore(%arg16 : memref<!tpu.dma_semaphore, #tpu.memory_space<semaphore_mem>>) src(%arg10 : memref<128x128xf32, #tpu.memory_space<vmem>>) dst(%dma_wait3A_103 : memref<10000x128xf32, #tpu.memory_space<vmem_shared>>)
      } else {
      }
      %add3A_64 = arith.constant 1 : i32
      %add3A_65 = arith.addi %add3A_52, %add3A_64 : i32
      %lt3A_66 = arith.constant 78 : i32
      %lt3A_67 = arith.cmpi slt, %add3A_65, %lt3A_66 : i32
      %convert_element_type3A_68 = arith.extui %lt3A_67 : i1 to i32
      %cond3A_69 = arith.constant 0 : i32
      %cond3A_70 = arith.cmpi ne, %convert_element_type3A_68, %cond3A_69 : i32
      scf.if %cond3A_70 {
        %add3A_101 = arith.constant 1 : i32
        %add3A_102 = arith.addi %add3A_52, %add3A_101 : i32
        %mul3A_103 = arith.constant 128 : i32
        %mul3A_104 = arith.muli %add3A_102, %mul3A_103 : i32
        %add3A_105 = arith.addi %mul3A_2, %mul3A_104 : i32
        %dma_start3A_106 = tpu.memref_slice %arg4[%add3A_105] : memref<320000xi32, #tpu.memory_space<hbm>> -> memref<128xi32, #tpu.memory_space<hbm>>
        %dma_start3A_107 = tpu.memref_slice %arg4[%add3A_105] : memref<320000xi32, #tpu.memory_space<hbm>> -> memref<128xi32, #tpu.memory_space<hbm>>
        tpu.enqueue_dma source(%dma_start3A_107 : memref<128xi32, #tpu.memory_space<hbm>>) target(%arg8 : memref<128xi32, #tpu.memory_space<vmem>>) target_semaphore(%arg15 : memref<!tpu.dma_semaphore, #tpu.memory_space<semaphore_mem>>)
        %mul3A_108 = arith.constant 128 : i32
        %mul3A_109 = arith.muli %add3A_102, %mul3A_108 : i32
        %dma_start3A_110 = tpu.memref_slice %arg6[%mul3A_109] : memref<9984xi32, #tpu.memory_space<vmem>> -> memref<128xi32, #tpu.memory_space<vmem>>
        %dma_start3A_111 = arith.constant 0 : i32
        %dma_start3A_112 = arith.constant 0 : i32
        %dma_start3A_113 = tpu.memref_slice %arg2[%dma_start3A_111, %dma_start3A_112] : memref<10000x128xf32, #tpu.memory_space<hbm>> -> memref<10000x128xf32, #tpu.memory_space<hbm>>
        tpu.enqueue_indirect_dma source(%dma_start3A_113 : memref<10000x128xf32, #tpu.memory_space<hbm>>) target(%arg10 : memref<128x128xf32, #tpu.memory_space<vmem>>) offsets(%dma_start3A_110 : memref<128xi32, #tpu.memory_space<vmem>>) semaphore(%arg15 : memref<!tpu.dma_semaphore, #tpu.memory_space<semaphore_mem>>)
      } else {
      }
      %dma_start3A_71 = arith.constant 0 : i32
      %dma_start3A_72 = arith.constant 0 : i32
      %dma_start3A_73 = tpu.memref_slice %arg11[%dma_start3A_71, %dma_start3A_72] : memref<10000x128xf32, #tpu.memory_space<vmem_shared>> -> memref<10000x128xf32, #tpu.memory_space<vmem_shared>>
      tpu.enqueue_indirect_dma source(%arg9 : memref<128x128xf32, #tpu.memory_space<vmem>>) target(%dma_start3A_73 : memref<10000x128xf32, #tpu.memory_space<vmem_shared>>) offsets(%arg7 : memref<128xi32, #tpu.memory_space<vmem>>) semaphore(%arg14 : memref<!tpu.dma_semaphore, #tpu.memory_space<semaphore_mem>>) {add = true}
      %mul3A_74 = arith.constant 2 : i32
      %mul3A_75 = arith.muli %scan3A_47, %mul3A_74 : i32
      %add3A_76 = arith.constant 1 : i32
      %add3A_77 = arith.addi %mul3A_75, %add3A_76 : i32
      %dma_wait3A_78 = tpu.memref_slice %arg4[%mul3A_2] : memref<320000xi32, #tpu.memory_space<hbm>> -> memref<128xi32, #tpu.memory_space<hbm>>
      %dma_wait3A_79 = tpu.memref_slice %arg4[%mul3A_2] : memref<320000xi32, #tpu.memory_space<hbm>> -> memref<128xi32, #tpu.memory_space<hbm>>
      tpu.wait_dma2 semaphore(%arg15 : memref<!tpu.dma_semaphore, #tpu.memory_space<semaphore_mem>>) src(%dma_wait3A_79 : memref<128xi32, #tpu.memory_space<hbm>>) dst(%arg8 : memref<128xi32, #tpu.memory_space<vmem>>)
      %dma_wait3A_80 = arith.constant 0 : i32
      %dma_wait3A_81 = tpu.memref_slice %arg6[%dma_wait3A_80] : memref<9984xi32, #tpu.memory_space<vmem>> -> memref<128xi32, #tpu.memory_space<vmem>>
      %dma_wait3A_82 = arith.constant 0 : i32
      %dma_wait3A_83 = arith.constant 0 : i32
      %dma_wait3A_84 = tpu.memref_slice %arg2[%dma_wait3A_82, %dma_wait3A_83] : memref<10000x128xf32, #tpu.memory_space<hbm>> -> memref<10000x128xf32, #tpu.memory_space<hbm>>
      tpu.wait_indirect_dma semaphore(%arg15 : memref<!tpu.dma_semaphore, #tpu.memory_space<semaphore_mem>>) src(%dma_wait3A_84 : memref<10000x128xf32, #tpu.memory_space<hbm>>) dst(%arg10 : memref<128x128xf32, #tpu.memory_space<vmem>>)
      %ge3A_85 = arith.constant 1 : i32
      %ge3A_86 = arith.cmpi sge, %add3A_77, %ge3A_85 : i32
      %convert_element_type3A_87 = arith.extui %ge3A_86 : i1 to i32
      %cond3A_88 = arith.constant 0 : i32
      %cond3A_89 = arith.cmpi ne, %convert_element_type3A_87, %cond3A_88 : i32
      scf.if %cond3A_89 {
        %dma_wait3A_101 = arith.constant 0 : i32
        %dma_wait3A_102 = arith.constant 0 : i32
        %dma_wait3A_103 = tpu.memref_slice %arg11[%dma_wait3A_101, %dma_wait3A_102] : memref<10000x128xf32, #tpu.memory_space<vmem_shared>> -> memref<10000x128xf32, #tpu.memory_space<vmem_shared>>
        tpu.wait_indirect_dma semaphore(%arg14 : memref<!tpu.dma_semaphore, #tpu.memory_space<semaphore_mem>>) src(%arg9 : memref<128x128xf32, #tpu.memory_space<vmem>>) dst(%dma_wait3A_103 : memref<10000x128xf32, #tpu.memory_space<vmem_shared>>)
      } else {
      }
      %add3A_90 = arith.constant 1 : i32
      %add3A_91 = arith.addi %add3A_77, %add3A_90 : i32
      %lt3A_92 = arith.constant 78 : i32
      %lt3A_93 = arith.cmpi slt, %add3A_91, %lt3A_92 : i32
      %convert_element_type3A_94 = arith.extui %lt3A_93 : i1 to i32
      %cond3A_95 = arith.constant 0 : i32
      %cond3A_96 = arith.cmpi ne, %convert_element_type3A_94, %cond3A_95 : i32
      scf.if %cond3A_96 {
        %add3A_101 = arith.constant 1 : i32
        %add3A_102 = arith.addi %add3A_77, %add3A_101 : i32
        %mul3A_103 = arith.constant 128 : i32
        %mul3A_104 = arith.muli %add3A_102, %mul3A_103 : i32
        %add3A_105 = arith.addi %mul3A_2, %mul3A_104 : i32
        %dma_start3A_106 = tpu.memref_slice %arg4[%add3A_105] : memref<320000xi32, #tpu.memory_space<hbm>> -> memref<128xi32, #tpu.memory_space<hbm>>
        %dma_start3A_107 = tpu.memref_slice %arg4[%add3A_105] : memref<320000xi32, #tpu.memory_space<hbm>> -> memref<128xi32, #tpu.memory_space<hbm>>
        tpu.enqueue_dma source(%dma_start3A_107 : memref<128xi32, #tpu.memory_space<hbm>>) target(%arg7 : memref<128xi32, #tpu.memory_space<vmem>>) target_semaphore(%arg12 : memref<!tpu.dma_semaphore, #tpu.memory_space<semaphore_mem>>)
        %mul3A_108 = arith.constant 128 : i32
        %mul3A_109 = arith.muli %add3A_102, %mul3A_108 : i32
        %dma_start3A_110 = tpu.memref_slice %arg6[%mul3A_109] : memref<9984xi32, #tpu.memory_space<vmem>> -> memref<128xi32, #tpu.memory_space<vmem>>
        %dma_start3A_111 = arith.constant 0 : i32
        %dma_start3A_112 = arith.constant 0 : i32
        %dma_start3A_113 = tpu.memref_slice %arg2[%dma_start3A_111, %dma_start3A_112] : memref<10000x128xf32, #tpu.memory_space<hbm>> -> memref<10000x128xf32, #tpu.memory_space<hbm>>
        tpu.enqueue_indirect_dma source(%dma_start3A_113 : memref<10000x128xf32, #tpu.memory_space<hbm>>) target(%arg9 : memref<128x128xf32, #tpu.memory_space<vmem>>) offsets(%dma_start3A_110 : memref<128xi32, #tpu.memory_space<vmem>>) semaphore(%arg12 : memref<!tpu.dma_semaphore, #tpu.memory_space<semaphore_mem>>)
      } else {
      }
      %dma_start3A_97 = arith.constant 0 : i32
      %dma_start3A_98 = arith.constant 0 : i32
      %dma_start3A_99 = tpu.memref_slice %arg11[%dma_start3A_97, %dma_start3A_98] : memref<10000x128xf32, #tpu.memory_space<vmem_shared>> -> memref<10000x128xf32, #tpu.memory_space<vmem_shared>>
      tpu.enqueue_indirect_dma source(%arg10 : memref<128x128xf32, #tpu.memory_space<vmem>>) target(%dma_start3A_99 : memref<10000x128xf32, #tpu.memory_space<vmem_shared>>) offsets(%arg8 : memref<128xi32, #tpu.memory_space<vmem>>) semaphore(%arg16 : memref<!tpu.dma_semaphore, #tpu.memory_space<semaphore_mem>>) {add = true}
      %scan3A_100 = arith.constant 0 : i32
      scf.yield %scan3A_100 : i32
    }
    %scan3A_33 = arith.constant 39 : i32
    %dma_wait3A_34 = arith.constant 0 : i32
    %dma_wait3A_35 = arith.constant 0 : i32
    %dma_wait3A_36 = tpu.memref_slice %arg11[%dma_wait3A_34, %dma_wait3A_35] : memref<10000x128xf32, #tpu.memory_space<vmem_shared>> -> memref<10000x128xf32, #tpu.memory_space<vmem_shared>>
    tpu.wait_indirect_dma semaphore(%arg16 : memref<!tpu.dma_semaphore, #tpu.memory_space<semaphore_mem>>) src(%arg10 : memref<128x128xf32, #tpu.memory_space<vmem>>) dst(%dma_wait3A_36 : memref<10000x128xf32, #tpu.memory_space<vmem_shared>>)
    %lt3A = arith.constant 4 : i32
    %lt3A_37 = arith.cmpi slt, %add3A, %lt3A : i32
    %convert_element_type3A = arith.extui %lt3A_37 : i1 to i32
    %cond3A = arith.constant 0 : i32
    %cond3A_38 = arith.cmpi ne, %convert_element_type3A, %cond3A : i32
    scf.if %cond3A_38 {
      %mul3A_47 = arith.constant 128 : i32
      %mul3A_48 = arith.muli %add3A, %mul3A_47 : i32
      %add3A_49 = arith.constant 319488 : i32
      %add3A_50 = arith.addi %add3A_49, %mul3A_48 : i32
      "tpu.region"() ({
        %run_scoped3A = tpu.sem_alloc : memref<!tpu.dma_semaphore, #tpu.memory_space<semaphore_mem>>
        %dma_start3A_57 = tpu.memref_slice %arg3[%add3A_50] : memref<320000xi32, #tpu.memory_space<hbm>> -> memref<128xi32, #tpu.memory_space<hbm>>
        %dma_start3A_58 = tpu.memref_slice %arg3[%add3A_50] : memref<320000xi32, #tpu.memory_space<hbm>> -> memref<128xi32, #tpu.memory_space<hbm>>
        tpu.enqueue_dma source(%dma_start3A_58 : memref<128xi32, #tpu.memory_space<hbm>>) target(%arg8 : memref<128xi32, #tpu.memory_space<vmem>>) target_semaphore(%run_scoped3A : memref<!tpu.dma_semaphore, #tpu.memory_space<semaphore_mem>>)
        %dma_wait3A_59 = tpu.memref_slice %arg3[%add3A_50] : memref<320000xi32, #tpu.memory_space<hbm>> -> memref<128xi32, #tpu.memory_space<hbm>>
        %dma_wait3A_60 = tpu.memref_slice %arg3[%add3A_50] : memref<320000xi32, #tpu.memory_space<hbm>> -> memref<128xi32, #tpu.memory_space<hbm>>
        tpu.wait_dma2 semaphore(%run_scoped3A : memref<!tpu.dma_semaphore, #tpu.memory_space<semaphore_mem>>) src(%dma_wait3A_60 : memref<128xi32, #tpu.memory_space<hbm>>) dst(%arg8 : memref<128xi32, #tpu.memory_space<vmem>>)
        tpu.yield
      }) : () -> ()
      "tpu.region"() ({
        %run_scoped3A = tpu.sem_alloc : memref<!tpu.dma_semaphore, #tpu.memory_space<semaphore_mem>>
        %dma_start3A_57 = tpu.memref_slice %arg4[%add3A_50] : memref<320000xi32, #tpu.memory_space<hbm>> -> memref<128xi32, #tpu.memory_space<hbm>>
        %dma_start3A_58 = tpu.memref_slice %arg4[%add3A_50] : memref<320000xi32, #tpu.memory_space<hbm>> -> memref<128xi32, #tpu.memory_space<hbm>>
        tpu.enqueue_dma source(%dma_start3A_58 : memref<128xi32, #tpu.memory_space<hbm>>) target(%arg7 : memref<128xi32, #tpu.memory_space<vmem>>) target_semaphore(%run_scoped3A : memref<!tpu.dma_semaphore, #tpu.memory_space<semaphore_mem>>)
        %dma_wait3A_59 = tpu.memref_slice %arg4[%add3A_50] : memref<320000xi32, #tpu.memory_space<hbm>> -> memref<128xi32, #tpu.memory_space<hbm>>
        %dma_wait3A_60 = tpu.memref_slice %arg4[%add3A_50] : memref<320000xi32, #tpu.memory_space<hbm>> -> memref<128xi32, #tpu.memory_space<hbm>>
        tpu.wait_dma2 semaphore(%run_scoped3A : memref<!tpu.dma_semaphore, #tpu.memory_space<semaphore_mem>>) src(%dma_wait3A_60 : memref<128xi32, #tpu.memory_space<hbm>>) dst(%arg7 : memref<128xi32, #tpu.memory_space<vmem>>)
        tpu.yield
      }) : () -> ()
      %dma_start3A_51 = arith.constant 0 : i32
      %dma_start3A_52 = arith.constant 0 : i32
      %dma_start3A_53 = tpu.memref_slice %arg2[%dma_start3A_51, %dma_start3A_52] : memref<10000x128xf32, #tpu.memory_space<hbm>> -> memref<10000x128xf32, #tpu.memory_space<hbm>>
      tpu.enqueue_indirect_dma source(%dma_start3A_53 : memref<10000x128xf32, #tpu.memory_space<hbm>>) target(%arg9 : memref<128x128xf32, #tpu.memory_space<vmem>>) offsets(%arg8 : memref<128xi32, #tpu.memory_space<vmem>>) semaphore(%arg12 : memref<!tpu.dma_semaphore, #tpu.memory_space<semaphore_mem>>)
      %dma_wait3A_54 = arith.constant 0 : i32
      %dma_wait3A_55 = arith.constant 0 : i32
      %dma_wait3A_56 = tpu.memref_slice %arg2[%dma_wait3A_54, %dma_wait3A_55] : memref<10000x128xf32, #tpu.memory_space<hbm>> -> memref<10000x128xf32, #tpu.memory_space<hbm>>
      tpu.wait_indirect_dma semaphore(%arg12 : memref<!tpu.dma_semaphore, #tpu.memory_space<semaphore_mem>>) src(%dma_wait3A_56 : memref<10000x128xf32, #tpu.memory_space<hbm>>) dst(%arg9 : memref<128x128xf32, #tpu.memory_space<vmem>>)
      "tpu.region"() ({
        %run_scoped3A = tpu.sem_alloc : memref<!tpu.dma_semaphore, #tpu.memory_space<semaphore_mem>>
        %dma_start3A_57 = arith.constant 0 : i32
        %dma_start3A_58 = arith.constant 0 : i32
        %dma_start3A_59 = tpu.memref_slice %arg11[%dma_start3A_57, %dma_start3A_58] : memref<10000x128xf32, #tpu.memory_space<vmem_shared>> -> memref<10000x128xf32, #tpu.memory_space<vmem_shared>>
        tpu.enqueue_indirect_dma source(%arg9 : memref<128x128xf32, #tpu.memory_space<vmem>>) target(%dma_start3A_59 : memref<10000x128xf32, #tpu.memory_space<vmem_shared>>) offsets(%arg7 : memref<128xi32, #tpu.memory_space<vmem>>) semaphore(%run_scoped3A : memref<!tpu.dma_semaphore, #tpu.memory_space<semaphore_mem>>) {add = true}
        %dma_wait3A_60 = arith.constant 0 : i32
        %dma_wait3A_61 = arith.constant 0 : i32
        %dma_wait3A_62 = tpu.memref_slice %arg11[%dma_wait3A_60, %dma_wait3A_61] : memref<10000x128xf32, #tpu.memory_space<vmem_shared>> -> memref<10000x128xf32, #tpu.memory_space<vmem_shared>>
        tpu.wait_indirect_dma semaphore(%run_scoped3A : memref<!tpu.dma_semaphore, #tpu.memory_space<semaphore_mem>>) src(%arg9 : memref<128x128xf32, #tpu.memory_space<vmem>>) dst(%dma_wait3A_62 : memref<10000x128xf32, #tpu.memory_space<vmem_shared>>)
        tpu.yield
      }) : () -> ()
    } else {
    }
    %barrier3A_39 = arith.constant 0 : index
    tpu.barrier barrier_id(%barrier3A_39)
    %scan3A_40 = arith.constant 0 : i32
    %scan3A_41 = arith.constant 0 : i32
    %scan3A_42 = arith.constant 5 : i32
    %scan3A_43 = arith.addi %scan3A_41, %scan3A_42 : i32
    %scan3A_44 = arith.constant 1 : i32
    %scan3A_45 = scf.for %scan3A_47 = %scan3A_41 to %scan3A_43 step %scan3A_44 iter_args(%scan3A_48 = %scan3A_40) -> (i32)  : i32 {
      %mul3A_49 = arith.constant 16 : i32
      %mul3A_50 = arith.muli %scan3A_47, %mul3A_49 : i32
      %add3A_51 = arith.addi %arg1, %mul3A_50 : i32
      %lt3A_52 = arith.constant 78 : i32
      %lt3A_53 = arith.cmpi slt, %add3A_51, %lt3A_52 : i32
      %convert_element_type3A_54 = arith.extui %lt3A_53 : i1 to i32
      %cond3A_55 = arith.constant 0 : i32
      %cond3A_56 = arith.cmpi ne, %convert_element_type3A_54, %cond3A_55 : i32
      scf.if %cond3A_56 {
        %mul3A_62 = arith.constant 128 : i32
        %mul3A_63 = arith.muli %add3A_51, %mul3A_62 : i32
        %mul3A_64 = arith.constant 128 : i32
        %mul3A_65 = arith.muli %add3A_51, %mul3A_64 : i32
        "tpu.region"() ({
          %run_scoped3A = tpu.sem_alloc : memref<!tpu.dma_semaphore, #tpu.memory_space<semaphore_mem>>
          %dma_start3A_66 = arith.constant 0 : i32
          %dma_start3A_67 = tpu.memref_slice %arg5[%arg0, %mul3A_65, %dma_start3A_66] : memref<2x10000x128xf32, #tpu.memory_space<hbm>> -> memref<1x128x128xf32, #tpu.memory_space<hbm>>
          %dma_start3A_68 = tpu.memref_squeeze %dma_start3A_67 : memref<1x128x128xf32, #tpu.memory_space<hbm>> -> memref<128x128xf32, #tpu.memory_space<hbm>>
          %dma_start3A_69 = arith.constant 0 : i32
          %dma_start3A_70 = tpu.memref_slice %arg11[%mul3A_63, %dma_start3A_69] : memref<10000x128xf32, #tpu.memory_space<vmem_shared>> -> memref<128x128xf32, #tpu.memory_space<vmem_shared>>
          tpu.enqueue_dma source(%dma_start3A_70 : memref<128x128xf32, #tpu.memory_space<vmem_shared>>) target(%dma_start3A_68 : memref<128x128xf32, #tpu.memory_space<hbm>>) target_semaphore(%run_scoped3A : memref<!tpu.dma_semaphore, #tpu.memory_space<semaphore_mem>>)
          %dma_wait3A_71 = arith.constant 0 : i32
          %dma_wait3A_72 = tpu.memref_slice %arg5[%arg0, %mul3A_65, %dma_wait3A_71] : memref<2x10000x128xf32, #tpu.memory_space<hbm>> -> memref<1x128x128xf32, #tpu.memory_space<hbm>>
          %dma_wait3A_73 = tpu.memref_squeeze %dma_wait3A_72 : memref<1x128x128xf32, #tpu.memory_space<hbm>> -> memref<128x128xf32, #tpu.memory_space<hbm>>
          %dma_wait3A_74 = arith.constant 0 : i32
          %dma_wait3A_75 = tpu.memref_slice %arg11[%mul3A_63, %dma_wait3A_74] : memref<10000x128xf32, #tpu.memory_space<vmem_shared>> -> memref<128x128xf32, #tpu.memory_space<vmem_shared>>
          tpu.wait_dma2 semaphore(%run_scoped3A : memref<!tpu.dma_semaphore, #tpu.memory_space<semaphore_mem>>) src(%dma_wait3A_75 : memref<128x128xf32, #tpu.memory_space<vmem_shared>>) dst(%dma_wait3A_73 : memref<128x128xf32, #tpu.memory_space<hbm>>)
          tpu.yield
        }) : () -> ()
      } else {
      }
      %eq3A = arith.constant 78 : i32
      %eq3A_57 = arith.cmpi eq, %add3A_51, %eq3A : i32
      %convert_element_type3A_58 = arith.extui %eq3A_57 : i1 to i32
      %cond3A_59 = arith.constant 0 : i32
      %cond3A_60 = arith.cmpi ne, %convert_element_type3A_58, %cond3A_59 : i32
      scf.if %cond3A_60 {
        "tpu.region"() ({
          %run_scoped3A = tpu.sem_alloc : memref<!tpu.dma_semaphore, #tpu.memory_space<semaphore_mem>>
          %dma_start3A_62 = arith.constant 9984 : i32
          %dma_start3A_63 = arith.constant 0 : i32
          %dma_start3A_64 = tpu.memref_slice %arg5[%arg0, %dma_start3A_62, %dma_start3A_63] : memref<2x10000x128xf32, #tpu.memory_space<hbm>> -> memref<1x16x128xf32, #tpu.memory_space<hbm>>
          %dma_start3A_65 = tpu.memref_squeeze %dma_start3A_64 : memref<1x16x128xf32, #tpu.memory_space<hbm>> -> memref<16x128xf32, #tpu.memory_space<hbm>>
          %dma_start3A_66 = arith.constant 9984 : i32
          %dma_start3A_67 = arith.constant 0 : i32
          %dma_start3A_68 = tpu.memref_slice %arg11[%dma_start3A_66, %dma_start3A_67] : memref<10000x128xf32, #tpu.memory_space<vmem_shared>> -> memref<16x128xf32, #tpu.memory_space<vmem_shared>>
          tpu.enqueue_dma source(%dma_start3A_68 : memref<16x128xf32, #tpu.memory_space<vmem_shared>>) target(%dma_start3A_65 : memref<16x128xf32, #tpu.memory_space<hbm>>) target_semaphore(%run_scoped3A : memref<!tpu.dma_semaphore, #tpu.memory_space<semaphore_mem>>)
          %dma_wait3A_69 = arith.constant 9984 : i32
          %dma_wait3A_70 = arith.constant 0 : i32
          %dma_wait3A_71 = tpu.memref_slice %arg5[%arg0, %dma_wait3A_69, %dma_wait3A_70] : memref<2x10000x128xf32, #tpu.memory_space<hbm>> -> memref<1x16x128xf32, #tpu.memory_space<hbm>>
          %dma_wait3A_72 = tpu.memref_squeeze %dma_wait3A_71 : memref<1x16x128xf32, #tpu.memory_space<hbm>> -> memref<16x128xf32, #tpu.memory_space<hbm>>
          %dma_wait3A_73 = arith.constant 9984 : i32
          %dma_wait3A_74 = arith.constant 0 : i32
          %dma_wait3A_75 = tpu.memref_slice %arg11[%dma_wait3A_73, %dma_wait3A_74] : memref<10000x128xf32, #tpu.memory_space<vmem_shared>> -> memref<16x128xf32, #tpu.memory_space<vmem_shared>>
          tpu.wait_dma2 semaphore(%run_scoped3A : memref<!tpu.dma_semaphore, #tpu.memory_space<semaphore_mem>>) src(%dma_wait3A_75 : memref<16x128xf32, #tpu.memory_space<vmem_shared>>) dst(%dma_wait3A_72 : memref<16x128xf32, #tpu.memory_space<hbm>>)
          tpu.yield
        }) : () -> ()
      } else {
      }
      %scan3A_61 = arith.constant 0 : i32
      scf.yield %scan3A_61 : i32
    }
    %scan3A_46 = arith.constant 5 : i32
    return
  }
}

#map = affine_map<(d0, d1) -> (0, 0)>
#map1 = affine_map<(d0, d1) -> (0)>
#map2 = affine_map<(d0, d1) -> (0, 0, 0)>
module attributes {stable_mosaic.version = 14 : i64} {
  func.func @_segsum_sc(%arg0: i32, %arg1: i32, %arg2: memref<10000x128xf32, #tpu.memory_space<hbm>>, %arg3: memref<320000xi32, #tpu.memory_space<hbm>>, %arg4: memref<320000xi32, #tpu.memory_space<hbm>>, %arg5: memref<2x10000x128xf32, #tpu.memory_space<hbm>>, %arg6: memref<9984xi32, #tpu.memory_space<vmem>>, %arg7: memref<128xi32, #tpu.memory_space<vmem>>, %arg8: memref<128xi32, #tpu.memory_space<vmem>>, %arg9: memref<128x128xf32, #tpu.memory_space<vmem>>, %arg10: memref<128x128xf32, #tpu.memory_space<vmem>>, %arg11: memref<10000x128xf32, #tpu.memory_space<vmem_shared>>, %arg12: memref<!tpu.dma_semaphore, #tpu.memory_space<semaphore_mem>>, %arg13: memref<!tpu.dma_semaphore, #tpu.memory_space<semaphore_mem>>, %arg14: memref<!tpu.dma_semaphore, #tpu.memory_space<semaphore_mem>>, %arg15: memref<!tpu.dma_semaphore, #tpu.memory_space<semaphore_mem>>, %arg16: memref<!tpu.dma_semaphore, #tpu.memory_space<semaphore_mem>>) attributes {dimension_semantics = [#tpu.dimension_semantics<core_parallel>, #tpu.dimension_semantics<subcore_parallel>], iteration_bounds = array<i64: 2, 16>, scalar_prefetch = 0 : i64, scratch_operands = 11 : i64, tpu.core_type = #tpu.core_type<sc_vector_subcore>, window_params = [{transform_indices = #map}, {transform_indices = #map1}, {transform_indices = #map1}, {transform_indices = #map2}]} {
    %mul3A = arith.constant 16 : i32
    %mul3A_0 = arith.muli %arg0, %mul3A : i32
    %add3A = arith.addi %mul3A_0, %arg1 : i32
    %mul3A_1 = arith.constant 9984 : i32
    %mul3A_2 = arith.muli %add3A, %mul3A_1 : i32
    %dma_start3A = tpu.memref_slice %arg3[%mul3A_2] : memref<320000xi32, #tpu.memory_space<hbm>> -> memref<9984xi32, #tpu.memory_space<hbm>>
    %dma_start3A_3 = tpu.memref_slice %arg3[%mul3A_2] : memref<320000xi32, #tpu.memory_space<hbm>> -> memref<9984xi32, #tpu.memory_space<hbm>>
    tpu.enqueue_dma source(%dma_start3A_3 : memref<9984xi32, #tpu.memory_space<hbm>>) target(%arg6 : memref<9984xi32, #tpu.memory_space<vmem>>) target_semaphore(%arg13 : memref<!tpu.dma_semaphore, #tpu.memory_space<semaphore_mem>>)
    %scan3A = arith.constant 0 : i32
    %scan3A_4 = arith.constant 0 : i32
    %scan3A_5 = arith.constant 1024 : i32
    %scan3A_6 = arith.addi %scan3A_4, %scan3A_5 : i32
    %scan3A_7 = arith.constant 1 : i32
    %scan3A_8 = scf.for %scan3A_47 = %scan3A_4 to %scan3A_6 step %scan3A_7 iter_args(%scan3A_48 = %scan3A) -> (i32)  : i32 {
      %broadcast_in_dim3A = arith.constant 0.000000e+00 : f32
      %broadcast_in_dim3A_49 = vector.broadcast %broadcast_in_dim3A : f32 to vector<16xf32>
      %jit3A = arith.constant 8 : i32
      %div3A = arith.divsi %scan3A_47, %jit3A : i32
      %sign3A = arith.constant 0 : i32
      %sign3A_50 = arith.cmpi sgt, %scan3A_47, %sign3A : i32
      %sign3A_51 = arith.extui %sign3A_50 : i1 to i32
      %sign3A_52 = arith.constant 0 : i32
      %sign3A_53 = arith.cmpi slt, %scan3A_47, %sign3A_52 : i32
      %sign3A_54 = arith.extui %sign3A_53 : i1 to i32
      %sign3A_55 = arith.subi %sign3A_51, %sign3A_54 : i32
      %sign3A_56 = arith.constant 0 : i32
      %sign3A_57 = arith.cmpi sgt, %jit3A, %sign3A_56 : i32
      %sign3A_58 = arith.extui %sign3A_57 : i1 to i32
      %sign3A_59 = arith.constant 0 : i32
      %sign3A_60 = arith.cmpi slt, %jit3A, %sign3A_59 : i32
      %sign3A_61 = arith.extui %sign3A_60 : i1 to i32
      %sign3A_62 = arith.subi %sign3A_58, %sign3A_61 : i32
      %ne3A = arith.cmpi ne, %sign3A_55, %sign3A_62 : i32
      %rem3A = arith.remsi %scan3A_47, %jit3A : i32
      %ne3A_63 = arith.constant 0 : i32
      %ne3A_64 = arith.cmpi ne, %rem3A, %ne3A_63 : i32
      %and3A = arith.andi %ne3A, %ne3A_64 : i1
      %sub3A = arith.constant 1 : i32
      %sub3A_65 = arith.subi %div3A, %sub3A : i32
      %select_n3A = arith.select %and3A, %sub3A_65, %div3A : i32
      %jit3A_66 = arith.constant 8 : i32
      %eq3A = arith.constant 0 : i32
      %eq3A_67 = arith.cmpi eq, %jit3A_66, %eq3A : i32
      %jit3A_68 = arith.constant 1 : i32
      %select_n3A_69 = arith.select %eq3A_67, %jit3A_68, %jit3A_66 : i32
      %rem3A_70 = arith.remsi %scan3A_47, %select_n3A_69 : i32
      %ne3A_71 = arith.constant 0 : i32
      %ne3A_72 = arith.cmpi ne, %rem3A_70, %ne3A_71 : i32
      %lt3A_73 = arith.constant 0 : i32
      %lt3A_74 = arith.cmpi slt, %rem3A_70, %lt3A_73 : i32
      %lt3A_75 = arith.constant 0 : i32
      %lt3A_76 = arith.cmpi slt, %select_n3A_69, %lt3A_75 : i32
      %ne3A_77 = arith.xori %lt3A_74, %lt3A_76 : i1
      %and3A_78 = arith.andi %ne3A_77, %ne3A_72 : i1
      %add3A_79 = arith.addi %rem3A_70, %select_n3A_69 : i32
      %select_n3A_80 = arith.select %and3A_78, %add3A_79, %rem3A_70 : i32
      %mul3A_81 = arith.constant 16 : i32
      %mul3A_82 = arith.muli %select_n3A_80, %mul3A_81 : i32
      %swap3A = arith.index_cast %select_n3A : i32 to index
      %swap3A_83 = arith.index_cast %mul3A_82 : i32 to index
      %swap3A_84 = tpu.vector_load %arg10[%swap3A, %swap3A_83] {strides = array<i32>} : memref<128x128xf32, #tpu.memory_space<vmem>>, vector<1x16xf32>,
      %swap3A_85 = vector.shape_cast %swap3A_84 : vector<1x16xf32> to vector<16xf32>
      %swap3A_86 = vector.shape_cast %broadcast_in_dim3A_49 : vector<16xf32> to vector<1x16xf32>
      tpu.vector_store %arg10[%swap3A, %swap3A_83], %swap3A_86 {strides = array<i32>} : memref<128x128xf32, #tpu.memory_space<vmem>>, vector<1x16xf32>,
      %scan3A_87 = arith.constant 0 : i32
      scf.yield %scan3A_87 : i32
    }
    %scan3A_9 = arith.constant 1024 : i32
    %dma_wait3A = tpu.memref_slice %arg3[%mul3A_2] : memref<320000xi32, #tpu.memory_space<hbm>> -> memref<9984xi32, #tpu.memory_space<hbm>>
    %dma_wait3A_10 = tpu.memref_slice %arg3[%mul3A_2] : memref<320000xi32, #tpu.memory_space<hbm>> -> memref<9984xi32, #tpu.memory_space<hbm>>
    tpu.wait_dma2 semaphore(%arg13 : memref<!tpu.dma_semaphore, #tpu.memory_space<semaphore_mem>>) src(%dma_wait3A_10 : memref<9984xi32, #tpu.memory_space<hbm>>) dst(%arg6 : memref<9984xi32, #tpu.memory_space<vmem>>)
    %add3A_11 = arith.constant 0 : i32
    %add3A_12 = arith.addi %mul3A_2, %add3A_11 : i32
    %dma_start3A_13 = tpu.memref_slice %arg4[%add3A_12] : memref<320000xi32, #tpu.memory_space<hbm>> -> memref<128xi32, #tpu.memory_space<hbm>>
    %dma_start3A_14 = tpu.memref_slice %arg4[%add3A_12] : memref<320000xi32, #tpu.memory_space<hbm>> -> memref<128xi32, #tpu.memory_space<hbm>>
    tpu.enqueue_dma source(%dma_start3A_14 : memref<128xi32, #tpu.memory_space<hbm>>) target(%arg7 : memref<128xi32, #tpu.memory_space<vmem>>) target_semaphore(%arg12 : memref<!tpu.dma_semaphore, #tpu.memory_space<semaphore_mem>>)
    %dma_start3A_15 = arith.constant 0 : i32
    %dma_start3A_16 = tpu.memref_slice %arg6[%dma_start3A_15] : memref<9984xi32, #tpu.memory_space<vmem>> -> memref<128xi32, #tpu.memory_space<vmem>>
    %dma_start3A_17 = arith.constant 0 : i32
    %dma_start3A_18 = arith.constant 0 : i32
    %dma_start3A_19 = tpu.memref_slice %arg2[%dma_start3A_17, %dma_start3A_18] : memref<10000x128xf32, #tpu.memory_space<hbm>> -> memref<10000x128xf32, #tpu.memory_space<hbm>>
    tpu.enqueue_indirect_dma source(%dma_start3A_19 : memref<10000x128xf32, #tpu.memory_space<hbm>>) target(%arg9 : memref<128x128xf32, #tpu.memory_space<vmem>>) offsets(%dma_start3A_16 : memref<128xi32, #tpu.memory_space<vmem>>) semaphore(%arg12 : memref<!tpu.dma_semaphore, #tpu.memory_space<semaphore_mem>>)
    %scan3A_20 = arith.constant 0 : i32
    %scan3A_21 = arith.constant 0 : i32
    %scan3A_22 = arith.constant 5 : i32
    %scan3A_23 = arith.addi %scan3A_21, %scan3A_22 : i32
    %scan3A_24 = arith.constant 1 : i32
    %scan3A_25 = scf.for %scan3A_47 = %scan3A_21 to %scan3A_23 step %scan3A_24 iter_args(%scan3A_48 = %scan3A_20) -> (i32)  : i32 {
      %mul3A_49 = arith.constant 16 : i32
      %mul3A_50 = arith.muli %scan3A_47, %mul3A_49 : i32
      %add3A_51 = arith.addi %arg1, %mul3A_50 : i32
      %lt3A_52 = arith.constant 78 : i32
      %lt3A_53 = arith.cmpi slt, %add3A_51, %lt3A_52 : i32
      %convert_element_type3A_54 = arith.extui %lt3A_53 : i1 to i32
      %cond3A_55 = arith.constant 0 : i32
      %cond3A_56 = arith.cmpi ne, %convert_element_type3A_54, %cond3A_55 : i32
      scf.if %cond3A_56 {
        %mul3A_62 = arith.constant 128 : i32
        %mul3A_63 = arith.muli %add3A_51, %mul3A_62 : i32
        "tpu.region"() ({
          %run_scoped3A = tpu.sem_alloc : memref<!tpu.dma_semaphore, #tpu.memory_space<semaphore_mem>>
          %dma_start3A_64 = arith.constant 0 : i32
          %dma_start3A_65 = tpu.memref_slice %arg11[%mul3A_63, %dma_start3A_64] : memref<10000x128xf32, #tpu.memory_space<vmem_shared>> -> memref<128x128xf32, #tpu.memory_space<vmem_shared>>
          %dma_start3A_66 = arith.constant 0 : i32
          %dma_start3A_67 = tpu.memref_slice %arg11[%mul3A_63, %dma_start3A_66] : memref<10000x128xf32, #tpu.memory_space<vmem_shared>> -> memref<128x128xf32, #tpu.memory_space<vmem_shared>>
          tpu.enqueue_dma source(%arg10 : memref<128x128xf32, #tpu.memory_space<vmem>>) target(%dma_start3A_67 : memref<128x128xf32, #tpu.memory_space<vmem_shared>>) target_semaphore(%run_scoped3A : memref<!tpu.dma_semaphore, #tpu.memory_space<semaphore_mem>>)
          %dma_wait3A_68 = arith.constant 0 : i32
          %dma_wait3A_69 = tpu.memref_slice %arg11[%mul3A_63, %dma_wait3A_68] : memref<10000x128xf32, #tpu.memory_space<vmem_shared>> -> memref<128x128xf32, #tpu.memory_space<vmem_shared>>
          %dma_wait3A_70 = arith.constant 0 : i32
          %dma_wait3A_71 = tpu.memref_slice %arg11[%mul3A_63, %dma_wait3A_70] : memref<10000x128xf32, #tpu.memory_space<vmem_shared>> -> memref<128x128xf32, #tpu.memory_space<vmem_shared>>
          tpu.wait_dma2 semaphore(%run_scoped3A : memref<!tpu.dma_semaphore, #tpu.memory_space<semaphore_mem>>) src(%arg10 : memref<128x128xf32, #tpu.memory_space<vmem>>) dst(%dma_wait3A_71 : memref<128x128xf32, #tpu.memory_space<vmem_shared>>)
          tpu.yield
        }) : () -> ()
      } else {
      }
      %eq3A = arith.constant 78 : i32
      %eq3A_57 = arith.cmpi eq, %add3A_51, %eq3A : i32
      %convert_element_type3A_58 = arith.extui %eq3A_57 : i1 to i32
      %cond3A_59 = arith.constant 0 : i32
      %cond3A_60 = arith.cmpi ne, %convert_element_type3A_58, %cond3A_59 : i32
      scf.if %cond3A_60 {
        "tpu.region"() ({
          %run_scoped3A = tpu.sem_alloc : memref<!tpu.dma_semaphore, #tpu.memory_space<semaphore_mem>>
          %dma_start3A_62 = arith.constant 0 : i32
          %dma_start3A_63 = arith.constant 0 : i32
          %dma_start3A_64 = tpu.memref_slice %arg10[%dma_start3A_62, %dma_start3A_63] : memref<128x128xf32, #tpu.memory_space<vmem>> -> memref<16x128xf32, #tpu.memory_space<vmem>>
          %dma_start3A_65 = arith.constant 9984 : i32
          %dma_start3A_66 = arith.constant 0 : i32
          %dma_start3A_67 = tpu.memref_slice %arg11[%dma_start3A_65, %dma_start3A_66] : memref<10000x128xf32, #tpu.memory_space<vmem_shared>> -> memref<16x128xf32, #tpu.memory_space<vmem_shared>>
          %dma_start3A_68 = arith.constant 9984 : i32
          %dma_start3A_69 = arith.constant 0 : i32
          %dma_start3A_70 = tpu.memref_slice %arg11[%dma_start3A_68, %dma_start3A_69] : memref<10000x128xf32, #tpu.memory_space<vmem_shared>> -> memref<16x128xf32, #tpu.memory_space<vmem_shared>>
          %dma_start3A_71 = arith.constant 0 : i32
          %dma_start3A_72 = arith.constant 0 : i32
          %dma_start3A_73 = tpu.memref_slice %arg10[%dma_start3A_71, %dma_start3A_72] : memref<128x128xf32, #tpu.memory_space<vmem>> -> memref<16x128xf32, #tpu.memory_space<vmem>>
          tpu.enqueue_dma source(%dma_start3A_73 : memref<16x128xf32, #tpu.memory_space<vmem>>) target(%dma_start3A_70 : memref<16x128xf32, #tpu.memory_space<vmem_shared>>) target_semaphore(%run_scoped3A : memref<!tpu.dma_semaphore, #tpu.memory_space<semaphore_mem>>)
          %dma_wait3A_74 = arith.constant 0 : i32
          %dma_wait3A_75 = arith.constant 0 : i32
          %dma_wait3A_76 = tpu.memref_slice %arg10[%dma_wait3A_74, %dma_wait3A_75] : memref<128x128xf32, #tpu.memory_space<vmem>> -> memref<16x128xf32, #tpu.memory_space<vmem>>
          %dma_wait3A_77 = arith.constant 9984 : i32
          %dma_wait3A_78 = arith.constant 0 : i32
          %dma_wait3A_79 = tpu.memref_slice %arg11[%dma_wait3A_77, %dma_wait3A_78] : memref<10000x128xf32, #tpu.memory_space<vmem_shared>> -> memref<16x128xf32, #tpu.memory_space<vmem_shared>>
          %dma_wait3A_80 = arith.constant 9984 : i32
          %dma_wait3A_81 = arith.constant 0 : i32
          %dma_wait3A_82 = tpu.memref_slice %arg11[%dma_wait3A_80, %dma_wait3A_81] : memref<10000x128xf32, #tpu.memory_space<vmem_shared>> -> memref<16x128xf32, #tpu.memory_space<vmem_shared>>
          %dma_wait3A_83 = arith.constant 0 : i32
          %dma_wait3A_84 = arith.constant 0 : i32
          %dma_wait3A_85 = tpu.memref_slice %arg10[%dma_wait3A_83, %dma_wait3A_84] : memref<128x128xf32, #tpu.memory_space<vmem>> -> memref<16x128xf32, #tpu.memory_space<vmem>>
          tpu.wait_dma2 semaphore(%run_scoped3A : memref<!tpu.dma_semaphore, #tpu.memory_space<semaphore_mem>>) src(%dma_wait3A_85 : memref<16x128xf32, #tpu.memory_space<vmem>>) dst(%dma_wait3A_82 : memref<16x128xf32, #tpu.memory_space<vmem_shared>>)
          tpu.yield
        }) : () -> ()
      } else {
      }
      %scan3A_61 = arith.constant 0 : i32
      scf.yield %scan3A_61 : i32
    }
    %scan3A_26 = arith.constant 5 : i32
    %barrier3A = arith.constant 0 : index
    tpu.barrier barrier_id(%barrier3A)
    %scan3A_27 = arith.constant 0 : i32
    %scan3A_28 = arith.constant 0 : i32
    %scan3A_29 = arith.constant 39 : i32
    %scan3A_30 = arith.addi %scan3A_28, %scan3A_29 : i32
    %scan3A_31 = arith.constant 1 : i32
    %scan3A_32 = scf.for %scan3A_47 = %scan3A_28 to %scan3A_30 step %scan3A_31 iter_args(%scan3A_48 = %scan3A_27) -> (i32)  : i32 {
      %mul3A_49 = arith.constant 2 : i32
      %mul3A_50 = arith.muli %scan3A_47, %mul3A_49 : i32
      %add3A_51 = arith.constant 0 : i32
      %add3A_52 = arith.addi %mul3A_50, %add3A_51 : i32
      %dma_wait3A_53 = tpu.memref_slice %arg4[%mul3A_2] : memref<320000xi32, #tpu.memory_space<hbm>> -> memref<128xi32, #tpu.memory_space<hbm>>
      %dma_wait3A_54 = tpu.memref_slice %arg4[%mul3A_2] : memref<320000xi32, #tpu.memory_space<hbm>> -> memref<128xi32, #tpu.memory_space<hbm>>
      tpu.wait_dma2 semaphore(%arg12 : memref<!tpu.dma_semaphore, #tpu.memory_space<semaphore_mem>>) src(%dma_wait3A_54 : memref<128xi32, #tpu.memory_space<hbm>>) dst(%arg7 : memref<128xi32, #tpu.memory_space<vmem>>)
      %dma_wait3A_55 = arith.constant 0 : i32
      %dma_wait3A_56 = tpu.memref_slice %arg6[%dma_wait3A_55] : memref<9984xi32, #tpu.memory_space<vmem>> -> memref<128xi32, #tpu.memory_space<vmem>>
      %dma_wait3A_57 = arith.constant 0 : i32
      %dma_wait3A_58 = arith.constant 0 : i32
      %dma_wait3A_59 = tpu.memref_slice %arg2[%dma_wait3A_57, %dma_wait3A_58] : memref<10000x128xf32, #tpu.memory_space<hbm>> -> memref<10000x128xf32, #tpu.memory_space<hbm>>
      tpu.wait_indirect_dma semaphore(%arg12 : memref<!tpu.dma_semaphore, #tpu.memory_space<semaphore_mem>>) src(%dma_wait3A_59 : memref<10000x128xf32, #tpu.memory_space<hbm>>) dst(%arg9 : memref<128x128xf32, #tpu.memory_space<vmem>>)
      %ge3A = arith.constant 1 : i32
      %ge3A_60 = arith.cmpi sge, %add3A_52, %ge3A : i32
      %convert_element_type3A_61 = arith.extui %ge3A_60 : i1 to i32
      %cond3A_62 = arith.constant 0 : i32
      %cond3A_63 = arith.cmpi ne, %convert_element_type3A_61, %cond3A_62 : i32
      scf.if %cond3A_63 {
        %dma_wait3A_101 = arith.constant 0 : i32
        %dma_wait3A_102 = arith.constant 0 : i32
        %dma_wait3A_103 = tpu.memref_slice %arg11[%dma_wait3A_101, %dma_wait3A_102] : memref<10000x128xf32, #tpu.memory_space<vmem_shared>> -> memref<10000x128xf32, #tpu.memory_space<vmem_shared>>
        tpu.wait_indirect_dma semaphore(%arg16 : memref<!tpu.dma_semaphore, #tpu.memory_space<semaphore_mem>>) src(%arg10 : memref<128x128xf32, #tpu.memory_space<vmem>>) dst(%dma_wait3A_103 : memref<10000x128xf32, #tpu.memory_space<vmem_shared>>)
      } else {
      }
      %add3A_64 = arith.constant 1 : i32
      %add3A_65 = arith.addi %add3A_52, %add3A_64 : i32
      %lt3A_66 = arith.constant 78 : i32
      %lt3A_67 = arith.cmpi slt, %add3A_65, %lt3A_66 : i32
      %convert_element_type3A_68 = arith.extui %lt3A_67 : i1 to i32
      %cond3A_69 = arith.constant 0 : i32
      %cond3A_70 = arith.cmpi ne, %convert_element_type3A_68, %cond3A_69 : i32
      scf.if %cond3A_70 {
        %add3A_101 = arith.constant 1 : i32
        %add3A_102 = arith.addi %add3A_52, %add3A_101 : i32
        %mul3A_103 = arith.constant 128 : i32
        %mul3A_104 = arith.muli %add3A_102, %mul3A_103 : i32
        %add3A_105 = arith.addi %mul3A_2, %mul3A_104 : i32
        %dma_start3A_106 = tpu.memref_slice %arg4[%add3A_105] : memref<320000xi32, #tpu.memory_space<hbm>> -> memref<128xi32, #tpu.memory_space<hbm>>
        %dma_start3A_107 = tpu.memref_slice %arg4[%add3A_105] : memref<320000xi32, #tpu.memory_space<hbm>> -> memref<128xi32, #tpu.memory_space<hbm>>
        tpu.enqueue_dma source(%dma_start3A_107 : memref<128xi32, #tpu.memory_space<hbm>>) target(%arg8 : memref<128xi32, #tpu.memory_space<vmem>>) target_semaphore(%arg15 : memref<!tpu.dma_semaphore, #tpu.memory_space<semaphore_mem>>)
        %mul3A_108 = arith.constant 128 : i32
        %mul3A_109 = arith.muli %add3A_102, %mul3A_108 : i32
        %dma_start3A_110 = tpu.memref_slice %arg6[%mul3A_109] : memref<9984xi32, #tpu.memory_space<vmem>> -> memref<128xi32, #tpu.memory_space<vmem>>
        %dma_start3A_111 = arith.constant 0 : i32
        %dma_start3A_112 = arith.constant 0 : i32
        %dma_start3A_113 = tpu.memref_slice %arg2[%dma_start3A_111, %dma_start3A_112] : memref<10000x128xf32, #tpu.memory_space<hbm>> -> memref<10000x128xf32, #tpu.memory_space<hbm>>
        tpu.enqueue_indirect_dma source(%dma_start3A_113 : memref<10000x128xf32, #tpu.memory_space<hbm>>) target(%arg10 : memref<128x128xf32, #tpu.memory_space<vmem>>) offsets(%dma_start3A_110 : memref<128xi32, #tpu.memory_space<vmem>>) semaphore(%arg15 : memref<!tpu.dma_semaphore, #tpu.memory_space<semaphore_mem>>)
      } else {
      }
      %dma_start3A_71 = arith.constant 0 : i32
      %dma_start3A_72 = arith.constant 0 : i32
      %dma_start3A_73 = tpu.memref_slice %arg11[%dma_start3A_71, %dma_start3A_72] : memref<10000x128xf32, #tpu.memory_space<vmem_shared>> -> memref<10000x128xf32, #tpu.memory_space<vmem_shared>>
      tpu.enqueue_indirect_dma source(%arg9 : memref<128x128xf32, #tpu.memory_space<vmem>>) target(%dma_start3A_73 : memref<10000x128xf32, #tpu.memory_space<vmem_shared>>) offsets(%arg7 : memref<128xi32, #tpu.memory_space<vmem>>) semaphore(%arg14 : memref<!tpu.dma_semaphore, #tpu.memory_space<semaphore_mem>>) {add = true}
      %mul3A_74 = arith.constant 2 : i32
      %mul3A_75 = arith.muli %scan3A_47, %mul3A_74 : i32
      %add3A_76 = arith.constant 1 : i32
      %add3A_77 = arith.addi %mul3A_75, %add3A_76 : i32
      %dma_wait3A_78 = tpu.memref_slice %arg4[%mul3A_2] : memref<320000xi32, #tpu.memory_space<hbm>> -> memref<128xi32, #tpu.memory_space<hbm>>
      %dma_wait3A_79 = tpu.memref_slice %arg4[%mul3A_2] : memref<320000xi32, #tpu.memory_space<hbm>> -> memref<128xi32, #tpu.memory_space<hbm>>
      tpu.wait_dma2 semaphore(%arg15 : memref<!tpu.dma_semaphore, #tpu.memory_space<semaphore_mem>>) src(%dma_wait3A_79 : memref<128xi32, #tpu.memory_space<hbm>>) dst(%arg8 : memref<128xi32, #tpu.memory_space<vmem>>)
      %dma_wait3A_80 = arith.constant 0 : i32
      %dma_wait3A_81 = tpu.memref_slice %arg6[%dma_wait3A_80] : memref<9984xi32, #tpu.memory_space<vmem>> -> memref<128xi32, #tpu.memory_space<vmem>>
      %dma_wait3A_82 = arith.constant 0 : i32
      %dma_wait3A_83 = arith.constant 0 : i32
      %dma_wait3A_84 = tpu.memref_slice %arg2[%dma_wait3A_82, %dma_wait3A_83] : memref<10000x128xf32, #tpu.memory_space<hbm>> -> memref<10000x128xf32, #tpu.memory_space<hbm>>
      tpu.wait_indirect_dma semaphore(%arg15 : memref<!tpu.dma_semaphore, #tpu.memory_space<semaphore_mem>>) src(%dma_wait3A_84 : memref<10000x128xf32, #tpu.memory_space<hbm>>) dst(%arg10 : memref<128x128xf32, #tpu.memory_space<vmem>>)
      %ge3A_85 = arith.constant 1 : i32
      %ge3A_86 = arith.cmpi sge, %add3A_77, %ge3A_85 : i32
      %convert_element_type3A_87 = arith.extui %ge3A_86 : i1 to i32
      %cond3A_88 = arith.constant 0 : i32
      %cond3A_89 = arith.cmpi ne, %convert_element_type3A_87, %cond3A_88 : i32
      scf.if %cond3A_89 {
        %dma_wait3A_101 = arith.constant 0 : i32
        %dma_wait3A_102 = arith.constant 0 : i32
        %dma_wait3A_103 = tpu.memref_slice %arg11[%dma_wait3A_101, %dma_wait3A_102] : memref<10000x128xf32, #tpu.memory_space<vmem_shared>> -> memref<10000x128xf32, #tpu.memory_space<vmem_shared>>
        tpu.wait_indirect_dma semaphore(%arg14 : memref<!tpu.dma_semaphore, #tpu.memory_space<semaphore_mem>>) src(%arg9 : memref<128x128xf32, #tpu.memory_space<vmem>>) dst(%dma_wait3A_103 : memref<10000x128xf32, #tpu.memory_space<vmem_shared>>)
      } else {
      }
      %add3A_90 = arith.constant 1 : i32
      %add3A_91 = arith.addi %add3A_77, %add3A_90 : i32
      %lt3A_92 = arith.constant 78 : i32
      %lt3A_93 = arith.cmpi slt, %add3A_91, %lt3A_92 : i32
      %convert_element_type3A_94 = arith.extui %lt3A_93 : i1 to i32
      %cond3A_95 = arith.constant 0 : i32
      %cond3A_96 = arith.cmpi ne, %convert_element_type3A_94, %cond3A_95 : i32
      scf.if %cond3A_96 {
        %add3A_101 = arith.constant 1 : i32
        %add3A_102 = arith.addi %add3A_77, %add3A_101 : i32
        %mul3A_103 = arith.constant 128 : i32
        %mul3A_104 = arith.muli %add3A_102, %mul3A_103 : i32
        %add3A_105 = arith.addi %mul3A_2, %mul3A_104 : i32
        %dma_start3A_106 = tpu.memref_slice %arg4[%add3A_105] : memref<320000xi32, #tpu.memory_space<hbm>> -> memref<128xi32, #tpu.memory_space<hbm>>
        %dma_start3A_107 = tpu.memref_slice %arg4[%add3A_105] : memref<320000xi32, #tpu.memory_space<hbm>> -> memref<128xi32, #tpu.memory_space<hbm>>
        tpu.enqueue_dma source(%dma_start3A_107 : memref<128xi32, #tpu.memory_space<hbm>>) target(%arg7 : memref<128xi32, #tpu.memory_space<vmem>>) target_semaphore(%arg12 : memref<!tpu.dma_semaphore, #tpu.memory_space<semaphore_mem>>)
        %mul3A_108 = arith.constant 128 : i32
        %mul3A_109 = arith.muli %add3A_102, %mul3A_108 : i32
        %dma_start3A_110 = tpu.memref_slice %arg6[%mul3A_109] : memref<9984xi32, #tpu.memory_space<vmem>> -> memref<128xi32, #tpu.memory_space<vmem>>
        %dma_start3A_111 = arith.constant 0 : i32
        %dma_start3A_112 = arith.constant 0 : i32
        %dma_start3A_113 = tpu.memref_slice %arg2[%dma_start3A_111, %dma_start3A_112] : memref<10000x128xf32, #tpu.memory_space<hbm>> -> memref<10000x128xf32, #tpu.memory_space<hbm>>
        tpu.enqueue_indirect_dma source(%dma_start3A_113 : memref<10000x128xf32, #tpu.memory_space<hbm>>) target(%arg9 : memref<128x128xf32, #tpu.memory_space<vmem>>) offsets(%dma_start3A_110 : memref<128xi32, #tpu.memory_space<vmem>>) semaphore(%arg12 : memref<!tpu.dma_semaphore, #tpu.memory_space<semaphore_mem>>)
      } else {
      }
      %dma_start3A_97 = arith.constant 0 : i32
      %dma_start3A_98 = arith.constant 0 : i32
      %dma_start3A_99 = tpu.memref_slice %arg11[%dma_start3A_97, %dma_start3A_98] : memref<10000x128xf32, #tpu.memory_space<vmem_shared>> -> memref<10000x128xf32, #tpu.memory_space<vmem_shared>>
      tpu.enqueue_indirect_dma source(%arg10 : memref<128x128xf32, #tpu.memory_space<vmem>>) target(%dma_start3A_99 : memref<10000x128xf32, #tpu.memory_space<vmem_shared>>) offsets(%arg8 : memref<128xi32, #tpu.memory_space<vmem>>) semaphore(%arg16 : memref<!tpu.dma_semaphore, #tpu.memory_space<semaphore_mem>>) {add = true}
      %scan3A_100 = arith.constant 0 : i32
      scf.yield %scan3A_100 : i32
    }
    %scan3A_33 = arith.constant 39 : i32
    %dma_wait3A_34 = arith.constant 0 : i32
    %dma_wait3A_35 = arith.constant 0 : i32
    %dma_wait3A_36 = tpu.memref_slice %arg11[%dma_wait3A_34, %dma_wait3A_35] : memref<10000x128xf32, #tpu.memory_space<vmem_shared>> -> memref<10000x128xf32, #tpu.memory_space<vmem_shared>>
    tpu.wait_indirect_dma semaphore(%arg16 : memref<!tpu.dma_semaphore, #tpu.memory_space<semaphore_mem>>) src(%arg10 : memref<128x128xf32, #tpu.memory_space<vmem>>) dst(%dma_wait3A_36 : memref<10000x128xf32, #tpu.memory_space<vmem_shared>>)
    %lt3A = arith.constant 4 : i32
    %lt3A_37 = arith.cmpi slt, %add3A, %lt3A : i32
    %convert_element_type3A = arith.extui %lt3A_37 : i1 to i32
    %cond3A = arith.constant 0 : i32
    %cond3A_38 = arith.cmpi ne, %convert_element_type3A, %cond3A : i32
    scf.if %cond3A_38 {
      %mul3A_47 = arith.constant 128 : i32
      %mul3A_48 = arith.muli %add3A, %mul3A_47 : i32
      %add3A_49 = arith.constant 319488 : i32
      %add3A_50 = arith.addi %add3A_49, %mul3A_48 : i32
      "tpu.region"() ({
        %run_scoped3A = tpu.sem_alloc : memref<!tpu.dma_semaphore, #tpu.memory_space<semaphore_mem>>
        %dma_start3A_57 = tpu.memref_slice %arg3[%add3A_50] : memref<320000xi32, #tpu.memory_space<hbm>> -> memref<128xi32, #tpu.memory_space<hbm>>
        %dma_start3A_58 = tpu.memref_slice %arg3[%add3A_50] : memref<320000xi32, #tpu.memory_space<hbm>> -> memref<128xi32, #tpu.memory_space<hbm>>
        tpu.enqueue_dma source(%dma_start3A_58 : memref<128xi32, #tpu.memory_space<hbm>>) target(%arg8 : memref<128xi32, #tpu.memory_space<vmem>>) target_semaphore(%run_scoped3A : memref<!tpu.dma_semaphore, #tpu.memory_space<semaphore_mem>>)
        %dma_wait3A_59 = tpu.memref_slice %arg3[%add3A_50] : memref<320000xi32, #tpu.memory_space<hbm>> -> memref<128xi32, #tpu.memory_space<hbm>>
        %dma_wait3A_60 = tpu.memref_slice %arg3[%add3A_50] : memref<320000xi32, #tpu.memory_space<hbm>> -> memref<128xi32, #tpu.memory_space<hbm>>
        tpu.wait_dma2 semaphore(%run_scoped3A : memref<!tpu.dma_semaphore, #tpu.memory_space<semaphore_mem>>) src(%dma_wait3A_60 : memref<128xi32, #tpu.memory_space<hbm>>) dst(%arg8 : memref<128xi32, #tpu.memory_space<vmem>>)
        tpu.yield
      }) : () -> ()
      "tpu.region"() ({
        %run_scoped3A = tpu.sem_alloc : memref<!tpu.dma_semaphore, #tpu.memory_space<semaphore_mem>>
        %dma_start3A_57 = tpu.memref_slice %arg4[%add3A_50] : memref<320000xi32, #tpu.memory_space<hbm>> -> memref<128xi32, #tpu.memory_space<hbm>>
        %dma_start3A_58 = tpu.memref_slice %arg4[%add3A_50] : memref<320000xi32, #tpu.memory_space<hbm>> -> memref<128xi32, #tpu.memory_space<hbm>>
        tpu.enqueue_dma source(%dma_start3A_58 : memref<128xi32, #tpu.memory_space<hbm>>) target(%arg7 : memref<128xi32, #tpu.memory_space<vmem>>) target_semaphore(%run_scoped3A : memref<!tpu.dma_semaphore, #tpu.memory_space<semaphore_mem>>)
        %dma_wait3A_59 = tpu.memref_slice %arg4[%add3A_50] : memref<320000xi32, #tpu.memory_space<hbm>> -> memref<128xi32, #tpu.memory_space<hbm>>
        %dma_wait3A_60 = tpu.memref_slice %arg4[%add3A_50] : memref<320000xi32, #tpu.memory_space<hbm>> -> memref<128xi32, #tpu.memory_space<hbm>>
        tpu.wait_dma2 semaphore(%run_scoped3A : memref<!tpu.dma_semaphore, #tpu.memory_space<semaphore_mem>>) src(%dma_wait3A_60 : memref<128xi32, #tpu.memory_space<hbm>>) dst(%arg7 : memref<128xi32, #tpu.memory_space<vmem>>)
        tpu.yield
      }) : () -> ()
      %dma_start3A_51 = arith.constant 0 : i32
      %dma_start3A_52 = arith.constant 0 : i32
      %dma_start3A_53 = tpu.memref_slice %arg2[%dma_start3A_51, %dma_start3A_52] : memref<10000x128xf32, #tpu.memory_space<hbm>> -> memref<10000x128xf32, #tpu.memory_space<hbm>>
      tpu.enqueue_indirect_dma source(%dma_start3A_53 : memref<10000x128xf32, #tpu.memory_space<hbm>>) target(%arg9 : memref<128x128xf32, #tpu.memory_space<vmem>>) offsets(%arg8 : memref<128xi32, #tpu.memory_space<vmem>>) semaphore(%arg12 : memref<!tpu.dma_semaphore, #tpu.memory_space<semaphore_mem>>)
      %dma_wait3A_54 = arith.constant 0 : i32
      %dma_wait3A_55 = arith.constant 0 : i32
      %dma_wait3A_56 = tpu.memref_slice %arg2[%dma_wait3A_54, %dma_wait3A_55] : memref<10000x128xf32, #tpu.memory_space<hbm>> -> memref<10000x128xf32, #tpu.memory_space<hbm>>
      tpu.wait_indirect_dma semaphore(%arg12 : memref<!tpu.dma_semaphore, #tpu.memory_space<semaphore_mem>>) src(%dma_wait3A_56 : memref<10000x128xf32, #tpu.memory_space<hbm>>) dst(%arg9 : memref<128x128xf32, #tpu.memory_space<vmem>>)
      "tpu.region"() ({
        %run_scoped3A = tpu.sem_alloc : memref<!tpu.dma_semaphore, #tpu.memory_space<semaphore_mem>>
        %dma_start3A_57 = arith.constant 0 : i32
        %dma_start3A_58 = arith.constant 0 : i32
        %dma_start3A_59 = tpu.memref_slice %arg11[%dma_start3A_57, %dma_start3A_58] : memref<10000x128xf32, #tpu.memory_space<vmem_shared>> -> memref<10000x128xf32, #tpu.memory_space<vmem_shared>>
        tpu.enqueue_indirect_dma source(%arg9 : memref<128x128xf32, #tpu.memory_space<vmem>>) target(%dma_start3A_59 : memref<10000x128xf32, #tpu.memory_space<vmem_shared>>) offsets(%arg7 : memref<128xi32, #tpu.memory_space<vmem>>) semaphore(%run_scoped3A : memref<!tpu.dma_semaphore, #tpu.memory_space<semaphore_mem>>) {add = true}
        %dma_wait3A_60 = arith.constant 0 : i32
        %dma_wait3A_61 = arith.constant 0 : i32
        %dma_wait3A_62 = tpu.memref_slice %arg11[%dma_wait3A_60, %dma_wait3A_61] : memref<10000x128xf32, #tpu.memory_space<vmem_shared>> -> memref<10000x128xf32, #tpu.memory_space<vmem_shared>>
        tpu.wait_indirect_dma semaphore(%run_scoped3A : memref<!tpu.dma_semaphore, #tpu.memory_space<semaphore_mem>>) src(%arg9 : memref<128x128xf32, #tpu.memory_space<vmem>>) dst(%dma_wait3A_62 : memref<10000x128xf32, #tpu.memory_space<vmem_shared>>)
        tpu.yield
      }) : () -> ()
    } else {
    }
    %barrier3A_39 = arith.constant 0 : index
    tpu.barrier barrier_id(%barrier3A_39)
    %scan3A_40 = arith.constant 0 : i32
    %scan3A_41 = arith.constant 0 : i32
    %scan3A_42 = arith.constant 5 : i32
    %scan3A_43 = arith.addi %scan3A_41, %scan3A_42 : i32
    %scan3A_44 = arith.constant 1 : i32
    %scan3A_45 = scf.for %scan3A_47 = %scan3A_41 to %scan3A_43 step %scan3A_44 iter_args(%scan3A_48 = %scan3A_40) -> (i32)  : i32 {
      %mul3A_49 = arith.constant 16 : i32
      %mul3A_50 = arith.muli %scan3A_47, %mul3A_49 : i32
      %add3A_51 = arith.addi %arg1, %mul3A_50 : i32
      %lt3A_52 = arith.constant 78 : i32
      %lt3A_53 = arith.cmpi slt, %add3A_51, %lt3A_52 : i32
      %convert_element_type3A_54 = arith.extui %lt3A_53 : i1 to i32
      %cond3A_55 = arith.constant 0 : i32
      %cond3A_56 = arith.cmpi ne, %convert_element_type3A_54, %cond3A_55 : i32
      scf.if %cond3A_56 {
        %mul3A_62 = arith.constant 128 : i32
        %mul3A_63 = arith.muli %add3A_51, %mul3A_62 : i32
        %mul3A_64 = arith.constant 128 : i32
        %mul3A_65 = arith.muli %add3A_51, %mul3A_64 : i32
        "tpu.region"() ({
          %run_scoped3A = tpu.sem_alloc : memref<!tpu.dma_semaphore, #tpu.memory_space<semaphore_mem>>
          %dma_start3A_66 = arith.constant 0 : i32
          %dma_start3A_67 = tpu.memref_slice %arg5[%arg0, %mul3A_65, %dma_start3A_66] : memref<2x10000x128xf32, #tpu.memory_space<hbm>> -> memref<1x128x128xf32, #tpu.memory_space<hbm>>
          %dma_start3A_68 = tpu.memref_squeeze %dma_start3A_67 : memref<1x128x128xf32, #tpu.memory_space<hbm>> -> memref<128x128xf32, #tpu.memory_space<hbm>>
          %dma_start3A_69 = arith.constant 0 : i32
          %dma_start3A_70 = tpu.memref_slice %arg11[%mul3A_63, %dma_start3A_69] : memref<10000x128xf32, #tpu.memory_space<vmem_shared>> -> memref<128x128xf32, #tpu.memory_space<vmem_shared>>
          tpu.enqueue_dma source(%dma_start3A_70 : memref<128x128xf32, #tpu.memory_space<vmem_shared>>) target(%dma_start3A_68 : memref<128x128xf32, #tpu.memory_space<hbm>>) target_semaphore(%run_scoped3A : memref<!tpu.dma_semaphore, #tpu.memory_space<semaphore_mem>>)
          %dma_wait3A_71 = arith.constant 0 : i32
          %dma_wait3A_72 = tpu.memref_slice %arg5[%arg0, %mul3A_65, %dma_wait3A_71] : memref<2x10000x128xf32, #tpu.memory_space<hbm>> -> memref<1x128x128xf32, #tpu.memory_space<hbm>>
          %dma_wait3A_73 = tpu.memref_squeeze %dma_wait3A_72 : memref<1x128x128xf32, #tpu.memory_space<hbm>> -> memref<128x128xf32, #tpu.memory_space<hbm>>
          %dma_wait3A_74 = arith.constant 0 : i32
          %dma_wait3A_75 = tpu.memref_slice %arg11[%mul3A_63, %dma_wait3A_74] : memref<10000x128xf32, #tpu.memory_space<vmem_shared>> -> memref<128x128xf32, #tpu.memory_space<vmem_shared>>
          tpu.wait_dma2 semaphore(%run_scoped3A : memref<!tpu.dma_semaphore, #tpu.memory_space<semaphore_mem>>) src(%dma_wait3A_75 : memref<128x128xf32, #tpu.memory_space<vmem_shared>>) dst(%dma_wait3A_73 : memref<128x128xf32, #tpu.memory_space<hbm>>)
          tpu.yield
        }) : () -> ()
      } else {
      }
      %eq3A = arith.constant 78 : i32
      %eq3A_57 = arith.cmpi eq, %add3A_51, %eq3A : i32
      %convert_element_type3A_58 = arith.extui %eq3A_57 : i1 to i32
      %cond3A_59 = arith.constant 0 : i32
      %cond3A_60 = arith.cmpi ne, %convert_element_type3A_58, %cond3A_59 : i32
      scf.if %cond3A_60 {
        "tpu.region"() ({
          %run_scoped3A = tpu.sem_alloc : memref<!tpu.dma_semaphore, #tpu.memory_space<semaphore_mem>>
          %dma_start3A_62 = arith.constant 9984 : i32
          %dma_start3A_63 = arith.constant 0 : i32
          %dma_start3A_64 = tpu.memref_slice %arg5[%arg0, %dma_start3A_62, %dma_start3A_63] : memref<2x10000x128xf32, #tpu.memory_space<hbm>> -> memref<1x16x128xf32, #tpu.memory_space<hbm>>
          %dma_start3A_65 = tpu.memref_squeeze %dma_start3A_64 : memref<1x16x128xf32, #tpu.memory_space<hbm>> -> memref<16x128xf32, #tpu.memory_space<hbm>>
          %dma_start3A_66 = arith.constant 9984 : i32
          %dma_start3A_67 = arith.constant 0 : i32
          %dma_start3A_68 = tpu.memref_slice %arg11[%dma_start3A_66, %dma_start3A_67] : memref<10000x128xf32, #tpu.memory_space<vmem_shared>> -> memref<16x128xf32, #tpu.memory_space<vmem_shared>>
          tpu.enqueue_dma source(%dma_start3A_68 : memref<16x128xf32, #tpu.memory_space<vmem_shared>>) target(%dma_start3A_65 : memref<16x128xf32, #tpu.memory_space<hbm>>) target_semaphore(%run_scoped3A : memref<!tpu.dma_semaphore, #tpu.memory_space<semaphore_mem>>)
          %dma_wait3A_69 = arith.constant 9984 : i32
          %dma_wait3A_70 = arith.constant 0 : i32
          %dma_wait3A_71 = tpu.memref_slice %arg5[%arg0, %dma_wait3A_69, %dma_wait3A_70] : memref<2x10000x128xf32, #tpu.memory_space<hbm>> -> memref<1x16x128xf32, #tpu.memory_space<hbm>>
          %dma_wait3A_72 = tpu.memref_squeeze %dma_wait3A_71 : memref<1x16x128xf32, #tpu.memory_space<hbm>> -> memref<16x128xf32, #tpu.memory_space<hbm>>
          %dma_wait3A_73 = arith.constant 9984 : i32
          %dma_wait3A_74 = arith.constant 0 : i32
          %dma_wait3A_75 = tpu.memref_slice %arg11[%dma_wait3A_73, %dma_wait3A_74] : memref<10000x128xf32, #tpu.memory_space<vmem_shared>> -> memref<16x128xf32, #tpu.memory_space<vmem_shared>>
          tpu.wait_dma2 semaphore(%run_scoped3A : memref<!tpu.dma_semaphore, #tpu.memory_space<semaphore_mem>>) src(%dma_wait3A_75 : memref<16x128xf32, #tpu.memory_space<vmem_shared>>) dst(%dma_wait3A_72 : memref<16x128xf32, #tpu.memory_space<hbm>>)
          tpu.yield
        }) : () -> ()
      } else {
      }
      %scan3A_61 = arith.constant 0 : i32
      scf.yield %scan3A_61 : i32
    }
    %scan3A_46 = arith.constant 5 : i32
    return
  }
}

#map = affine_map<(d0, d1) -> (0, 0)>
#map1 = affine_map<(d0, d1) -> (0)>
#map2 = affine_map<(d0, d1) -> (0, 0, 0)>
module attributes {stable_mosaic.version = 14 : i64} {
  func.func @_segsum_sc(%arg0: i32, %arg1: i32, %arg2: memref<10000x128xf32, #tpu.memory_space<hbm>>, %arg3: memref<320000xi32, #tpu.memory_space<hbm>>, %arg4: memref<320000xi32, #tpu.memory_space<hbm>>, %arg5: memref<2x10000x128xf32, #tpu.memory_space<hbm>>, %arg6: memref<9984xi32, #tpu.memory_space<vmem>>, %arg7: memref<128xi32, #tpu.memory_space<vmem>>, %arg8: memref<128xi32, #tpu.memory_space<vmem>>, %arg9: memref<128x128xf32, #tpu.memory_space<vmem>>, %arg10: memref<128x128xf32, #tpu.memory_space<vmem>>, %arg11: memref<10000x128xf32, #tpu.memory_space<vmem_shared>>, %arg12: memref<!tpu.dma_semaphore, #tpu.memory_space<semaphore_mem>>, %arg13: memref<!tpu.dma_semaphore, #tpu.memory_space<semaphore_mem>>, %arg14: memref<!tpu.dma_semaphore, #tpu.memory_space<semaphore_mem>>, %arg15: memref<!tpu.dma_semaphore, #tpu.memory_space<semaphore_mem>>, %arg16: memref<!tpu.dma_semaphore, #tpu.memory_space<semaphore_mem>>) attributes {dimension_semantics = [#tpu.dimension_semantics<core_parallel>, #tpu.dimension_semantics<subcore_parallel>], iteration_bounds = array<i64: 2, 16>, scalar_prefetch = 0 : i64, scratch_operands = 11 : i64, tpu.core_type = #tpu.core_type<sc_vector_subcore>, window_params = [{transform_indices = #map}, {transform_indices = #map1}, {transform_indices = #map1}, {transform_indices = #map2}]} {
    %mul3A = arith.constant 16 : i32
    %mul3A_0 = arith.muli %arg0, %mul3A : i32
    %add3A = arith.addi %mul3A_0, %arg1 : i32
    %mul3A_1 = arith.constant 9984 : i32
    %mul3A_2 = arith.muli %add3A, %mul3A_1 : i32
    %dma_start3A = tpu.memref_slice %arg3[%mul3A_2] : memref<320000xi32, #tpu.memory_space<hbm>> -> memref<9984xi32, #tpu.memory_space<hbm>>
    %dma_start3A_3 = tpu.memref_slice %arg3[%mul3A_2] : memref<320000xi32, #tpu.memory_space<hbm>> -> memref<9984xi32, #tpu.memory_space<hbm>>
    tpu.enqueue_dma source(%dma_start3A_3 : memref<9984xi32, #tpu.memory_space<hbm>>) target(%arg6 : memref<9984xi32, #tpu.memory_space<vmem>>) target_semaphore(%arg13 : memref<!tpu.dma_semaphore, #tpu.memory_space<semaphore_mem>>)
    %scan3A = arith.constant 0 : i32
    %scan3A_4 = arith.constant 0 : i32
    %scan3A_5 = arith.constant 1024 : i32
    %scan3A_6 = arith.addi %scan3A_4, %scan3A_5 : i32
    %scan3A_7 = arith.constant 1 : i32
    %scan3A_8 = scf.for %scan3A_47 = %scan3A_4 to %scan3A_6 step %scan3A_7 iter_args(%scan3A_48 = %scan3A) -> (i32)  : i32 {
      %broadcast_in_dim3A = arith.constant 0.000000e+00 : f32
      %broadcast_in_dim3A_49 = vector.broadcast %broadcast_in_dim3A : f32 to vector<16xf32>
      %jit3A = arith.constant 8 : i32
      %div3A = arith.divsi %scan3A_47, %jit3A : i32
      %sign3A = arith.constant 0 : i32
      %sign3A_50 = arith.cmpi sgt, %scan3A_47, %sign3A : i32
      %sign3A_51 = arith.extui %sign3A_50 : i1 to i32
      %sign3A_52 = arith.constant 0 : i32
      %sign3A_53 = arith.cmpi slt, %scan3A_47, %sign3A_52 : i32
      %sign3A_54 = arith.extui %sign3A_53 : i1 to i32
      %sign3A_55 = arith.subi %sign3A_51, %sign3A_54 : i32
      %sign3A_56 = arith.constant 0 : i32
      %sign3A_57 = arith.cmpi sgt, %jit3A, %sign3A_56 : i32
      %sign3A_58 = arith.extui %sign3A_57 : i1 to i32
      %sign3A_59 = arith.constant 0 : i32
      %sign3A_60 = arith.cmpi slt, %jit3A, %sign3A_59 : i32
      %sign3A_61 = arith.extui %sign3A_60 : i1 to i32
      %sign3A_62 = arith.subi %sign3A_58, %sign3A_61 : i32
      %ne3A = arith.cmpi ne, %sign3A_55, %sign3A_62 : i32
      %rem3A = arith.remsi %scan3A_47, %jit3A : i32
      %ne3A_63 = arith.constant 0 : i32
      %ne3A_64 = arith.cmpi ne, %rem3A, %ne3A_63 : i32
      %and3A = arith.andi %ne3A, %ne3A_64 : i1
      %sub3A = arith.constant 1 : i32
      %sub3A_65 = arith.subi %div3A, %sub3A : i32
      %select_n3A = arith.select %and3A, %sub3A_65, %div3A : i32
      %jit3A_66 = arith.constant 8 : i32
      %eq3A = arith.constant 0 : i32
      %eq3A_67 = arith.cmpi eq, %jit3A_66, %eq3A : i32
      %jit3A_68 = arith.constant 1 : i32
      %select_n3A_69 = arith.select %eq3A_67, %jit3A_68, %jit3A_66 : i32
      %rem3A_70 = arith.remsi %scan3A_47, %select_n3A_69 : i32
      %ne3A_71 = arith.constant 0 : i32
      %ne3A_72 = arith.cmpi ne, %rem3A_70, %ne3A_71 : i32
      %lt3A_73 = arith.constant 0 : i32
      %lt3A_74 = arith.cmpi slt, %rem3A_70, %lt3A_73 : i32
      %lt3A_75 = arith.constant 0 : i32
      %lt3A_76 = arith.cmpi slt, %select_n3A_69, %lt3A_75 : i32
      %ne3A_77 = arith.xori %lt3A_74, %lt3A_76 : i1
      %and3A_78 = arith.andi %ne3A_77, %ne3A_72 : i1
      %add3A_79 = arith.addi %rem3A_70, %select_n3A_69 : i32
      %select_n3A_80 = arith.select %and3A_78, %add3A_79, %rem3A_70 : i32
      %mul3A_81 = arith.constant 16 : i32
      %mul3A_82 = arith.muli %select_n3A_80, %mul3A_81 : i32
      %swap3A = arith.index_cast %select_n3A : i32 to index
      %swap3A_83 = arith.index_cast %mul3A_82 : i32 to index
      %swap3A_84 = tpu.vector_load %arg10[%swap3A, %swap3A_83] {strides = array<i32>} : memref<128x128xf32, #tpu.memory_space<vmem>>, vector<1x16xf32>,
      %swap3A_85 = vector.shape_cast %swap3A_84 : vector<1x16xf32> to vector<16xf32>
      %swap3A_86 = vector.shape_cast %broadcast_in_dim3A_49 : vector<16xf32> to vector<1x16xf32>
      tpu.vector_store %arg10[%swap3A, %swap3A_83], %swap3A_86 {strides = array<i32>} : memref<128x128xf32, #tpu.memory_space<vmem>>, vector<1x16xf32>,
      %scan3A_87 = arith.constant 0 : i32
      scf.yield %scan3A_87 : i32
    }
    %scan3A_9 = arith.constant 1024 : i32
    %dma_wait3A = tpu.memref_slice %arg3[%mul3A_2] : memref<320000xi32, #tpu.memory_space<hbm>> -> memref<9984xi32, #tpu.memory_space<hbm>>
    %dma_wait3A_10 = tpu.memref_slice %arg3[%mul3A_2] : memref<320000xi32, #tpu.memory_space<hbm>> -> memref<9984xi32, #tpu.memory_space<hbm>>
    tpu.wait_dma2 semaphore(%arg13 : memref<!tpu.dma_semaphore, #tpu.memory_space<semaphore_mem>>) src(%dma_wait3A_10 : memref<9984xi32, #tpu.memory_space<hbm>>) dst(%arg6 : memref<9984xi32, #tpu.memory_space<vmem>>)
    %add3A_11 = arith.constant 0 : i32
    %add3A_12 = arith.addi %mul3A_2, %add3A_11 : i32
    %dma_start3A_13 = tpu.memref_slice %arg4[%add3A_12] : memref<320000xi32, #tpu.memory_space<hbm>> -> memref<128xi32, #tpu.memory_space<hbm>>
    %dma_start3A_14 = tpu.memref_slice %arg4[%add3A_12] : memref<320000xi32, #tpu.memory_space<hbm>> -> memref<128xi32, #tpu.memory_space<hbm>>
    tpu.enqueue_dma source(%dma_start3A_14 : memref<128xi32, #tpu.memory_space<hbm>>) target(%arg7 : memref<128xi32, #tpu.memory_space<vmem>>) target_semaphore(%arg12 : memref<!tpu.dma_semaphore, #tpu.memory_space<semaphore_mem>>)
    %dma_start3A_15 = arith.constant 0 : i32
    %dma_start3A_16 = tpu.memref_slice %arg6[%dma_start3A_15] : memref<9984xi32, #tpu.memory_space<vmem>> -> memref<128xi32, #tpu.memory_space<vmem>>
    %dma_start3A_17 = arith.constant 0 : i32
    %dma_start3A_18 = arith.constant 0 : i32
    %dma_start3A_19 = tpu.memref_slice %arg2[%dma_start3A_17, %dma_start3A_18] : memref<10000x128xf32, #tpu.memory_space<hbm>> -> memref<10000x128xf32, #tpu.memory_space<hbm>>
    tpu.enqueue_indirect_dma source(%dma_start3A_19 : memref<10000x128xf32, #tpu.memory_space<hbm>>) target(%arg9 : memref<128x128xf32, #tpu.memory_space<vmem>>) offsets(%dma_start3A_16 : memref<128xi32, #tpu.memory_space<vmem>>) semaphore(%arg12 : memref<!tpu.dma_semaphore, #tpu.memory_space<semaphore_mem>>)
    %scan3A_20 = arith.constant 0 : i32
    %scan3A_21 = arith.constant 0 : i32
    %scan3A_22 = arith.constant 5 : i32
    %scan3A_23 = arith.addi %scan3A_21, %scan3A_22 : i32
    %scan3A_24 = arith.constant 1 : i32
    %scan3A_25 = scf.for %scan3A_47 = %scan3A_21 to %scan3A_23 step %scan3A_24 iter_args(%scan3A_48 = %scan3A_20) -> (i32)  : i32 {
      %mul3A_49 = arith.constant 16 : i32
      %mul3A_50 = arith.muli %scan3A_47, %mul3A_49 : i32
      %add3A_51 = arith.addi %arg1, %mul3A_50 : i32
      %lt3A_52 = arith.constant 78 : i32
      %lt3A_53 = arith.cmpi slt, %add3A_51, %lt3A_52 : i32
      %convert_element_type3A_54 = arith.extui %lt3A_53 : i1 to i32
      %cond3A_55 = arith.constant 0 : i32
      %cond3A_56 = arith.cmpi ne, %convert_element_type3A_54, %cond3A_55 : i32
      scf.if %cond3A_56 {
        %mul3A_62 = arith.constant 128 : i32
        %mul3A_63 = arith.muli %add3A_51, %mul3A_62 : i32
        "tpu.region"() ({
          %run_scoped3A = tpu.sem_alloc : memref<!tpu.dma_semaphore, #tpu.memory_space<semaphore_mem>>
          %dma_start3A_64 = arith.constant 0 : i32
          %dma_start3A_65 = tpu.memref_slice %arg11[%mul3A_63, %dma_start3A_64] : memref<10000x128xf32, #tpu.memory_space<vmem_shared>> -> memref<128x128xf32, #tpu.memory_space<vmem_shared>>
          %dma_start3A_66 = arith.constant 0 : i32
          %dma_start3A_67 = tpu.memref_slice %arg11[%mul3A_63, %dma_start3A_66] : memref<10000x128xf32, #tpu.memory_space<vmem_shared>> -> memref<128x128xf32, #tpu.memory_space<vmem_shared>>
          tpu.enqueue_dma source(%arg10 : memref<128x128xf32, #tpu.memory_space<vmem>>) target(%dma_start3A_67 : memref<128x128xf32, #tpu.memory_space<vmem_shared>>) target_semaphore(%run_scoped3A : memref<!tpu.dma_semaphore, #tpu.memory_space<semaphore_mem>>)
          %dma_wait3A_68 = arith.constant 0 : i32
          %dma_wait3A_69 = tpu.memref_slice %arg11[%mul3A_63, %dma_wait3A_68] : memref<10000x128xf32, #tpu.memory_space<vmem_shared>> -> memref<128x128xf32, #tpu.memory_space<vmem_shared>>
          %dma_wait3A_70 = arith.constant 0 : i32
          %dma_wait3A_71 = tpu.memref_slice %arg11[%mul3A_63, %dma_wait3A_70] : memref<10000x128xf32, #tpu.memory_space<vmem_shared>> -> memref<128x128xf32, #tpu.memory_space<vmem_shared>>
          tpu.wait_dma2 semaphore(%run_scoped3A : memref<!tpu.dma_semaphore, #tpu.memory_space<semaphore_mem>>) src(%arg10 : memref<128x128xf32, #tpu.memory_space<vmem>>) dst(%dma_wait3A_71 : memref<128x128xf32, #tpu.memory_space<vmem_shared>>)
          tpu.yield
        }) : () -> ()
      } else {
      }
      %eq3A = arith.constant 78 : i32
      %eq3A_57 = arith.cmpi eq, %add3A_51, %eq3A : i32
      %convert_element_type3A_58 = arith.extui %eq3A_57 : i1 to i32
      %cond3A_59 = arith.constant 0 : i32
      %cond3A_60 = arith.cmpi ne, %convert_element_type3A_58, %cond3A_59 : i32
      scf.if %cond3A_60 {
        "tpu.region"() ({
          %run_scoped3A = tpu.sem_alloc : memref<!tpu.dma_semaphore, #tpu.memory_space<semaphore_mem>>
          %dma_start3A_62 = arith.constant 0 : i32
          %dma_start3A_63 = arith.constant 0 : i32
          %dma_start3A_64 = tpu.memref_slice %arg10[%dma_start3A_62, %dma_start3A_63] : memref<128x128xf32, #tpu.memory_space<vmem>> -> memref<16x128xf32, #tpu.memory_space<vmem>>
          %dma_start3A_65 = arith.constant 9984 : i32
          %dma_start3A_66 = arith.constant 0 : i32
          %dma_start3A_67 = tpu.memref_slice %arg11[%dma_start3A_65, %dma_start3A_66] : memref<10000x128xf32, #tpu.memory_space<vmem_shared>> -> memref<16x128xf32, #tpu.memory_space<vmem_shared>>
          %dma_start3A_68 = arith.constant 9984 : i32
          %dma_start3A_69 = arith.constant 0 : i32
          %dma_start3A_70 = tpu.memref_slice %arg11[%dma_start3A_68, %dma_start3A_69] : memref<10000x128xf32, #tpu.memory_space<vmem_shared>> -> memref<16x128xf32, #tpu.memory_space<vmem_shared>>
          %dma_start3A_71 = arith.constant 0 : i32
          %dma_start3A_72 = arith.constant 0 : i32
          %dma_start3A_73 = tpu.memref_slice %arg10[%dma_start3A_71, %dma_start3A_72] : memref<128x128xf32, #tpu.memory_space<vmem>> -> memref<16x128xf32, #tpu.memory_space<vmem>>
          tpu.enqueue_dma source(%dma_start3A_73 : memref<16x128xf32, #tpu.memory_space<vmem>>) target(%dma_start3A_70 : memref<16x128xf32, #tpu.memory_space<vmem_shared>>) target_semaphore(%run_scoped3A : memref<!tpu.dma_semaphore, #tpu.memory_space<semaphore_mem>>)
          %dma_wait3A_74 = arith.constant 0 : i32
          %dma_wait3A_75 = arith.constant 0 : i32
          %dma_wait3A_76 = tpu.memref_slice %arg10[%dma_wait3A_74, %dma_wait3A_75] : memref<128x128xf32, #tpu.memory_space<vmem>> -> memref<16x128xf32, #tpu.memory_space<vmem>>
          %dma_wait3A_77 = arith.constant 9984 : i32
          %dma_wait3A_78 = arith.constant 0 : i32
          %dma_wait3A_79 = tpu.memref_slice %arg11[%dma_wait3A_77, %dma_wait3A_78] : memref<10000x128xf32, #tpu.memory_space<vmem_shared>> -> memref<16x128xf32, #tpu.memory_space<vmem_shared>>
          %dma_wait3A_80 = arith.constant 9984 : i32
          %dma_wait3A_81 = arith.constant 0 : i32
          %dma_wait3A_82 = tpu.memref_slice %arg11[%dma_wait3A_80, %dma_wait3A_81] : memref<10000x128xf32, #tpu.memory_space<vmem_shared>> -> memref<16x128xf32, #tpu.memory_space<vmem_shared>>
          %dma_wait3A_83 = arith.constant 0 : i32
          %dma_wait3A_84 = arith.constant 0 : i32
          %dma_wait3A_85 = tpu.memref_slice %arg10[%dma_wait3A_83, %dma_wait3A_84] : memref<128x128xf32, #tpu.memory_space<vmem>> -> memref<16x128xf32, #tpu.memory_space<vmem>>
          tpu.wait_dma2 semaphore(%run_scoped3A : memref<!tpu.dma_semaphore, #tpu.memory_space<semaphore_mem>>) src(%dma_wait3A_85 : memref<16x128xf32, #tpu.memory_space<vmem>>) dst(%dma_wait3A_82 : memref<16x128xf32, #tpu.memory_space<vmem_shared>>)
          tpu.yield
        }) : () -> ()
      } else {
      }
      %scan3A_61 = arith.constant 0 : i32
      scf.yield %scan3A_61 : i32
    }
    %scan3A_26 = arith.constant 5 : i32
    %barrier3A = arith.constant 0 : index
    tpu.barrier barrier_id(%barrier3A)
    %scan3A_27 = arith.constant 0 : i32
    %scan3A_28 = arith.constant 0 : i32
    %scan3A_29 = arith.constant 39 : i32
    %scan3A_30 = arith.addi %scan3A_28, %scan3A_29 : i32
    %scan3A_31 = arith.constant 1 : i32
    %scan3A_32 = scf.for %scan3A_47 = %scan3A_28 to %scan3A_30 step %scan3A_31 iter_args(%scan3A_48 = %scan3A_27) -> (i32)  : i32 {
      %mul3A_49 = arith.constant 2 : i32
      %mul3A_50 = arith.muli %scan3A_47, %mul3A_49 : i32
      %add3A_51 = arith.constant 0 : i32
      %add3A_52 = arith.addi %mul3A_50, %add3A_51 : i32
      %dma_wait3A_53 = tpu.memref_slice %arg4[%mul3A_2] : memref<320000xi32, #tpu.memory_space<hbm>> -> memref<128xi32, #tpu.memory_space<hbm>>
      %dma_wait3A_54 = tpu.memref_slice %arg4[%mul3A_2] : memref<320000xi32, #tpu.memory_space<hbm>> -> memref<128xi32, #tpu.memory_space<hbm>>
      tpu.wait_dma2 semaphore(%arg12 : memref<!tpu.dma_semaphore, #tpu.memory_space<semaphore_mem>>) src(%dma_wait3A_54 : memref<128xi32, #tpu.memory_space<hbm>>) dst(%arg7 : memref<128xi32, #tpu.memory_space<vmem>>)
      %dma_wait3A_55 = arith.constant 0 : i32
      %dma_wait3A_56 = tpu.memref_slice %arg6[%dma_wait3A_55] : memref<9984xi32, #tpu.memory_space<vmem>> -> memref<128xi32, #tpu.memory_space<vmem>>
      %dma_wait3A_57 = arith.constant 0 : i32
      %dma_wait3A_58 = arith.constant 0 : i32
      %dma_wait3A_59 = tpu.memref_slice %arg2[%dma_wait3A_57, %dma_wait3A_58] : memref<10000x128xf32, #tpu.memory_space<hbm>> -> memref<10000x128xf32, #tpu.memory_space<hbm>>
      tpu.wait_indirect_dma semaphore(%arg12 : memref<!tpu.dma_semaphore, #tpu.memory_space<semaphore_mem>>) src(%dma_wait3A_59 : memref<10000x128xf32, #tpu.memory_space<hbm>>) dst(%arg9 : memref<128x128xf32, #tpu.memory_space<vmem>>)
      %ge3A = arith.constant 1 : i32
      %ge3A_60 = arith.cmpi sge, %add3A_52, %ge3A : i32
      %convert_element_type3A_61 = arith.extui %ge3A_60 : i1 to i32
      %cond3A_62 = arith.constant 0 : i32
      %cond3A_63 = arith.cmpi ne, %convert_element_type3A_61, %cond3A_62 : i32
      scf.if %cond3A_63 {
        %dma_wait3A_101 = arith.constant 0 : i32
        %dma_wait3A_102 = arith.constant 0 : i32
        %dma_wait3A_103 = tpu.memref_slice %arg11[%dma_wait3A_101, %dma_wait3A_102] : memref<10000x128xf32, #tpu.memory_space<vmem_shared>> -> memref<10000x128xf32, #tpu.memory_space<vmem_shared>>
        tpu.wait_indirect_dma semaphore(%arg16 : memref<!tpu.dma_semaphore, #tpu.memory_space<semaphore_mem>>) src(%arg10 : memref<128x128xf32, #tpu.memory_space<vmem>>) dst(%dma_wait3A_103 : memref<10000x128xf32, #tpu.memory_space<vmem_shared>>)
      } else {
      }
      %add3A_64 = arith.constant 1 : i32
      %add3A_65 = arith.addi %add3A_52, %add3A_64 : i32
      %lt3A_66 = arith.constant 78 : i32
      %lt3A_67 = arith.cmpi slt, %add3A_65, %lt3A_66 : i32
      %convert_element_type3A_68 = arith.extui %lt3A_67 : i1 to i32
      %cond3A_69 = arith.constant 0 : i32
      %cond3A_70 = arith.cmpi ne, %convert_element_type3A_68, %cond3A_69 : i32
      scf.if %cond3A_70 {
        %add3A_101 = arith.constant 1 : i32
        %add3A_102 = arith.addi %add3A_52, %add3A_101 : i32
        %mul3A_103 = arith.constant 128 : i32
        %mul3A_104 = arith.muli %add3A_102, %mul3A_103 : i32
        %add3A_105 = arith.addi %mul3A_2, %mul3A_104 : i32
        %dma_start3A_106 = tpu.memref_slice %arg4[%add3A_105] : memref<320000xi32, #tpu.memory_space<hbm>> -> memref<128xi32, #tpu.memory_space<hbm>>
        %dma_start3A_107 = tpu.memref_slice %arg4[%add3A_105] : memref<320000xi32, #tpu.memory_space<hbm>> -> memref<128xi32, #tpu.memory_space<hbm>>
        tpu.enqueue_dma source(%dma_start3A_107 : memref<128xi32, #tpu.memory_space<hbm>>) target(%arg8 : memref<128xi32, #tpu.memory_space<vmem>>) target_semaphore(%arg15 : memref<!tpu.dma_semaphore, #tpu.memory_space<semaphore_mem>>)
        %mul3A_108 = arith.constant 128 : i32
        %mul3A_109 = arith.muli %add3A_102, %mul3A_108 : i32
        %dma_start3A_110 = tpu.memref_slice %arg6[%mul3A_109] : memref<9984xi32, #tpu.memory_space<vmem>> -> memref<128xi32, #tpu.memory_space<vmem>>
        %dma_start3A_111 = arith.constant 0 : i32
        %dma_start3A_112 = arith.constant 0 : i32
        %dma_start3A_113 = tpu.memref_slice %arg2[%dma_start3A_111, %dma_start3A_112] : memref<10000x128xf32, #tpu.memory_space<hbm>> -> memref<10000x128xf32, #tpu.memory_space<hbm>>
        tpu.enqueue_indirect_dma source(%dma_start3A_113 : memref<10000x128xf32, #tpu.memory_space<hbm>>) target(%arg10 : memref<128x128xf32, #tpu.memory_space<vmem>>) offsets(%dma_start3A_110 : memref<128xi32, #tpu.memory_space<vmem>>) semaphore(%arg15 : memref<!tpu.dma_semaphore, #tpu.memory_space<semaphore_mem>>)
      } else {
      }
      %dma_start3A_71 = arith.constant 0 : i32
      %dma_start3A_72 = arith.constant 0 : i32
      %dma_start3A_73 = tpu.memref_slice %arg11[%dma_start3A_71, %dma_start3A_72] : memref<10000x128xf32, #tpu.memory_space<vmem_shared>> -> memref<10000x128xf32, #tpu.memory_space<vmem_shared>>
      tpu.enqueue_indirect_dma source(%arg9 : memref<128x128xf32, #tpu.memory_space<vmem>>) target(%dma_start3A_73 : memref<10000x128xf32, #tpu.memory_space<vmem_shared>>) offsets(%arg7 : memref<128xi32, #tpu.memory_space<vmem>>) semaphore(%arg14 : memref<!tpu.dma_semaphore, #tpu.memory_space<semaphore_mem>>) {add = true}
      %mul3A_74 = arith.constant 2 : i32
      %mul3A_75 = arith.muli %scan3A_47, %mul3A_74 : i32
      %add3A_76 = arith.constant 1 : i32
      %add3A_77 = arith.addi %mul3A_75, %add3A_76 : i32
      %dma_wait3A_78 = tpu.memref_slice %arg4[%mul3A_2] : memref<320000xi32, #tpu.memory_space<hbm>> -> memref<128xi32, #tpu.memory_space<hbm>>
      %dma_wait3A_79 = tpu.memref_slice %arg4[%mul3A_2] : memref<320000xi32, #tpu.memory_space<hbm>> -> memref<128xi32, #tpu.memory_space<hbm>>
      tpu.wait_dma2 semaphore(%arg15 : memref<!tpu.dma_semaphore, #tpu.memory_space<semaphore_mem>>) src(%dma_wait3A_79 : memref<128xi32, #tpu.memory_space<hbm>>) dst(%arg8 : memref<128xi32, #tpu.memory_space<vmem>>)
      %dma_wait3A_80 = arith.constant 0 : i32
      %dma_wait3A_81 = tpu.memref_slice %arg6[%dma_wait3A_80] : memref<9984xi32, #tpu.memory_space<vmem>> -> memref<128xi32, #tpu.memory_space<vmem>>
      %dma_wait3A_82 = arith.constant 0 : i32
      %dma_wait3A_83 = arith.constant 0 : i32
      %dma_wait3A_84 = tpu.memref_slice %arg2[%dma_wait3A_82, %dma_wait3A_83] : memref<10000x128xf32, #tpu.memory_space<hbm>> -> memref<10000x128xf32, #tpu.memory_space<hbm>>
      tpu.wait_indirect_dma semaphore(%arg15 : memref<!tpu.dma_semaphore, #tpu.memory_space<semaphore_mem>>) src(%dma_wait3A_84 : memref<10000x128xf32, #tpu.memory_space<hbm>>) dst(%arg10 : memref<128x128xf32, #tpu.memory_space<vmem>>)
      %ge3A_85 = arith.constant 1 : i32
      %ge3A_86 = arith.cmpi sge, %add3A_77, %ge3A_85 : i32
      %convert_element_type3A_87 = arith.extui %ge3A_86 : i1 to i32
      %cond3A_88 = arith.constant 0 : i32
      %cond3A_89 = arith.cmpi ne, %convert_element_type3A_87, %cond3A_88 : i32
      scf.if %cond3A_89 {
        %dma_wait3A_101 = arith.constant 0 : i32
        %dma_wait3A_102 = arith.constant 0 : i32
        %dma_wait3A_103 = tpu.memref_slice %arg11[%dma_wait3A_101, %dma_wait3A_102] : memref<10000x128xf32, #tpu.memory_space<vmem_shared>> -> memref<10000x128xf32, #tpu.memory_space<vmem_shared>>
        tpu.wait_indirect_dma semaphore(%arg14 : memref<!tpu.dma_semaphore, #tpu.memory_space<semaphore_mem>>) src(%arg9 : memref<128x128xf32, #tpu.memory_space<vmem>>) dst(%dma_wait3A_103 : memref<10000x128xf32, #tpu.memory_space<vmem_shared>>)
      } else {
      }
      %add3A_90 = arith.constant 1 : i32
      %add3A_91 = arith.addi %add3A_77, %add3A_90 : i32
      %lt3A_92 = arith.constant 78 : i32
      %lt3A_93 = arith.cmpi slt, %add3A_91, %lt3A_92 : i32
      %convert_element_type3A_94 = arith.extui %lt3A_93 : i1 to i32
      %cond3A_95 = arith.constant 0 : i32
      %cond3A_96 = arith.cmpi ne, %convert_element_type3A_94, %cond3A_95 : i32
      scf.if %cond3A_96 {
        %add3A_101 = arith.constant 1 : i32
        %add3A_102 = arith.addi %add3A_77, %add3A_101 : i32
        %mul3A_103 = arith.constant 128 : i32
        %mul3A_104 = arith.muli %add3A_102, %mul3A_103 : i32
        %add3A_105 = arith.addi %mul3A_2, %mul3A_104 : i32
        %dma_start3A_106 = tpu.memref_slice %arg4[%add3A_105] : memref<320000xi32, #tpu.memory_space<hbm>> -> memref<128xi32, #tpu.memory_space<hbm>>
        %dma_start3A_107 = tpu.memref_slice %arg4[%add3A_105] : memref<320000xi32, #tpu.memory_space<hbm>> -> memref<128xi32, #tpu.memory_space<hbm>>
        tpu.enqueue_dma source(%dma_start3A_107 : memref<128xi32, #tpu.memory_space<hbm>>) target(%arg7 : memref<128xi32, #tpu.memory_space<vmem>>) target_semaphore(%arg12 : memref<!tpu.dma_semaphore, #tpu.memory_space<semaphore_mem>>)
        %mul3A_108 = arith.constant 128 : i32
        %mul3A_109 = arith.muli %add3A_102, %mul3A_108 : i32
        %dma_start3A_110 = tpu.memref_slice %arg6[%mul3A_109] : memref<9984xi32, #tpu.memory_space<vmem>> -> memref<128xi32, #tpu.memory_space<vmem>>
        %dma_start3A_111 = arith.constant 0 : i32
        %dma_start3A_112 = arith.constant 0 : i32
        %dma_start3A_113 = tpu.memref_slice %arg2[%dma_start3A_111, %dma_start3A_112] : memref<10000x128xf32, #tpu.memory_space<hbm>> -> memref<10000x128xf32, #tpu.memory_space<hbm>>
        tpu.enqueue_indirect_dma source(%dma_start3A_113 : memref<10000x128xf32, #tpu.memory_space<hbm>>) target(%arg9 : memref<128x128xf32, #tpu.memory_space<vmem>>) offsets(%dma_start3A_110 : memref<128xi32, #tpu.memory_space<vmem>>) semaphore(%arg12 : memref<!tpu.dma_semaphore, #tpu.memory_space<semaphore_mem>>)
      } else {
      }
      %dma_start3A_97 = arith.constant 0 : i32
      %dma_start3A_98 = arith.constant 0 : i32
      %dma_start3A_99 = tpu.memref_slice %arg11[%dma_start3A_97, %dma_start3A_98] : memref<10000x128xf32, #tpu.memory_space<vmem_shared>> -> memref<10000x128xf32, #tpu.memory_space<vmem_shared>>
      tpu.enqueue_indirect_dma source(%arg10 : memref<128x128xf32, #tpu.memory_space<vmem>>) target(%dma_start3A_99 : memref<10000x128xf32, #tpu.memory_space<vmem_shared>>) offsets(%arg8 : memref<128xi32, #tpu.memory_space<vmem>>) semaphore(%arg16 : memref<!tpu.dma_semaphore, #tpu.memory_space<semaphore_mem>>) {add = true}
      %scan3A_100 = arith.constant 0 : i32
      scf.yield %scan3A_100 : i32
    }
    %scan3A_33 = arith.constant 39 : i32
    %dma_wait3A_34 = arith.constant 0 : i32
    %dma_wait3A_35 = arith.constant 0 : i32
    %dma_wait3A_36 = tpu.memref_slice %arg11[%dma_wait3A_34, %dma_wait3A_35] : memref<10000x128xf32, #tpu.memory_space<vmem_shared>> -> memref<10000x128xf32, #tpu.memory_space<vmem_shared>>
    tpu.wait_indirect_dma semaphore(%arg16 : memref<!tpu.dma_semaphore, #tpu.memory_space<semaphore_mem>>) src(%arg10 : memref<128x128xf32, #tpu.memory_space<vmem>>) dst(%dma_wait3A_36 : memref<10000x128xf32, #tpu.memory_space<vmem_shared>>)
    %lt3A = arith.constant 4 : i32
    %lt3A_37 = arith.cmpi slt, %add3A, %lt3A : i32
    %convert_element_type3A = arith.extui %lt3A_37 : i1 to i32
    %cond3A = arith.constant 0 : i32
    %cond3A_38 = arith.cmpi ne, %convert_element_type3A, %cond3A : i32
    scf.if %cond3A_38 {
      %mul3A_47 = arith.constant 128 : i32
      %mul3A_48 = arith.muli %add3A, %mul3A_47 : i32
      %add3A_49 = arith.constant 319488 : i32
      %add3A_50 = arith.addi %add3A_49, %mul3A_48 : i32
      "tpu.region"() ({
        %run_scoped3A = tpu.sem_alloc : memref<!tpu.dma_semaphore, #tpu.memory_space<semaphore_mem>>
        %dma_start3A_57 = tpu.memref_slice %arg3[%add3A_50] : memref<320000xi32, #tpu.memory_space<hbm>> -> memref<128xi32, #tpu.memory_space<hbm>>
        %dma_start3A_58 = tpu.memref_slice %arg3[%add3A_50] : memref<320000xi32, #tpu.memory_space<hbm>> -> memref<128xi32, #tpu.memory_space<hbm>>
        tpu.enqueue_dma source(%dma_start3A_58 : memref<128xi32, #tpu.memory_space<hbm>>) target(%arg8 : memref<128xi32, #tpu.memory_space<vmem>>) target_semaphore(%run_scoped3A : memref<!tpu.dma_semaphore, #tpu.memory_space<semaphore_mem>>)
        %dma_wait3A_59 = tpu.memref_slice %arg3[%add3A_50] : memref<320000xi32, #tpu.memory_space<hbm>> -> memref<128xi32, #tpu.memory_space<hbm>>
        %dma_wait3A_60 = tpu.memref_slice %arg3[%add3A_50] : memref<320000xi32, #tpu.memory_space<hbm>> -> memref<128xi32, #tpu.memory_space<hbm>>
        tpu.wait_dma2 semaphore(%run_scoped3A : memref<!tpu.dma_semaphore, #tpu.memory_space<semaphore_mem>>) src(%dma_wait3A_60 : memref<128xi32, #tpu.memory_space<hbm>>) dst(%arg8 : memref<128xi32, #tpu.memory_space<vmem>>)
        tpu.yield
      }) : () -> ()
      "tpu.region"() ({
        %run_scoped3A = tpu.sem_alloc : memref<!tpu.dma_semaphore, #tpu.memory_space<semaphore_mem>>
        %dma_start3A_57 = tpu.memref_slice %arg4[%add3A_50] : memref<320000xi32, #tpu.memory_space<hbm>> -> memref<128xi32, #tpu.memory_space<hbm>>
        %dma_start3A_58 = tpu.memref_slice %arg4[%add3A_50] : memref<320000xi32, #tpu.memory_space<hbm>> -> memref<128xi32, #tpu.memory_space<hbm>>
        tpu.enqueue_dma source(%dma_start3A_58 : memref<128xi32, #tpu.memory_space<hbm>>) target(%arg7 : memref<128xi32, #tpu.memory_space<vmem>>) target_semaphore(%run_scoped3A : memref<!tpu.dma_semaphore, #tpu.memory_space<semaphore_mem>>)
        %dma_wait3A_59 = tpu.memref_slice %arg4[%add3A_50] : memref<320000xi32, #tpu.memory_space<hbm>> -> memref<128xi32, #tpu.memory_space<hbm>>
        %dma_wait3A_60 = tpu.memref_slice %arg4[%add3A_50] : memref<320000xi32, #tpu.memory_space<hbm>> -> memref<128xi32, #tpu.memory_space<hbm>>
        tpu.wait_dma2 semaphore(%run_scoped3A : memref<!tpu.dma_semaphore, #tpu.memory_space<semaphore_mem>>) src(%dma_wait3A_60 : memref<128xi32, #tpu.memory_space<hbm>>) dst(%arg7 : memref<128xi32, #tpu.memory_space<vmem>>)
        tpu.yield
      }) : () -> ()
      %dma_start3A_51 = arith.constant 0 : i32
      %dma_start3A_52 = arith.constant 0 : i32
      %dma_start3A_53 = tpu.memref_slice %arg2[%dma_start3A_51, %dma_start3A_52] : memref<10000x128xf32, #tpu.memory_space<hbm>> -> memref<10000x128xf32, #tpu.memory_space<hbm>>
      tpu.enqueue_indirect_dma source(%dma_start3A_53 : memref<10000x128xf32, #tpu.memory_space<hbm>>) target(%arg9 : memref<128x128xf32, #tpu.memory_space<vmem>>) offsets(%arg8 : memref<128xi32, #tpu.memory_space<vmem>>) semaphore(%arg12 : memref<!tpu.dma_semaphore, #tpu.memory_space<semaphore_mem>>)
      %dma_wait3A_54 = arith.constant 0 : i32
      %dma_wait3A_55 = arith.constant 0 : i32
      %dma_wait3A_56 = tpu.memref_slice %arg2[%dma_wait3A_54, %dma_wait3A_55] : memref<10000x128xf32, #tpu.memory_space<hbm>> -> memref<10000x128xf32, #tpu.memory_space<hbm>>
      tpu.wait_indirect_dma semaphore(%arg12 : memref<!tpu.dma_semaphore, #tpu.memory_space<semaphore_mem>>) src(%dma_wait3A_56 : memref<10000x128xf32, #tpu.memory_space<hbm>>) dst(%arg9 : memref<128x128xf32, #tpu.memory_space<vmem>>)
      "tpu.region"() ({
        %run_scoped3A = tpu.sem_alloc : memref<!tpu.dma_semaphore, #tpu.memory_space<semaphore_mem>>
        %dma_start3A_57 = arith.constant 0 : i32
        %dma_start3A_58 = arith.constant 0 : i32
        %dma_start3A_59 = tpu.memref_slice %arg11[%dma_start3A_57, %dma_start3A_58] : memref<10000x128xf32, #tpu.memory_space<vmem_shared>> -> memref<10000x128xf32, #tpu.memory_space<vmem_shared>>
        tpu.enqueue_indirect_dma source(%arg9 : memref<128x128xf32, #tpu.memory_space<vmem>>) target(%dma_start3A_59 : memref<10000x128xf32, #tpu.memory_space<vmem_shared>>) offsets(%arg7 : memref<128xi32, #tpu.memory_space<vmem>>) semaphore(%run_scoped3A : memref<!tpu.dma_semaphore, #tpu.memory_space<semaphore_mem>>) {add = true}
        %dma_wait3A_60 = arith.constant 0 : i32
        %dma_wait3A_61 = arith.constant 0 : i32
        %dma_wait3A_62 = tpu.memref_slice %arg11[%dma_wait3A_60, %dma_wait3A_61] : memref<10000x128xf32, #tpu.memory_space<vmem_shared>> -> memref<10000x128xf32, #tpu.memory_space<vmem_shared>>
        tpu.wait_indirect_dma semaphore(%run_scoped3A : memref<!tpu.dma_semaphore, #tpu.memory_space<semaphore_mem>>) src(%arg9 : memref<128x128xf32, #tpu.memory_space<vmem>>) dst(%dma_wait3A_62 : memref<10000x128xf32, #tpu.memory_space<vmem_shared>>)
        tpu.yield
      }) : () -> ()
    } else {
    }
    %barrier3A_39 = arith.constant 0 : index
    tpu.barrier barrier_id(%barrier3A_39)
    %scan3A_40 = arith.constant 0 : i32
    %scan3A_41 = arith.constant 0 : i32
    %scan3A_42 = arith.constant 5 : i32
    %scan3A_43 = arith.addi %scan3A_41, %scan3A_42 : i32
    %scan3A_44 = arith.constant 1 : i32
    %scan3A_45 = scf.for %scan3A_47 = %scan3A_41 to %scan3A_43 step %scan3A_44 iter_args(%scan3A_48 = %scan3A_40) -> (i32)  : i32 {
      %mul3A_49 = arith.constant 16 : i32
      %mul3A_50 = arith.muli %scan3A_47, %mul3A_49 : i32
      %add3A_51 = arith.addi %arg1, %mul3A_50 : i32
      %lt3A_52 = arith.constant 78 : i32
      %lt3A_53 = arith.cmpi slt, %add3A_51, %lt3A_52 : i32
      %convert_element_type3A_54 = arith.extui %lt3A_53 : i1 to i32
      %cond3A_55 = arith.constant 0 : i32
      %cond3A_56 = arith.cmpi ne, %convert_element_type3A_54, %cond3A_55 : i32
      scf.if %cond3A_56 {
        %mul3A_62 = arith.constant 128 : i32
        %mul3A_63 = arith.muli %add3A_51, %mul3A_62 : i32
        %mul3A_64 = arith.constant 128 : i32
        %mul3A_65 = arith.muli %add3A_51, %mul3A_64 : i32
        "tpu.region"() ({
          %run_scoped3A = tpu.sem_alloc : memref<!tpu.dma_semaphore, #tpu.memory_space<semaphore_mem>>
          %dma_start3A_66 = arith.constant 0 : i32
          %dma_start3A_67 = tpu.memref_slice %arg5[%arg0, %mul3A_65, %dma_start3A_66] : memref<2x10000x128xf32, #tpu.memory_space<hbm>> -> memref<1x128x128xf32, #tpu.memory_space<hbm>>
          %dma_start3A_68 = tpu.memref_squeeze %dma_start3A_67 : memref<1x128x128xf32, #tpu.memory_space<hbm>> -> memref<128x128xf32, #tpu.memory_space<hbm>>
          %dma_start3A_69 = arith.constant 0 : i32
          %dma_start3A_70 = tpu.memref_slice %arg11[%mul3A_63, %dma_start3A_69] : memref<10000x128xf32, #tpu.memory_space<vmem_shared>> -> memref<128x128xf32, #tpu.memory_space<vmem_shared>>
          tpu.enqueue_dma source(%dma_start3A_70 : memref<128x128xf32, #tpu.memory_space<vmem_shared>>) target(%dma_start3A_68 : memref<128x128xf32, #tpu.memory_space<hbm>>) target_semaphore(%run_scoped3A : memref<!tpu.dma_semaphore, #tpu.memory_space<semaphore_mem>>)
          %dma_wait3A_71 = arith.constant 0 : i32
          %dma_wait3A_72 = tpu.memref_slice %arg5[%arg0, %mul3A_65, %dma_wait3A_71] : memref<2x10000x128xf32, #tpu.memory_space<hbm>> -> memref<1x128x128xf32, #tpu.memory_space<hbm>>
          %dma_wait3A_73 = tpu.memref_squeeze %dma_wait3A_72 : memref<1x128x128xf32, #tpu.memory_space<hbm>> -> memref<128x128xf32, #tpu.memory_space<hbm>>
          %dma_wait3A_74 = arith.constant 0 : i32
          %dma_wait3A_75 = tpu.memref_slice %arg11[%mul3A_63, %dma_wait3A_74] : memref<10000x128xf32, #tpu.memory_space<vmem_shared>> -> memref<128x128xf32, #tpu.memory_space<vmem_shared>>
          tpu.wait_dma2 semaphore(%run_scoped3A : memref<!tpu.dma_semaphore, #tpu.memory_space<semaphore_mem>>) src(%dma_wait3A_75 : memref<128x128xf32, #tpu.memory_space<vmem_shared>>) dst(%dma_wait3A_73 : memref<128x128xf32, #tpu.memory_space<hbm>>)
          tpu.yield
        }) : () -> ()
      } else {
      }
      %eq3A = arith.constant 78 : i32
      %eq3A_57 = arith.cmpi eq, %add3A_51, %eq3A : i32
      %convert_element_type3A_58 = arith.extui %eq3A_57 : i1 to i32
      %cond3A_59 = arith.constant 0 : i32
      %cond3A_60 = arith.cmpi ne, %convert_element_type3A_58, %cond3A_59 : i32
      scf.if %cond3A_60 {
        "tpu.region"() ({
          %run_scoped3A = tpu.sem_alloc : memref<!tpu.dma_semaphore, #tpu.memory_space<semaphore_mem>>
          %dma_start3A_62 = arith.constant 9984 : i32
          %dma_start3A_63 = arith.constant 0 : i32
          %dma_start3A_64 = tpu.memref_slice %arg5[%arg0, %dma_start3A_62, %dma_start3A_63] : memref<2x10000x128xf32, #tpu.memory_space<hbm>> -> memref<1x16x128xf32, #tpu.memory_space<hbm>>
          %dma_start3A_65 = tpu.memref_squeeze %dma_start3A_64 : memref<1x16x128xf32, #tpu.memory_space<hbm>> -> memref<16x128xf32, #tpu.memory_space<hbm>>
          %dma_start3A_66 = arith.constant 9984 : i32
          %dma_start3A_67 = arith.constant 0 : i32
          %dma_start3A_68 = tpu.memref_slice %arg11[%dma_start3A_66, %dma_start3A_67] : memref<10000x128xf32, #tpu.memory_space<vmem_shared>> -> memref<16x128xf32, #tpu.memory_space<vmem_shared>>
          tpu.enqueue_dma source(%dma_start3A_68 : memref<16x128xf32, #tpu.memory_space<vmem_shared>>) target(%dma_start3A_65 : memref<16x128xf32, #tpu.memory_space<hbm>>) target_semaphore(%run_scoped3A : memref<!tpu.dma_semaphore, #tpu.memory_space<semaphore_mem>>)
          %dma_wait3A_69 = arith.constant 9984 : i32
          %dma_wait3A_70 = arith.constant 0 : i32
          %dma_wait3A_71 = tpu.memref_slice %arg5[%arg0, %dma_wait3A_69, %dma_wait3A_70] : memref<2x10000x128xf32, #tpu.memory_space<hbm>> -> memref<1x16x128xf32, #tpu.memory_space<hbm>>
          %dma_wait3A_72 = tpu.memref_squeeze %dma_wait3A_71 : memref<1x16x128xf32, #tpu.memory_space<hbm>> -> memref<16x128xf32, #tpu.memory_space<hbm>>
          %dma_wait3A_73 = arith.constant 9984 : i32
          %dma_wait3A_74 = arith.constant 0 : i32
          %dma_wait3A_75 = tpu.memref_slice %arg11[%dma_wait3A_73, %dma_wait3A_74] : memref<10000x128xf32, #tpu.memory_space<vmem_shared>> -> memref<16x128xf32, #tpu.memory_space<vmem_shared>>
          tpu.wait_dma2 semaphore(%run_scoped3A : memref<!tpu.dma_semaphore, #tpu.memory_space<semaphore_mem>>) src(%dma_wait3A_75 : memref<16x128xf32, #tpu.memory_space<vmem_shared>>) dst(%dma_wait3A_72 : memref<16x128xf32, #tpu.memory_space<hbm>>)
          tpu.yield
        }) : () -> ()
      } else {
      }
      %scan3A_61 = arith.constant 0 : i32
      scf.yield %scan3A_61 : i32
    }
    %scan3A_46 = arith.constant 5 : i32
    return
  }
}

module attributes {stable_mosaic.version = 14 : i64} {
  func.func @_mlp_body(%arg0: i32, %arg1: memref<1xf32, #tpu.memory_space<smem>>, %arg2: memref<1000x128xf32, #tpu.memory_space<vmem>>, %arg3: memref<1000x128xf32, #tpu.memory_space<vmem>>, %arg4: memref<1000x128xf32, #tpu.memory_space<vmem>>, %arg5: memref<128x128xf32, #tpu.memory_space<vmem>>, %arg6: memref<1x128xf32, #tpu.memory_space<vmem>>, %arg7: memref<128x128xf32, #tpu.memory_space<vmem>>, %arg8: memref<1x128xf32, #tpu.memory_space<vmem>>, %arg9: memref<1x128xf32, #tpu.memory_space<vmem>>, %arg10: memref<1x128xf32, #tpu.memory_space<vmem>>, %arg11: memref<1000x128xf32, #tpu.memory_space<vmem>>) attributes {dimension_semantics = [#tpu.dimension_semantics<arbitrary>], iteration_bounds = array<i64: 10>, scalar_prefetch = 0 : i64, scratch_operands = 0 : i64, tpu.core_type = #tpu.core_type<tc>, window_params = [{transform_indices = @transform_0, window_bounds = array<i64: 1>}, {transform_indices = @transform_1, window_bounds = array<i64: 1000, 128>}, {transform_indices = @transform_2, window_bounds = array<i64: 1000, 128>}, {transform_indices = @transform_3, window_bounds = array<i64: 1000, 128>}, {pipeline_mode = #tpu.pipeline_mode<synchronous>, transform_indices = @transform_4, window_bounds = array<i64: 128, 128>}, {pipeline_mode = #tpu.pipeline_mode<synchronous>, transform_indices = @transform_5, window_bounds = array<i64: 1, 128>}, {pipeline_mode = #tpu.pipeline_mode<synchronous>, transform_indices = @transform_6, window_bounds = array<i64: 128, 128>}, {pipeline_mode = #tpu.pipeline_mode<synchronous>, transform_indices = @transform_7, window_bounds = array<i64: 1, 128>}, {pipeline_mode = #tpu.pipeline_mode<synchronous>, transform_indices = @transform_8, window_bounds = array<i64: 1, 128>}, {pipeline_mode = #tpu.pipeline_mode<synchronous>, transform_indices = @transform_9, window_bounds = array<i64: 1, 128>}, {transform_indices = @transform_10, window_bounds = array<i64: 1000, 128>}]} {
    %get3A = arith.constant 0 : index
    %get3A_0 = memref.load %arg1[%get3A] : memref<1xf32, #tpu.memory_space<smem>>
    %get3A_1 = arith.constant 0 : index
    %get3A_2 = arith.constant 0 : index
    %get3A_3 = vector.load %arg2[%get3A_1, %get3A_2] : memref<1000x128xf32, #tpu.memory_space<vmem>>, vector<1000x128xf32>
    %mul3A = vector.broadcast %get3A_0 : f32 to vector<1000x128xf32>
    %mul3A_4 = arith.mulf %get3A_3, %mul3A : vector<1000x128xf32>
    %get3A_5 = arith.constant 0 : index
    %get3A_6 = arith.constant 0 : index
    %get3A_7 = vector.load %arg3[%get3A_5, %get3A_6] : memref<1000x128xf32, #tpu.memory_space<vmem>>, vector<1000x128xf32>
    %add3A = arith.addf %mul3A_4, %get3A_7 : vector<1000x128xf32>
    %get3A_8 = arith.constant 0 : index
    %get3A_9 = arith.constant 0 : index
    %get3A_10 = vector.load %arg4[%get3A_8, %get3A_9] : memref<1000x128xf32, #tpu.memory_space<vmem>>, vector<1000x128xf32>
    %add3A_11 = arith.addf %add3A, %get3A_10 : vector<1000x128xf32>
    %get3A_12 = arith.constant 0 : index
    %get3A_13 = arith.constant 0 : index
    %get3A_14 = vector.load %arg5[%get3A_12, %get3A_13] : memref<128x128xf32, #tpu.memory_space<vmem>>, vector<128x128xf32>
    %dot_general3A = arith.constant dense<0.000000e+00> : vector<1000x128xf32>
    %dot_general3A_15 = tpu.matmul %add3A_11, %get3A_14, %dot_general3A {dimension_numbers = #tpu.dot_dimension_numbers<[1], [0], [0], [1], [0, 0, 1, 1], [], []>, transpose_lhs_hint = false} : vector<1000x128xf32>, vector<128x128xf32>, vector<1000x128xf32> -> vector<1000x128xf32>
    %get3A_16 = arith.constant 0 : index
    %get3A_17 = arith.constant 0 : index
    %get3A_18 = vector.load %arg6[%get3A_16, %get3A_17] : memref<1x128xf32, #tpu.memory_space<vmem>>, vector<1x128xf32>
    %add3A_19 = vector.broadcast %get3A_18 : vector<1x128xf32> to vector<1000x128xf32>
    %add3A_20 = arith.addf %dot_general3A_15, %add3A_19 : vector<1000x128xf32>
    %max3A = arith.constant 0.000000e+00 : f32
    %max3A_21 = vector.broadcast %max3A : f32 to vector<1000x128xf32>
    %max3A_22 = arith.maximumf %add3A_20, %max3A_21 : vector<1000x128xf32>
    %get3A_23 = arith.constant 0 : index
    %get3A_24 = arith.constant 0 : index
    %get3A_25 = vector.load %arg7[%get3A_23, %get3A_24] : memref<128x128xf32, #tpu.memory_space<vmem>>, vector<128x128xf32>
    %dot_general3A_26 = arith.constant dense<0.000000e+00> : vector<1000x128xf32>
    %dot_general3A_27 = tpu.matmul %max3A_22, %get3A_25, %dot_general3A_26 {dimension_numbers = #tpu.dot_dimension_numbers<[1], [0], [0], [1], [0, 0, 1, 1], [], []>, transpose_lhs_hint = false} : vector<1000x128xf32>, vector<128x128xf32>, vector<1000x128xf32> -> vector<1000x128xf32>
    %get3A_28 = arith.constant 0 : index
    %get3A_29 = arith.constant 0 : index
    %get3A_30 = vector.load %arg8[%get3A_28, %get3A_29] : memref<1x128xf32, #tpu.memory_space<vmem>>, vector<1x128xf32>
    %add3A_31 = vector.broadcast %get3A_30 : vector<1x128xf32> to vector<1000x128xf32>
    %add3A_32 = arith.addf %dot_general3A_27, %add3A_31 : vector<1000x128xf32>
    %max3A_33 = arith.constant 0.000000e+00 : f32
    %max3A_34 = vector.broadcast %max3A_33 : f32 to vector<1000x128xf32>
    %max3A_35 = arith.maximumf %add3A_32, %max3A_34 : vector<1000x128xf32>
    %get3A_36 = arith.constant 0 : index
    %get3A_37 = arith.constant 0 : index
    %get3A_38 = vector.load %arg9[%get3A_36, %get3A_37] : memref<1x128xf32, #tpu.memory_space<vmem>>, vector<1x128xf32>
    %mul3A_39 = vector.broadcast %get3A_38 : vector<1x128xf32> to vector<1000x128xf32>
    %mul3A_40 = arith.mulf %max3A_35, %mul3A_39 : vector<1000x128xf32>
    %get3A_41 = arith.constant 0 : index
    %get3A_42 = arith.constant 0 : index
    %get3A_43 = vector.load %arg10[%get3A_41, %get3A_42] : memref<1x128xf32, #tpu.memory_space<vmem>>, vector<1x128xf32>
    %add3A_44 = vector.broadcast %get3A_43 : vector<1x128xf32> to vector<1000x128xf32>
    %add3A_45 = arith.addf %mul3A_40, %add3A_44 : vector<1000x128xf32>
    %swap3A = arith.constant 0 : index
    %swap3A_46 = arith.constant 0 : index
    %swap3A_47 = vector.load %arg11[%swap3A, %swap3A_46] : memref<1000x128xf32, #tpu.memory_space<vmem>>, vector<1000x128xf32>
    tpu.vector_store %arg11[%swap3A, %swap3A_46], %add3A_45 {strides = array<i32>} : memref<1000x128xf32, #tpu.memory_space<vmem>>, vector<1000x128xf32>,
    return
  }
  func.func @transform_0(%arg0: i32) -> i32 {
    %c0_i32 = arith.constant 0 : i32
    %c0_i32_0 = arith.constant 0 : i32
    return %c0_i32 : i32
  }
  func.func @transform_1(%arg0: i32) -> (i32, i32) {
    %c0_i32 = arith.constant 0 : i32
    %c0_i32_0 = arith.constant 0 : i32
    return %arg0, %c0_i32 : i32, i32
  }
  func.func @transform_2(%arg0: i32) -> (i32, i32) {
    %c0_i32 = arith.constant 0 : i32
    %c0_i32_0 = arith.constant 0 : i32
    return %arg0, %c0_i32 : i32, i32
  }
  func.func @transform_3(%arg0: i32) -> (i32, i32) {
    %c0_i32 = arith.constant 0 : i32
    %c0_i32_0 = arith.constant 0 : i32
    return %arg0, %c0_i32 : i32, i32
  }
  func.func @transform_4(%arg0: i32) -> (i32, i32) {
    %c0_i32 = arith.constant 0 : i32
    %c0_i32_0 = arith.constant 0 : i32
    %c0_i32_1 = arith.constant 0 : i32
    return %c0_i32, %c0_i32_0 : i32, i32
  }
  func.func @transform_5(%arg0: i32) -> (i32, i32) {
    %c0_i32 = arith.constant 0 : i32
    %c0_i32_0 = arith.constant 0 : i32
    %c0_i32_1 = arith.constant 0 : i32
    return %c0_i32, %c0_i32_0 : i32, i32
  }
  func.func @transform_6(%arg0: i32) -> (i32, i32) {
    %c0_i32 = arith.constant 0 : i32
    %c0_i32_0 = arith.constant 0 : i32
    %c0_i32_1 = arith.constant 0 : i32
    return %c0_i32, %c0_i32_0 : i32, i32
  }
  func.func @transform_7(%arg0: i32) -> (i32, i32) {
    %c0_i32 = arith.constant 0 : i32
    %c0_i32_0 = arith.constant 0 : i32
    %c0_i32_1 = arith.constant 0 : i32
    return %c0_i32, %c0_i32_0 : i32, i32
  }
  func.func @transform_8(%arg0: i32) -> (i32, i32) {
    %c0_i32 = arith.constant 0 : i32
    %c0_i32_0 = arith.constant 0 : i32
    %c0_i32_1 = arith.constant 0 : i32
    return %c0_i32, %c0_i32_0 : i32, i32
  }
  func.func @transform_9(%arg0: i32) -> (i32, i32) {
    %c0_i32 = arith.constant 0 : i32
    %c0_i32_0 = arith.constant 0 : i32
    %c0_i32_1 = arith.constant 0 : i32
    return %c0_i32, %c0_i32_0 : i32, i32
  }
  func.func @transform_10(%arg0: i32) -> (i32, i32) {
    %c0_i32 = arith.constant 0 : i32
    %c0_i32_0 = arith.constant 0 : i32
    return %arg0, %c0_i32 : i32, i32
  }
}

module attributes {stable_mosaic.version = 14 : i64} {
  func.func @_mlp_body(%arg0: i32, %arg1: memref<1xf32, #tpu.memory_space<smem>>, %arg2: memref<1000x128xf32, #tpu.memory_space<vmem>>, %arg3: memref<1000x128xf32, #tpu.memory_space<vmem>>, %arg4: memref<1000x128xf32, #tpu.memory_space<vmem>>, %arg5: memref<128x128xf32, #tpu.memory_space<vmem>>, %arg6: memref<1x128xf32, #tpu.memory_space<vmem>>, %arg7: memref<128x128xf32, #tpu.memory_space<vmem>>, %arg8: memref<1x128xf32, #tpu.memory_space<vmem>>, %arg9: memref<1x128xf32, #tpu.memory_space<vmem>>, %arg10: memref<1x128xf32, #tpu.memory_space<vmem>>, %arg11: memref<1000x128xf32, #tpu.memory_space<vmem>>) attributes {dimension_semantics = [#tpu.dimension_semantics<arbitrary>], iteration_bounds = array<i64: 10>, scalar_prefetch = 0 : i64, scratch_operands = 0 : i64, tpu.core_type = #tpu.core_type<tc>, window_params = [{transform_indices = @transform_0, window_bounds = array<i64: 1>}, {transform_indices = @transform_1, window_bounds = array<i64: 1000, 128>}, {transform_indices = @transform_2, window_bounds = array<i64: 1000, 128>}, {transform_indices = @transform_3, window_bounds = array<i64: 1000, 128>}, {pipeline_mode = #tpu.pipeline_mode<synchronous>, transform_indices = @transform_4, window_bounds = array<i64: 128, 128>}, {pipeline_mode = #tpu.pipeline_mode<synchronous>, transform_indices = @transform_5, window_bounds = array<i64: 1, 128>}, {pipeline_mode = #tpu.pipeline_mode<synchronous>, transform_indices = @transform_6, window_bounds = array<i64: 128, 128>}, {pipeline_mode = #tpu.pipeline_mode<synchronous>, transform_indices = @transform_7, window_bounds = array<i64: 1, 128>}, {pipeline_mode = #tpu.pipeline_mode<synchronous>, transform_indices = @transform_8, window_bounds = array<i64: 1, 128>}, {pipeline_mode = #tpu.pipeline_mode<synchronous>, transform_indices = @transform_9, window_bounds = array<i64: 1, 128>}, {transform_indices = @transform_10, window_bounds = array<i64: 1000, 128>}]} {
    %get3A = arith.constant 0 : index
    %get3A_0 = memref.load %arg1[%get3A] : memref<1xf32, #tpu.memory_space<smem>>
    %get3A_1 = arith.constant 0 : index
    %get3A_2 = arith.constant 0 : index
    %get3A_3 = vector.load %arg2[%get3A_1, %get3A_2] : memref<1000x128xf32, #tpu.memory_space<vmem>>, vector<1000x128xf32>
    %mul3A = vector.broadcast %get3A_0 : f32 to vector<1000x128xf32>
    %mul3A_4 = arith.mulf %get3A_3, %mul3A : vector<1000x128xf32>
    %get3A_5 = arith.constant 0 : index
    %get3A_6 = arith.constant 0 : index
    %get3A_7 = vector.load %arg3[%get3A_5, %get3A_6] : memref<1000x128xf32, #tpu.memory_space<vmem>>, vector<1000x128xf32>
    %add3A = arith.addf %mul3A_4, %get3A_7 : vector<1000x128xf32>
    %get3A_8 = arith.constant 0 : index
    %get3A_9 = arith.constant 0 : index
    %get3A_10 = vector.load %arg4[%get3A_8, %get3A_9] : memref<1000x128xf32, #tpu.memory_space<vmem>>, vector<1000x128xf32>
    %add3A_11 = arith.addf %add3A, %get3A_10 : vector<1000x128xf32>
    %get3A_12 = arith.constant 0 : index
    %get3A_13 = arith.constant 0 : index
    %get3A_14 = vector.load %arg5[%get3A_12, %get3A_13] : memref<128x128xf32, #tpu.memory_space<vmem>>, vector<128x128xf32>
    %dot_general3A = arith.constant dense<0.000000e+00> : vector<1000x128xf32>
    %dot_general3A_15 = tpu.matmul %add3A_11, %get3A_14, %dot_general3A {dimension_numbers = #tpu.dot_dimension_numbers<[1], [0], [0], [1], [0, 0, 1, 1], [], []>, transpose_lhs_hint = false} : vector<1000x128xf32>, vector<128x128xf32>, vector<1000x128xf32> -> vector<1000x128xf32>
    %get3A_16 = arith.constant 0 : index
    %get3A_17 = arith.constant 0 : index
    %get3A_18 = vector.load %arg6[%get3A_16, %get3A_17] : memref<1x128xf32, #tpu.memory_space<vmem>>, vector<1x128xf32>
    %add3A_19 = vector.broadcast %get3A_18 : vector<1x128xf32> to vector<1000x128xf32>
    %add3A_20 = arith.addf %dot_general3A_15, %add3A_19 : vector<1000x128xf32>
    %max3A = arith.constant 0.000000e+00 : f32
    %max3A_21 = vector.broadcast %max3A : f32 to vector<1000x128xf32>
    %max3A_22 = arith.maximumf %add3A_20, %max3A_21 : vector<1000x128xf32>
    %get3A_23 = arith.constant 0 : index
    %get3A_24 = arith.constant 0 : index
    %get3A_25 = vector.load %arg7[%get3A_23, %get3A_24] : memref<128x128xf32, #tpu.memory_space<vmem>>, vector<128x128xf32>
    %dot_general3A_26 = arith.constant dense<0.000000e+00> : vector<1000x128xf32>
    %dot_general3A_27 = tpu.matmul %max3A_22, %get3A_25, %dot_general3A_26 {dimension_numbers = #tpu.dot_dimension_numbers<[1], [0], [0], [1], [0, 0, 1, 1], [], []>, transpose_lhs_hint = false} : vector<1000x128xf32>, vector<128x128xf32>, vector<1000x128xf32> -> vector<1000x128xf32>
    %get3A_28 = arith.constant 0 : index
    %get3A_29 = arith.constant 0 : index
    %get3A_30 = vector.load %arg8[%get3A_28, %get3A_29] : memref<1x128xf32, #tpu.memory_space<vmem>>, vector<1x128xf32>
    %add3A_31 = vector.broadcast %get3A_30 : vector<1x128xf32> to vector<1000x128xf32>
    %add3A_32 = arith.addf %dot_general3A_27, %add3A_31 : vector<1000x128xf32>
    %max3A_33 = arith.constant 0.000000e+00 : f32
    %max3A_34 = vector.broadcast %max3A_33 : f32 to vector<1000x128xf32>
    %max3A_35 = arith.maximumf %add3A_32, %max3A_34 : vector<1000x128xf32>
    %get3A_36 = arith.constant 0 : index
    %get3A_37 = arith.constant 0 : index
    %get3A_38 = vector.load %arg9[%get3A_36, %get3A_37] : memref<1x128xf32, #tpu.memory_space<vmem>>, vector<1x128xf32>
    %mul3A_39 = vector.broadcast %get3A_38 : vector<1x128xf32> to vector<1000x128xf32>
    %mul3A_40 = arith.mulf %max3A_35, %mul3A_39 : vector<1000x128xf32>
    %get3A_41 = arith.constant 0 : index
    %get3A_42 = arith.constant 0 : index
    %get3A_43 = vector.load %arg10[%get3A_41, %get3A_42] : memref<1x128xf32, #tpu.memory_space<vmem>>, vector<1x128xf32>
    %add3A_44 = vector.broadcast %get3A_43 : vector<1x128xf32> to vector<1000x128xf32>
    %add3A_45 = arith.addf %mul3A_40, %add3A_44 : vector<1000x128xf32>
    %swap3A = arith.constant 0 : index
    %swap3A_46 = arith.constant 0 : index
    %swap3A_47 = vector.load %arg11[%swap3A, %swap3A_46] : memref<1000x128xf32, #tpu.memory_space<vmem>>, vector<1000x128xf32>
    tpu.vector_store %arg11[%swap3A, %swap3A_46], %add3A_45 {strides = array<i32>} : memref<1000x128xf32, #tpu.memory_space<vmem>>, vector<1000x128xf32>,
    return
  }
  func.func @transform_0(%arg0: i32) -> i32 {
    %c0_i32 = arith.constant 0 : i32
    %c0_i32_0 = arith.constant 0 : i32
    return %c0_i32 : i32
  }
  func.func @transform_1(%arg0: i32) -> (i32, i32) {
    %c0_i32 = arith.constant 0 : i32
    %c0_i32_0 = arith.constant 0 : i32
    return %arg0, %c0_i32 : i32, i32
  }
  func.func @transform_2(%arg0: i32) -> (i32, i32) {
    %c0_i32 = arith.constant 0 : i32
    %c0_i32_0 = arith.constant 0 : i32
    return %arg0, %c0_i32 : i32, i32
  }
  func.func @transform_3(%arg0: i32) -> (i32, i32) {
    %c0_i32 = arith.constant 0 : i32
    %c0_i32_0 = arith.constant 0 : i32
    return %arg0, %c0_i32 : i32, i32
  }
  func.func @transform_4(%arg0: i32) -> (i32, i32) {
    %c0_i32 = arith.constant 0 : i32
    %c0_i32_0 = arith.constant 0 : i32
    %c0_i32_1 = arith.constant 0 : i32
    return %c0_i32, %c0_i32_0 : i32, i32
  }
  func.func @transform_5(%arg0: i32) -> (i32, i32) {
    %c0_i32 = arith.constant 0 : i32
    %c0_i32_0 = arith.constant 0 : i32
    %c0_i32_1 = arith.constant 0 : i32
    return %c0_i32, %c0_i32_0 : i32, i32
  }
  func.func @transform_6(%arg0: i32) -> (i32, i32) {
    %c0_i32 = arith.constant 0 : i32
    %c0_i32_0 = arith.constant 0 : i32
    %c0_i32_1 = arith.constant 0 : i32
    return %c0_i32, %c0_i32_0 : i32, i32
  }
  func.func @transform_7(%arg0: i32) -> (i32, i32) {
    %c0_i32 = arith.constant 0 : i32
    %c0_i32_0 = arith.constant 0 : i32
    %c0_i32_1 = arith.constant 0 : i32
    return %c0_i32, %c0_i32_0 : i32, i32
  }
  func.func @transform_8(%arg0: i32) -> (i32, i32) {
    %c0_i32 = arith.constant 0 : i32
    %c0_i32_0 = arith.constant 0 : i32
    %c0_i32_1 = arith.constant 0 : i32
    return %c0_i32, %c0_i32_0 : i32, i32
  }
  func.func @transform_9(%arg0: i32) -> (i32, i32) {
    %c0_i32 = arith.constant 0 : i32
    %c0_i32_0 = arith.constant 0 : i32
    %c0_i32_1 = arith.constant 0 : i32
    return %c0_i32, %c0_i32_0 : i32, i32
  }
  func.func @transform_10(%arg0: i32) -> (i32, i32) {
    %c0_i32 = arith.constant 0 : i32
    %c0_i32_0 = arith.constant 0 : i32
    return %arg0, %c0_i32 : i32, i32
  }
}

module attributes {stable_mosaic.version = 14 : i64} {
  func.func @_final_body(%arg0: i32, %arg1: memref<1xf32, #tpu.memory_space<smem>>, %arg2: memref<1x1x1000xi32, #tpu.memory_space<vmem>>, %arg3: memref<1000x128xf32, #tpu.memory_space<vmem>>, %arg4: memref<1000x128xf32, #tpu.memory_space<vmem>>, %arg5: memref<1000x128xf32, #tpu.memory_space<vmem>>, %arg6: memref<1000x128xf32, #tpu.memory_space<vmem>>, %arg7: memref<128x128xf32, #tpu.memory_space<vmem>>, %arg8: memref<1x128xf32, #tpu.memory_space<vmem>>, %arg9: memref<128x128xf32, #tpu.memory_space<vmem>>, %arg10: memref<1x128xf32, #tpu.memory_space<vmem>>, %arg11: memref<1x128xf32, #tpu.memory_space<vmem>>, %arg12: memref<1x128xf32, #tpu.memory_space<vmem>>, %arg13: memref<384x128xf32, #tpu.memory_space<vmem>>, %arg14: memref<1x128xf32, #tpu.memory_space<vmem>>, %arg15: memref<128x128xf32, #tpu.memory_space<vmem>>, %arg16: memref<1x128xf32, #tpu.memory_space<vmem>>, %arg17: memref<64x128xf32, #tpu.memory_space<vmem>>, %arg18: memref<1000x384xf32, #tpu.memory_space<vmem>>, %arg19: memref<64x384xf32, #tpu.memory_space<vmem>>, %arg20: memref<64x128xf32, #tpu.memory_space<vmem>>) attributes {dimension_semantics = [#tpu.dimension_semantics<arbitrary>], iteration_bounds = array<i64: 10>, scalar_prefetch = 0 : i64, scratch_operands = 2 : i64, tpu.core_type = #tpu.core_type<tc>, window_params = [{transform_indices = @transform_0, window_bounds = array<i64: 1>}, {transform_indices = @transform_1, window_bounds = array<i64: 1, 1, 1000>}, {transform_indices = @transform_2, window_bounds = array<i64: 1000, 128>}, {transform_indices = @transform_3, window_bounds = array<i64: 1000, 128>}, {transform_indices = @transform_4, window_bounds = array<i64: 1000, 128>}, {transform_indices = @transform_5, window_bounds = array<i64: 1000, 128>}, {pipeline_mode = #tpu.pipeline_mode<synchronous>, transform_indices = @transform_6, window_bounds = array<i64: 128, 128>}, {pipeline_mode = #tpu.pipeline_mode<synchronous>, transform_indices = @transform_7, window_bounds = array<i64: 1, 128>}, {pipeline_mode = #tpu.pipeline_mode<synchronous>, transform_indices = @transform_8, window_bounds = array<i64: 128, 128>}, {pipeline_mode = #tpu.pipeline_mode<synchronous>, transform_indices = @transform_9, window_bounds = array<i64: 1, 128>}, {pipeline_mode = #tpu.pipeline_mode<synchronous>, transform_indices = @transform_10, window_bounds = array<i64: 1, 128>}, {pipeline_mode = #tpu.pipeline_mode<synchronous>, transform_indices = @transform_11, window_bounds = array<i64: 1, 128>}, {pipeline_mode = #tpu.pipeline_mode<synchronous>, transform_indices = @transform_12, window_bounds = array<i64: 384, 128>}, {pipeline_mode = #tpu.pipeline_mode<synchronous>, transform_indices = @transform_13, window_bounds = array<i64: 1, 128>}, {pipeline_mode = #tpu.pipeline_mode<synchronous>, transform_indices = @transform_14, window_bounds = array<i64: 128, 128>}, {pipeline_mode = #tpu.pipeline_mode<synchronous>, transform_indices = @transform_15, window_bounds = array<i64: 1, 128>}, {pipeline_mode = #tpu.pipeline_mode<synchronous>, transform_indices = @transform_16, window_bounds = array<i64: 64, 128>}, {transform_indices = @transform_17, window_bounds = array<i64: 1000, 384>}]} {
    %eq3A = arith.constant 0 : i32
    %eq3A_0 = arith.cmpi eq, %arg0, %eq3A : i32
    %convert_element_type3A = arith.extui %eq3A_0 : i1 to i32
    %cond3A = arith.constant 0 : i32
    %cond3A_1 = arith.cmpi ne, %convert_element_type3A, %cond3A : i32
    scf.if %cond3A_1 {
      %broadcast_in_dim3A_119 = arith.constant 0.000000e+00 : f32
      %broadcast_in_dim3A_120 = vector.broadcast %broadcast_in_dim3A_119 : f32 to vector<64x384xf32>
      %swap3A_121 = arith.constant 0 : index
      %swap3A_122 = arith.constant 0 : index
      %swap3A_123 = vector.load %arg19[%swap3A_121, %swap3A_122] : memref<64x384xf32, #tpu.memory_space<vmem>>, vector<64x384xf32>
      tpu.vector_store %arg19[%swap3A_121, %swap3A_122], %broadcast_in_dim3A_120 {strides = array<i32>} : memref<64x384xf32, #tpu.memory_space<vmem>>, vector<64x384xf32>,
      %broadcast_in_dim3A_124 = arith.constant 0.000000e+00 : f32
      %broadcast_in_dim3A_125 = vector.broadcast %broadcast_in_dim3A_124 : f32 to vector<64x128xf32>
      %swap3A_126 = arith.constant 0 : index
      %swap3A_127 = arith.constant 0 : index
      %swap3A_128 = vector.load %arg20[%swap3A_126, %swap3A_127] : memref<64x128xf32, #tpu.memory_space<vmem>>, vector<64x128xf32>
      tpu.vector_store %arg20[%swap3A_126, %swap3A_127], %broadcast_in_dim3A_125 {strides = array<i32>} : memref<64x128xf32, #tpu.memory_space<vmem>>, vector<64x128xf32>,
    } else {
    }
    %get3A = arith.constant 0 : index
    %get3A_2 = arith.constant 0 : index
    %get3A_3 = vector.load %arg4[%get3A, %get3A_2] : memref<1000x128xf32, #tpu.memory_space<vmem>>, vector<1000x128xf32>
    %get3A_4 = arith.constant 0 : index
    %get3A_5 = memref.load %arg1[%get3A_4] : memref<1xf32, #tpu.memory_space<smem>>
    %mul3A = vector.broadcast %get3A_5 : f32 to vector<1000x128xf32>
    %mul3A_6 = arith.mulf %get3A_3, %mul3A : vector<1000x128xf32>
    %get3A_7 = arith.constant 0 : index
    %get3A_8 = arith.constant 0 : index
    %get3A_9 = vector.load %arg5[%get3A_7, %get3A_8] : memref<1000x128xf32, #tpu.memory_space<vmem>>, vector<1000x128xf32>
    %add3A = arith.addf %mul3A_6, %get3A_9 : vector<1000x128xf32>
    %get3A_10 = arith.constant 0 : index
    %get3A_11 = arith.constant 0 : index
    %get3A_12 = vector.load %arg6[%get3A_10, %get3A_11] : memref<1000x128xf32, #tpu.memory_space<vmem>>, vector<1000x128xf32>
    %add3A_13 = arith.addf %add3A, %get3A_12 : vector<1000x128xf32>
    %get3A_14 = arith.constant 0 : index
    %get3A_15 = arith.constant 0 : index
    %get3A_16 = vector.load %arg7[%get3A_14, %get3A_15] : memref<128x128xf32, #tpu.memory_space<vmem>>, vector<128x128xf32>
    %dot_general3A = arith.constant dense<0.000000e+00> : vector<1000x128xf32>
    %dot_general3A_17 = tpu.matmul %add3A_13, %get3A_16, %dot_general3A {dimension_numbers = #tpu.dot_dimension_numbers<[1], [0], [0], [1], [0, 0, 1, 1], [], []>, transpose_lhs_hint = false} : vector<1000x128xf32>, vector<128x128xf32>, vector<1000x128xf32> -> vector<1000x128xf32>
    %get3A_18 = arith.constant 0 : index
    %get3A_19 = arith.constant 0 : index
    %get3A_20 = vector.load %arg8[%get3A_18, %get3A_19] : memref<1x128xf32, #tpu.memory_space<vmem>>, vector<1x128xf32>
    %add3A_21 = vector.broadcast %get3A_20 : vector<1x128xf32> to vector<1000x128xf32>
    %add3A_22 = arith.addf %dot_general3A_17, %add3A_21 : vector<1000x128xf32>
    %max3A = arith.constant 0.000000e+00 : f32
    %max3A_23 = vector.broadcast %max3A : f32 to vector<1000x128xf32>
    %max3A_24 = arith.maximumf %add3A_22, %max3A_23 : vector<1000x128xf32>
    %get3A_25 = arith.constant 0 : index
    %get3A_26 = arith.constant 0 : index
    %get3A_27 = vector.load %arg9[%get3A_25, %get3A_26] : memref<128x128xf32, #tpu.memory_space<vmem>>, vector<128x128xf32>
    %dot_general3A_28 = arith.constant dense<0.000000e+00> : vector<1000x128xf32>
    %dot_general3A_29 = tpu.matmul %max3A_24, %get3A_27, %dot_general3A_28 {dimension_numbers = #tpu.dot_dimension_numbers<[1], [0], [0], [1], [0, 0, 1, 1], [], []>, transpose_lhs_hint = false} : vector<1000x128xf32>, vector<128x128xf32>, vector<1000x128xf32> -> vector<1000x128xf32>
    %get3A_30 = arith.constant 0 : index
    %get3A_31 = arith.constant 0 : index
    %get3A_32 = vector.load %arg10[%get3A_30, %get3A_31] : memref<1x128xf32, #tpu.memory_space<vmem>>, vector<1x128xf32>
    %add3A_33 = vector.broadcast %get3A_32 : vector<1x128xf32> to vector<1000x128xf32>
    %add3A_34 = arith.addf %dot_general3A_29, %add3A_33 : vector<1000x128xf32>
    %max3A_35 = arith.constant 0.000000e+00 : f32
    %max3A_36 = vector.broadcast %max3A_35 : f32 to vector<1000x128xf32>
    %max3A_37 = arith.maximumf %add3A_34, %max3A_36 : vector<1000x128xf32>
    %get3A_38 = arith.constant 0 : index
    %get3A_39 = arith.constant 0 : index
    %get3A_40 = vector.load %arg11[%get3A_38, %get3A_39] : memref<1x128xf32, #tpu.memory_space<vmem>>, vector<1x128xf32>
    %mul3A_41 = vector.broadcast %get3A_40 : vector<1x128xf32> to vector<1000x128xf32>
    %mul3A_42 = arith.mulf %max3A_37, %mul3A_41 : vector<1000x128xf32>
    %get3A_43 = arith.constant 0 : index
    %get3A_44 = arith.constant 0 : index
    %get3A_45 = vector.load %arg12[%get3A_43, %get3A_44] : memref<1x128xf32, #tpu.memory_space<vmem>>, vector<1x128xf32>
    %add3A_46 = vector.broadcast %get3A_45 : vector<1x128xf32> to vector<1000x128xf32>
    %add3A_47 = arith.addf %mul3A_42, %add3A_46 : vector<1000x128xf32>
    %get3A_48 = arith.constant 0 : index
    %get3A_49 = arith.constant 0 : index
    %get3A_50 = vector.load %arg3[%get3A_48, %get3A_49] : memref<1000x128xf32, #tpu.memory_space<vmem>>, vector<1000x128xf32>
    %swap3A = arith.constant 0 : index
    %swap3A_51 = arith.constant 0 : index
    %swap3A_52 = vector.load %arg18[%swap3A, %swap3A_51] : memref<1000x384xf32, #tpu.memory_space<vmem>>, vector<1000x128xf32>
    tpu.vector_store %arg18[%swap3A, %swap3A_51], %get3A_50 {strides = array<i32>} : memref<1000x384xf32, #tpu.memory_space<vmem>>, vector<1000x128xf32>,
    %get3A_53 = arith.constant 0 : index
    %get3A_54 = arith.constant 0 : index
    %get3A_55 = vector.load %arg4[%get3A_53, %get3A_54] : memref<1000x128xf32, #tpu.memory_space<vmem>>, vector<1000x128xf32>
    %swap3A_56 = arith.constant 0 : index
    %swap3A_57 = arith.constant 128 : index
    %swap3A_58 = vector.load %arg18[%swap3A_56, %swap3A_57] : memref<1000x384xf32, #tpu.memory_space<vmem>>, vector<1000x128xf32>
    tpu.vector_store %arg18[%swap3A_56, %swap3A_57], %get3A_55 {strides = array<i32>} : memref<1000x384xf32, #tpu.memory_space<vmem>>, vector<1000x128xf32>,
    %swap3A_59 = arith.constant 0 : index
    %swap3A_60 = arith.constant 256 : index
    %swap3A_61 = vector.load %arg18[%swap3A_59, %swap3A_60] : memref<1000x384xf32, #tpu.memory_space<vmem>>, vector<1000x128xf32>
    tpu.vector_store %arg18[%swap3A_59, %swap3A_60], %add3A_47 {strides = array<i32>} : memref<1000x384xf32, #tpu.memory_space<vmem>>, vector<1000x128xf32>,
    %get3A_62 = arith.constant 0 : index
    %get3A_63 = arith.constant 0 : index
    %get3A_64 = arith.constant 0 : index
    %get3A_65 = vector.load %arg2[%get3A_62, %get3A_63, %get3A_64] : memref<1x1x1000xi32, #tpu.memory_space<vmem>>, vector<1x1x1000xi32>
    %get3A_66 = vector.shape_cast %get3A_65 : vector<1x1x1000xi32> to vector<1000xi32>
    %iota3A = tpu.iota {dimensions = array<i32: 1>} : vector<1000x64xi32>
    %broadcast_in_dim3A = vector.shape_cast %get3A_66 : vector<1000xi32> to vector<1000x1xi32>
    %eq3A_67 = vector.broadcast %broadcast_in_dim3A : vector<1000x1xi32> to vector<1000x64xi32>
    %eq3A_68 = arith.cmpi eq, %eq3A_67, %iota3A : vector<1000x64xi32>
    %convert_element_type3A_69 = arith.extui %eq3A_68 : vector<1000x64xi1> to vector<1000x64xi32>
    %convert_element_type3A_70 = arith.sitofp %convert_element_type3A_69 : vector<1000x64xi32> to vector<1000x64xf32>
    %get3A_71 = arith.constant 0 : index
    %get3A_72 = arith.constant 0 : index
    %get3A_73 = vector.load %arg19[%get3A_71, %get3A_72] : memref<64x384xf32, #tpu.memory_space<vmem>>, vector<64x128xf32>
    %get3A_74 = arith.constant 0 : index
    %get3A_75 = arith.constant 0 : index
    %get3A_76 = vector.load %arg3[%get3A_74, %get3A_75] : memref<1000x128xf32, #tpu.memory_space<vmem>>, vector<1000x128xf32>
    %dot_general3A_77 = arith.constant dense<0.000000e+00> : vector<64x128xf32>
    %dot_general3A_78 = tpu.matmul %convert_element_type3A_70, %get3A_76, %dot_general3A_77 {dimension_numbers = #tpu.dot_dimension_numbers<[0], [0], [1], [1], [0, 1, 1, 1], [], []>, transpose_lhs_hint = false} : vector<1000x64xf32>, vector<1000x128xf32>, vector<64x128xf32> -> vector<64x128xf32>
    %add3A_79 = arith.addf %get3A_73, %dot_general3A_78 : vector<64x128xf32>
    %swap3A_80 = arith.constant 0 : index
    %swap3A_81 = arith.constant 0 : index
    %swap3A_82 = vector.load %arg19[%swap3A_80, %swap3A_81] : memref<64x384xf32, #tpu.memory_space<vmem>>, vector<64x128xf32>
    tpu.vector_store %arg19[%swap3A_80, %swap3A_81], %add3A_79 {strides = array<i32>} : memref<64x384xf32, #tpu.memory_space<vmem>>, vector<64x128xf32>,
    %get3A_83 = arith.constant 0 : index
    %get3A_84 = arith.constant 128 : index
    %get3A_85 = vector.load %arg19[%get3A_83, %get3A_84] : memref<64x384xf32, #tpu.memory_space<vmem>>, vector<64x128xf32>
    %get3A_86 = arith.constant 0 : index
    %get3A_87 = arith.constant 0 : index
    %get3A_88 = vector.load %arg4[%get3A_86, %get3A_87] : memref<1000x128xf32, #tpu.memory_space<vmem>>, vector<1000x128xf32>
    %dot_general3A_89 = arith.constant dense<0.000000e+00> : vector<64x128xf32>
    %dot_general3A_90 = tpu.matmul %convert_element_type3A_70, %get3A_88, %dot_general3A_89 {dimension_numbers = #tpu.dot_dimension_numbers<[0], [0], [1], [1], [0, 1, 1, 1], [], []>, transpose_lhs_hint = false} : vector<1000x64xf32>, vector<1000x128xf32>, vector<64x128xf32> -> vector<64x128xf32>
    %add3A_91 = arith.addf %get3A_85, %dot_general3A_90 : vector<64x128xf32>
    %swap3A_92 = arith.constant 0 : index
    %swap3A_93 = arith.constant 128 : index
    %swap3A_94 = vector.load %arg19[%swap3A_92, %swap3A_93] : memref<64x384xf32, #tpu.memory_space<vmem>>, vector<64x128xf32>
    tpu.vector_store %arg19[%swap3A_92, %swap3A_93], %add3A_91 {strides = array<i32>} : memref<64x384xf32, #tpu.memory_space<vmem>>, vector<64x128xf32>,
    %get3A_95 = arith.constant 0 : index
    %get3A_96 = arith.constant 256 : index
    %get3A_97 = vector.load %arg19[%get3A_95, %get3A_96] : memref<64x384xf32, #tpu.memory_space<vmem>>, vector<64x128xf32>
    %dot_general3A_98 = arith.constant dense<0.000000e+00> : vector<64x128xf32>
    %dot_general3A_99 = tpu.matmul %convert_element_type3A_70, %add3A_47, %dot_general3A_98 {dimension_numbers = #tpu.dot_dimension_numbers<[0], [0], [1], [1], [0, 1, 1, 1], [], []>, transpose_lhs_hint = false} : vector<1000x64xf32>, vector<1000x128xf32>, vector<64x128xf32> -> vector<64x128xf32>
    %add3A_100 = arith.addf %get3A_97, %dot_general3A_99 : vector<64x128xf32>
    %swap3A_101 = arith.constant 0 : index
    %swap3A_102 = arith.constant 256 : index
    %swap3A_103 = vector.load %arg19[%swap3A_101, %swap3A_102] : memref<64x384xf32, #tpu.memory_space<vmem>>, vector<64x128xf32>
    tpu.vector_store %arg19[%swap3A_101, %swap3A_102], %add3A_100 {strides = array<i32>} : memref<64x384xf32, #tpu.memory_space<vmem>>, vector<64x128xf32>,
    %get3A_104 = arith.constant 0 : index
    %get3A_105 = arith.constant 0 : index
    %get3A_106 = vector.load %arg20[%get3A_104, %get3A_105] : memref<64x128xf32, #tpu.memory_space<vmem>>, vector<64x128xf32>
    %reduce_sum3A = arith.constant dense<0.000000e+00> : vector<64xf32>
    %reduce_sum3A_107 = vector.multi_reduction <add>, %convert_element_type3A_70, %reduce_sum3A [0] : vector<1000x64xf32> to vector<64xf32>
    %broadcast_in_dim3A_108 = vector.shape_cast %reduce_sum3A_107 : vector<64xf32> to vector<64x1xf32>
    %add3A_109 = vector.broadcast %broadcast_in_dim3A_108 : vector<64x1xf32> to vector<64x128xf32>
    %add3A_110 = arith.addf %get3A_106, %add3A_109 : vector<64x128xf32>
    %swap3A_111 = arith.constant 0 : index
    %swap3A_112 = arith.constant 0 : index
    %swap3A_113 = vector.load %arg20[%swap3A_111, %swap3A_112] : memref<64x128xf32, #tpu.memory_space<vmem>>, vector<64x128xf32>
    tpu.vector_store %arg20[%swap3A_111, %swap3A_112], %add3A_110 {strides = array<i32>} : memref<64x128xf32, #tpu.memory_space<vmem>>, vector<64x128xf32>,
    %eq3A_114 = arith.constant 9 : i32
    %eq3A_115 = arith.cmpi eq, %arg0, %eq3A_114 : i32
    %convert_element_type3A_116 = arith.extui %eq3A_115 : i1 to i32
    %cond3A_117 = arith.constant 0 : i32
    %cond3A_118 = arith.cmpi ne, %convert_element_type3A_116, %cond3A_117 : i32
    scf.if %cond3A_118 {
      %get3A_119 = arith.constant 0 : index
      %get3A_120 = arith.constant 0 : index
      %get3A_121 = vector.load %arg20[%get3A_119, %get3A_120] : memref<64x128xf32, #tpu.memory_space<vmem>>, vector<64x128xf32>
      %max3A_122 = arith.constant 1.000000e+00 : f32
      %max3A_123 = vector.broadcast %max3A_122 : f32 to vector<64x128xf32>
      %max3A_124 = arith.maximumf %get3A_121, %max3A_123 : vector<64x128xf32>
      %div3A = arith.constant 1.000000e+00 : f32
      %div3A_125 = vector.broadcast %div3A : f32 to vector<64x128xf32>
      %div3A_126 = arith.divf %div3A_125, %max3A_124 : vector<64x128xf32>
      %get3A_127 = arith.constant 0 : index
      %get3A_128 = arith.constant 0 : index
      %get3A_129 = vector.load %arg14[%get3A_127, %get3A_128] : memref<1x128xf32, #tpu.memory_space<vmem>>, vector<1x128xf32>
      %get3A_130 = arith.constant 0 : index
      %get3A_131 = arith.constant 0 : index
      %get3A_132 = vector.load %arg19[%get3A_130, %get3A_131] : memref<64x384xf32, #tpu.memory_space<vmem>>, vector<64x128xf32>
      %mul3A_133 = arith.mulf %get3A_132, %div3A_126 : vector<64x128xf32>
      %get3A_134 = arith.constant 0 : index
      %get3A_135 = arith.constant 0 : index
      %get3A_136 = vector.load %arg13[%get3A_134, %get3A_135] : memref<384x128xf32, #tpu.memory_space<vmem>>, vector<128x128xf32>
      %dot_general3A_137 = arith.constant dense<0.000000e+00> : vector<64x128xf32>
      %dot_general3A_138 = tpu.matmul %mul3A_133, %get3A_136, %dot_general3A_137 {dimension_numbers = #tpu.dot_dimension_numbers<[1], [0], [0], [1], [0, 0, 1, 1], [], []>, transpose_lhs_hint = false} : vector<64x128xf32>, vector<128x128xf32>, vector<64x128xf32> -> vector<64x128xf32>
      %add3A_139 = vector.broadcast %get3A_129 : vector<1x128xf32> to vector<64x128xf32>
      %add3A_140 = arith.addf %add3A_139, %dot_general3A_138 : vector<64x128xf32>
      %get3A_141 = arith.constant 0 : index
      %get3A_142 = arith.constant 128 : index
      %get3A_143 = vector.load %arg19[%get3A_141, %get3A_142] : memref<64x384xf32, #tpu.memory_space<vmem>>, vector<64x128xf32>
      %mul3A_144 = arith.mulf %get3A_143, %div3A_126 : vector<64x128xf32>
      %get3A_145 = arith.constant 128 : index
      %get3A_146 = arith.constant 0 : index
      %get3A_147 = vector.load %arg13[%get3A_145, %get3A_146] : memref<384x128xf32, #tpu.memory_space<vmem>>, vector<128x128xf32>
      %dot_general3A_148 = arith.constant dense<0.000000e+00> : vector<64x128xf32>
      %dot_general3A_149 = tpu.matmul %mul3A_144, %get3A_147, %dot_general3A_148 {dimension_numbers = #tpu.dot_dimension_numbers<[1], [0], [0], [1], [0, 0, 1, 1], [], []>, transpose_lhs_hint = false} : vector<64x128xf32>, vector<128x128xf32>, vector<64x128xf32> -> vector<64x128xf32>
      %add3A_150 = arith.addf %add3A_140, %dot_general3A_149 : vector<64x128xf32>
      %get3A_151 = arith.constant 0 : index
      %get3A_152 = arith.constant 256 : index
      %get3A_153 = vector.load %arg19[%get3A_151, %get3A_152] : memref<64x384xf32, #tpu.memory_space<vmem>>, vector<64x128xf32>
      %mul3A_154 = arith.mulf %get3A_153, %div3A_126 : vector<64x128xf32>
      %get3A_155 = arith.constant 256 : index
      %get3A_156 = arith.constant 0 : index
      %get3A_157 = vector.load %arg13[%get3A_155, %get3A_156] : memref<384x128xf32, #tpu.memory_space<vmem>>, vector<128x128xf32>
      %dot_general3A_158 = arith.constant dense<0.000000e+00> : vector<64x128xf32>
      %dot_general3A_159 = tpu.matmul %mul3A_154, %get3A_157, %dot_general3A_158 {dimension_numbers = #tpu.dot_dimension_numbers<[1], [0], [0], [1], [0, 0, 1, 1], [], []>, transpose_lhs_hint = false} : vector<64x128xf32>, vector<128x128xf32>, vector<64x128xf32> -> vector<64x128xf32>
      %add3A_160 = arith.addf %add3A_150, %dot_general3A_159 : vector<64x128xf32>
      %max3A_161 = arith.constant 0.000000e+00 : f32
      %max3A_162 = vector.broadcast %max3A_161 : f32 to vector<64x128xf32>
      %max3A_163 = arith.maximumf %add3A_160, %max3A_162 : vector<64x128xf32>
      %get3A_164 = arith.constant 0 : index
      %get3A_165 = arith.constant 0 : index
      %get3A_166 = vector.load %arg15[%get3A_164, %get3A_165] : memref<128x128xf32, #tpu.memory_space<vmem>>, vector<128x128xf32>
      %dot_general3A_167 = arith.constant dense<0.000000e+00> : vector<64x128xf32>
      %dot_general3A_168 = tpu.matmul %max3A_163, %get3A_166, %dot_general3A_167 {dimension_numbers = #tpu.dot_dimension_numbers<[1], [0], [0], [1], [0, 0, 1, 1], [], []>, transpose_lhs_hint = false} : vector<64x128xf32>, vector<128x128xf32>, vector<64x128xf32> -> vector<64x128xf32>
      %get3A_169 = arith.constant 0 : index
      %get3A_170 = arith.constant 0 : index
      %get3A_171 = vector.load %arg16[%get3A_169, %get3A_170] : memref<1x128xf32, #tpu.memory_space<vmem>>, vector<1x128xf32>
      %add3A_172 = vector.broadcast %get3A_171 : vector<1x128xf32> to vector<64x128xf32>
      %add3A_173 = arith.addf %dot_general3A_168, %add3A_172 : vector<64x128xf32>
      %reduce_max3A = arith.constant dense<0xFF800000> : vector<64xf32>
      %reduce_max3A_174 = vector.multi_reduction <maximumf>, %add3A_173, %reduce_max3A [1] : vector<64x128xf32> to vector<64xf32>
      %broadcast_in_dim3A_175 = vector.shape_cast %reduce_max3A_174 : vector<64xf32> to vector<64x1xf32>
      %sub3A = vector.broadcast %broadcast_in_dim3A_175 : vector<64x1xf32> to vector<64x128xf32>
      %sub3A_176 = arith.subf %add3A_173, %sub3A : vector<64x128xf32>
      %exp3A = math.exp %sub3A_176 : vector<64x128xf32>
      %reduce_sum3A_177 = arith.constant dense<0.000000e+00> : vector<64xf32>
      %reduce_sum3A_178 = vector.multi_reduction <add>, %exp3A, %reduce_sum3A_177 [1] : vector<64x128xf32> to vector<64xf32>
      %broadcast_in_dim3A_179 = vector.shape_cast %reduce_sum3A_178 : vector<64xf32> to vector<64x1xf32>
      %log3A = math.log %broadcast_in_dim3A_179 : vector<64x1xf32>
      %add3A_180 = arith.addf %log3A, %broadcast_in_dim3A_175 : vector<64x1xf32>
      %sub3A_181 = vector.broadcast %add3A_180 : vector<64x1xf32> to vector<64x128xf32>
      %sub3A_182 = arith.subf %add3A_173, %sub3A_181 : vector<64x128xf32>
      %swap3A_183 = arith.constant 0 : index
      %swap3A_184 = arith.constant 0 : index
      %swap3A_185 = vector.load %arg17[%swap3A_183, %swap3A_184] : memref<64x128xf32, #tpu.memory_space<vmem>>, vector<64x128xf32>
      tpu.vector_store %arg17[%swap3A_183, %swap3A_184], %sub3A_182 {strides = array<i32>} : memref<64x128xf32, #tpu.memory_space<vmem>>, vector<64x128xf32>,
    } else {
    }
    return
  }
  func.func @transform_0(%arg0: i32) -> i32 {
    %c0_i32 = arith.constant 0 : i32
    %c0_i32_0 = arith.constant 0 : i32
    return %c0_i32 : i32
  }
  func.func @transform_1(%arg0: i32) -> (i32, i32, i32) {
    %c0_i32 = arith.constant 0 : i32
    %c0_i32_0 = arith.constant 0 : i32
    %c0_i32_1 = arith.constant 0 : i32
    return %arg0, %c0_i32, %c0_i32_0 : i32, i32, i32
  }
  func.func @transform_2(%arg0: i32) -> (i32, i32) {
    %c0_i32 = arith.constant 0 : i32
    %c0_i32_0 = arith.constant 0 : i32
    return %arg0, %c0_i32 : i32, i32
  }
  func.func @transform_3(%arg0: i32) -> (i32, i32) {
    %c0_i32 = arith.constant 0 : i32
    %c0_i32_0 = arith.constant 0 : i32
    return %arg0, %c0_i32 : i32, i32
  }
  func.func @transform_4(%arg0: i32) -> (i32, i32) {
    %c0_i32 = arith.constant 0 : i32
    %c0_i32_0 = arith.constant 0 : i32
    return %arg0, %c0_i32 : i32, i32
  }
  func.func @transform_5(%arg0: i32) -> (i32, i32) {
    %c0_i32 = arith.constant 0 : i32
    %c0_i32_0 = arith.constant 0 : i32
    return %arg0, %c0_i32 : i32, i32
  }
  func.func @transform_6(%arg0: i32) -> (i32, i32) {
    %c0_i32 = arith.constant 0 : i32
    %c0_i32_0 = arith.constant 0 : i32
    %c0_i32_1 = arith.constant 0 : i32
    return %c0_i32, %c0_i32_0 : i32, i32
  }
  func.func @transform_7(%arg0: i32) -> (i32, i32) {
    %c0_i32 = arith.constant 0 : i32
    %c0_i32_0 = arith.constant 0 : i32
    %c0_i32_1 = arith.constant 0 : i32
    return %c0_i32, %c0_i32_0 : i32, i32
  }
  func.func @transform_8(%arg0: i32) -> (i32, i32) {
    %c0_i32 = arith.constant 0 : i32
    %c0_i32_0 = arith.constant 0 : i32
    %c0_i32_1 = arith.constant 0 : i32
    return %c0_i32, %c0_i32_0 : i32, i32
  }
  func.func @transform_9(%arg0: i32) -> (i32, i32) {
    %c0_i32 = arith.constant 0 : i32
    %c0_i32_0 = arith.constant 0 : i32
    %c0_i32_1 = arith.constant 0 : i32
    return %c0_i32, %c0_i32_0 : i32, i32
  }
  func.func @transform_10(%arg0: i32) -> (i32, i32) {
    %c0_i32 = arith.constant 0 : i32
    %c0_i32_0 = arith.constant 0 : i32
    %c0_i32_1 = arith.constant 0 : i32
    return %c0_i32, %c0_i32_0 : i32, i32
  }
  func.func @transform_11(%arg0: i32) -> (i32, i32) {
    %c0_i32 = arith.constant 0 : i32
    %c0_i32_0 = arith.constant 0 : i32
    %c0_i32_1 = arith.constant 0 : i32
    return %c0_i32, %c0_i32_0 : i32, i32
  }
  func.func @transform_12(%arg0: i32) -> (i32, i32) {
    %c0_i32 = arith.constant 0 : i32
    %c0_i32_0 = arith.constant 0 : i32
    %c0_i32_1 = arith.constant 0 : i32
    return %c0_i32, %c0_i32_0 : i32, i32
  }
  func.func @transform_13(%arg0: i32) -> (i32, i32) {
    %c0_i32 = arith.constant 0 : i32
    %c0_i32_0 = arith.constant 0 : i32
    %c0_i32_1 = arith.constant 0 : i32
    return %c0_i32, %c0_i32_0 : i32, i32
  }
  func.func @transform_14(%arg0: i32) -> (i32, i32) {
    %c0_i32 = arith.constant 0 : i32
    %c0_i32_0 = arith.constant 0 : i32
    %c0_i32_1 = arith.constant 0 : i32
    return %c0_i32, %c0_i32_0 : i32, i32
  }
  func.func @transform_15(%arg0: i32) -> (i32, i32) {
    %c0_i32 = arith.constant 0 : i32
    %c0_i32_0 = arith.constant 0 : i32
    %c0_i32_1 = arith.constant 0 : i32
    return %c0_i32, %c0_i32_0 : i32, i32
  }
  func.func @transform_16(%arg0: i32) -> (i32, i32) {
    %c0_i32 = arith.constant 0 : i32
    %c0_i32_0 = arith.constant 0 : i32
    %c0_i32_1 = arith.constant 0 : i32
    return %c0_i32, %c0_i32_0 : i32, i32
  }
  func.func @transform_17(%arg0: i32) -> (i32, i32) {
    %c0_i32 = arith.constant 0 : i32
    %c0_i32_0 = arith.constant 0 : i32
    return %arg0, %c0_i32 : i32, i32
  }
}

</mosaic_0001>

<sc_bundles>
// kernel: kernel.11.cloned.1.call-start
scs
__scs_entry_jumppad:
0x0: {  	(pc) =	sbr.rel $0x88, $3  }
0x1: {  	(tag) =	ssettag $0x0;
	lr =	simm.s32 $0x1  }
0x2: {  	[smem:$0x3F93] =	sst lr;
	_ =	strace $0xD0000000  }
0x3: {  	_ = 	snop  }
0x4: {  	_ = 	snop  }
0x5: {  	_ = 	snop  }
0x6: {  	_ = 	snop  }
0x7: {  	_ = 	snop  }
__scs_overlays_trampoline_lowered:
0x8: {  	[smem:$0x3FA2] =	sst s0  }
0x9: {  	[smem:$0x3FA3] =	sst s1  }
0xa: {  	[smem:$0x3FA4] =	sst s2  }
0xb: {  	[smem:$0x3FA5] =	sst s3  }
0xc: {  	[smem:$0x3FA6] =	sst s4  }
0xd: {  	[smem:$0x3FA7] =	sst s5  }
0xe: {  	[smem:$0x3FA8] =	sst s6  }
0xf: {  	[smem:$0x3FA9] =	sst s7  }
0x10: {  	[smem:$0x3FAA] =	sst s8  }
0x11: {  	[smem:$0x3FAB] =	sst s9;
	s0 =	simm.s32 @!p0 $0x0  }
0x12: {  	s1 =	sld [smem:$0x3F91];
	s0 =	simm.s32 @p0 $0x1  }
0x13: {  	[smem:$0x3FAC] =	sst s0;
	s0 =	simm.s32 @!p1 $0x0  }
0x14: {  	s2 =	sld [smem:$0x3F90];
	s0 =	simm.s32 @p1 $0x1  }
0x15: {  	[smem:$0x3FAD] =	sst s0;
	s0 =	simm.s32 @!p2 $0x0  }
0x16: {  	s3 =	sld [smem:$0x3FDB];
	s0 =	simm.s32 @p2 $0x1  }
0x17: {  	s4 =	simm.s32 $0x1BF5;
	[smem:$0x3FAF] =	sst s0  }
0x18: {  	s0 =	sld [smem:$0x3F92];
	_ =	swait.ge [sflag:s4], $0x0  }
0x19: {  	s7 =	sld [smem:$0x3F93]  }
0x1a: {  	s8 =	sadd.s32 $0xFFFFE003, lr  }
0x1b: {  	s9 =	sadd.s32 $0xFFFFFEF7, lr;
	s5 =	simm.s32 $0xFFFFFFFF;
	p2 =	slt.u32 s8, $0xFFFFF086  }
0x1c: {  	p1 =	slt.u32 s9, $0xF7A;
	s5 =	simm.s32 @!p2 $0x0  }
0x1d: {  	s5 =	simm.s32 @p1 $0x1;
	p0 =	seq.s32 s7, s2  }
0x1e: {  	s7 =	smul.u32 @!p0 $0xF7A, s2;
	p2 =	seq.s32 @!p0 s5, $0x0  }
0x1f: {  	s9 =	smul.u32 $0xF7A, s1;
	s8 =	simm.s32 @!p0 $0x1BF5;
	p2 =	por !p2, p0  }
0x20: {  	[sflag:s8] =	ssyncset.s32 @!p0 $0xFFFFF086;
	s6 =	sadd.s32 @!p0 s3, s7;
	s7 =	simm.s32 @!p0 $0x108  }
0x21: {  	s3 =	sadd.s32 s3, s9;
	s6 =	sadd.s32 @!p0 $0x88, s6;
	s7 =	simm.s32 @p2 $0x1082  }
0x22: {  	[simem:s7], [sflag:s8] =	dma.local @!p0 [hbm:s6], $0xF7A  }
0x23: {  	s9 =	sor.u32 $0xD0000000, s2;
	s6 =	simm.s32 $0x108;
	_ =	swait.ge @!p0 [sflag:s8], $0x0  }
0x24: {  	s3 =	sadd.s32 $0x88, s3;
	s6 =	simm.s32 @!p1 $0x1082;
	[sflag:s4] =	ssyncset.s32 $0xFFFFF086  }
0x25: {  	[simem:s6], [sflag:s4] =	dma.local [hbm:s3], $0xF7A  }
0x26: {  	[smem:$0x3F93] =	sst s1;
	(tag) =	ssettag s2;
	_ =	strace s9  }
0x27: {  	s1 =	sld [smem:$0x3FA3]  }
0x28: {  	s2 =	sld [smem:$0x3FA4]  }
0x29: {  	s4 =	sld [smem:$0x3FA6]  }
0x2a: {  	p0 =	seq.s32 s5, $0x0;
	s5 =	sld [smem:$0x3FA7]  }
0x2b: {  	s6 =	sld [smem:$0x3FA8]  }
0x2c: {  	s7 =	sld [smem:$0x3FA9]  }
0x2d: {  	s3 =	simm.s32 $0x108;
	s8 =	sld [smem:$0x3FAA]  }
0x2e: {  	s3 =	simm.s32 @!p0 $0x1082;
	s9 =	sld [smem:$0x3FAB]  }
0x2f: {  	lr =	sadd.s32 s0, s3;
	s0 =	sld [smem:$0x3FA2]  }
0x30: {  	s3 =	sld [smem:$0x3FA5]  }
0x31: {  	[smem:$0x3FAE] =	sst s10  }
0x32: {  	s10 =	sld [smem:$0x3FAC];
	_ =	sdelay $0x3  }
0x33: {  	p0 =	seq.s32 s10, $0x1;
	s10 =	sld [smem:$0x3FAE];
	_ =	sdelay $0x3  }
0x34: {  	[smem:$0x3FAE] =	sst s10  }
0x35: {  	s10 =	sld [smem:$0x3FAD];
	_ =	sdelay $0x3  }
0x36: {  	p1 =	seq.s32 s10, $0x1;
	s10 =	sld [smem:$0x3FAE];
	_ =	sdelay $0x3  }
0x37: {  	[smem:$0x3FAE] =	sst s10  }
0x38: {  	s10 =	sld [smem:$0x3FAF]  }
0x39: {  	_ = 	snop;
	(pc) =	sbr.ind lr, $3  }
0x3a: {  	_ = 	snop  }
0x3b: {  	_ = 	snop  }
0x3c: {  	p2 =	seq.s32 s10, $0x1;
	s10 =	sld [smem:$0x3FAE]  }
0x3d: {  	_ =	shalt  }
0x3e: {  	_ =	shalt  }
0x3f: {  	_ =	shalt  }
0x40: {  	_ =	shalt  }
0x41: {  	_ =	shalt  }
0x42: {  	_ =	shalt  }
0x43: {  	_ =	shalt  }
0x44: {  	_ =	shalt  }
0x45: {  	_ =	shalt  }
0x46: {  	_ =	shalt  }
0x47: {  	_ =	shalt  }
0x48: {  	_ =	shalt  }
0x49: {  	_ =	shalt  }
0x4a: {  	_ =	shalt  }
0x4b: {  	_ =	shalt  }
0x4c: {  	_ =	shalt  }
0x4d: {  	_ =	shalt  }
0x4e: {  	_ =	shalt  }
0x4f: {  	_ =	shalt  }
0x50: {  	_ =	shalt  }
0x51: {  	_ =	shalt  }
0x52: {  	_ =	shalt  }
0x53: {  	_ =	shalt  }
0x54: {  	_ =	shalt  }
0x55: {  	_ =	shalt  }
0x56: {  	_ =	shalt  }
0x57: {  	_ =	shalt  }
0x58: {  	_ =	shalt  }
0x59: {  	_ =	shalt  }
0x5a: {  	_ =	shalt  }
0x5b: {  	_ =	shalt  }
0x5c: {  	_ =	shalt  }
0x5d: {  	_ =	shalt  }
0x5e: {  	_ =	shalt  }
0x5f: {  	_ =	shalt  }
0x60: {  	_ =	shalt  }
0x61: {  	_ =	shalt  }
0x62: {  	_ =	shalt  }
0x63: {  	_ =	shalt  }
0x64: {  	_ =	shalt  }
0x65: {  	_ =	shalt  }
0x66: {  	_ =	shalt  }
0x67: {  	_ =	shalt  }
0x68: {  	_ =	shalt  }
0x69: {  	_ =	shalt  }
0x6a: {  	_ =	shalt  }
0x6b: {  	_ =	shalt  }
0x6c: {  	_ =	shalt  }
0x6d: {  	_ =	shalt  }
0x6e: {  	_ =	shalt  }
0x6f: {  	_ =	shalt  }
0x70: {  	_ =	shalt  }
0x71: {  	_ =	shalt  }
0x72: {  	_ =	shalt  }
0x73: {  	_ =	shalt  }
0x74: {  	_ =	shalt  }
0x75: {  	_ =	shalt  }
0x76: {  	_ =	shalt  }
0x77: {  	_ =	shalt  }
0x78: {  	_ =	shalt  }
0x79: {  	_ =	shalt  }
0x7a: {  	_ =	shalt  }
0x7b: {  	_ =	shalt  }
0x7c: {  	_ =	shalt  }
0x7d: {  	_ =	shalt  }
0x7e: {  	_ =	shalt  }
0x7f: {  	_ =	shalt  }
0x80: {  	_ =	shalt  }
0x81: {  	_ =	shalt  }
0x82: {  	_ =	shalt  }
0x83: {  	_ =	shalt  }
0x84: {  	_ =	shalt  }
0x85: {  	_ =	shalt  }
0x86: {  	_ =	shalt  }
0x87: {  	_ =	shalt  }
.Lfunc_end0:
.L_simem_size_0:
called_computation.1_lowered:
.L_overlay_start_0:
0x88: {  	s2 =	sld [smem:$0x3FD9]  }
0x89: {  	s3 =	sld [smem:$0x3FFE];
	_ =	sdelay $0x1  }
0x8a: {  	s1 =	srdreg.scid  }
0x8b: {  	s0 =	sand.u32 $0x1, s1  }
0x8c: {  	s14 =	sshll.u32 s0, $0xA;
	s2 =	sadd.s32 s3, s2  }
0x8d: {  	s2 =	sadd.s32 s2, s14  }
0x8e: {  	[smem:$0x3FBA] =	sst s2  }
0x8f: {  	_ = 	snop  }
0x90: {  	s2 =	sld [smem:$0x3FD0];
	_ =	sdelay $0x2  }
0x91: {  	s15 =	simm.s32 $0xA;
	s4 =	simm.s32 $0x10  }
0x92: {  	[smem:s4], [sflag:s15] =	dma.local [hbm:s2], $0x1  }
0x93: {  	_ =	swait.eq [sflag:s15], $0x1  }
0x94: {  	[sflag:s15] =	ssyncset.done $0x0  }
0x95: {  	[sflag:s15] =	ssyncadd.s32 $0xFFFFFFFF  }
0x96: {  	s16 =	sld [smem:$0x11];
	(tm) =	ssettm $0x1  }
0x97: {  	s17 =	sld [smem:$0x3FFB];
	_ =	sdelay $0x3  }
0x98: {  	_ =	strace s17  }
0x99: {  	s3 =	sld [smem:$0x3FFC];
	_ =	sdelay $0x3  }
0x9a: {  	_ =	strace s3  }
0x9b: {  	s3 =	sld [smem:$0x3FFD];
	_ =	sdelay $0x3  }
0x9c: {  	_ =	strace s3  }
0x9d: {  	_ =	strace $0x8FFFFFFF  }
0x9e: {  	s18 =	sld [smem:$0x3FDB];
	_ =	sdelay $0x1  }
0x9f: {  	s19 =	simm.s32 $_scs_section_size  }
0xa0: {  	s5 =	simm.s32 $_size__tile_overlayer_lowered;
	s6 =	simm.s32 $_tile_overlayer_lowered  }
0xa1: {  	s22 =	simm.s32 $0x1BFF;
	s21 =	sshll.u32 s6, $0x1;
	s3 =	sadd.s32 s19, s18  }
0xa2: {  	s7 =	simm.s32 $0x0;
	s20 =	sshll.u32 s5, $0x1;
	s5 =	sadd.s32 s21, s3  }
0xa3: {  	[timem:s7], [sflag:s22] =	dma.local [hbm:s5], s20  }
0xa4: {  	_ =	swait.ge [sflag:s22], s20  }
0xa5: {  	s4 =	ssub.s32 $0x0, s20;
	[sflag:s22] =	ssyncset.done $0x0  }
0xa6: {  	[sflag:s22] =	ssyncadd.s32 s4;
	_ =	sdelay $0x1  }
0xa7: {  	s23 =	simm.s32 $0x1B8B  }
0xa8: {  	_ =	swait.ge [sflag:s23], $0x1  }
0xa9: {  	[sflag:s23] =	ssyncset.done $0x0  }
0xaa: {  	s25 =	simm.s32 $0x1B8E;
	s24 =	sld [smem:$0x3FFE];
	[sflag:s23] =	ssyncadd.s32 $0xFFFFFFFF  }
0xab: {  	s26 =	simm.s32 $execute0_lowered;
	[smem:$0x3FD2] =	sst s25  }
0xac: {  	s5 =	sshll.u32 s26, $0x1;
	_ =	strace $0x80000049;
	[dreg:$0x1] =	wrdreg $0xFFFFFFFF  }
0xad: {  	s28 =	simm.s32 $_size_execute0_lowered;
	s3 =	sadd.s32 s3, s5;
	[dreg:$0x0] =	wrdreg $0x0  }
0xae: {  	s5 =	sshll.u32 s28, $0x1;
	[dreg:$0x2] =	wrdreg s3  }
0xaf: {  	[dreg:$0x3] =	wrdreg s5  }
0xb0: {  	[dreg:$0x4] =	wrdreg $0xC0  }
0xb1: {  	_ =	task [dreg:s7], $0x5FFFF  }
0xb2: {  	[dreg:$0x1] =	wrdreg $0xFFFFFFFF  }
0xb3: {  	[dreg:$0x0] =	wrdreg $0x60  }
0xb4: {  	[dreg:$0x2] =	wrdreg s24  }
0xb5: {  	[dreg:$0x3] =	wrdreg s16  }
0xb6: {  	[dreg:$0x4] =	wrdreg $0xA8000  }
0xb7: {  	[dreg:$0x5] =	wrdreg $0x9  }
0xb8: {  	_ =	task.clear_ibuf [dreg:s7], $0x6FFFF;
	_ =	strace $0x90000049  }
0xb9: {  	s29 =	simm.s32 $0x9;
	_ =	strace $0x8000004B  }
0xba: {  	_ =	swait.ge [sflag:s29], $0x1  }
0xbb: {  	[sflag:s29] =	ssyncadd.s32 $0xFFFFFFFF  }
0xbc: {  	_ =	strace $0x9000004B  }
0xbd: {  	_ =	sfence  }
0xbe: {  	s30 =	sld [smem:$0x0];
	_ =	sdelay $0x2  }
0xbf: {  	s31 =	sshll.u32 s1, $0xD;
	s1 =	sshrl.u32 s1, $0x2  }
0xc0: {  	s3 =	sand.u32 $0x4000, s31;
	s1 =	sadd.s32 s1, s30  }
0xc1: {  	s0 =	sor.u32 s3, s0;
	s1 =	sshll.u32 s1, $0x11  }
0xc2: {  	s0 =	sor.u32 s1, s0  }
0xc3: {  	s0 =	sadd.s32 $0x8F2B, s0  }
0xc4: {  	[sflag:s0] =	ssyncadd.remote.s32 $0x1  }
0xc5: {  	_ =	sfence.sel $0xFFFF  }
0xc6: {  	[dreg:$0x0] =	wrdreg $0xFFFFFFFF;
	(pc) =	sbr.abs _section_cstart, $3  }
0xc7: {  	[dreg:$0x1] =	wrdreg $0xFFFFFFFF  }
0xc8: {  	_ =	task.clear_ibuf [dreg:s7], $0x2FFFF;
	_ =	strace $0x9FFFFFFF  }
0xc9: {  	(tm) =	ssettm $0x7FFFFFFF  }
tec
execute0_lowered:
.L_overlay_start_1:
0x0: {  	(tag) =	ssettag $0x1  }
0x1: {  	s0 =	rddreg [dreg:$0x0]  }
0x2: {  	s2 =	rddreg [dreg:$0x1]  }
0x3: {  	s1 =	rddreg [dreg:$0x2]  }
0x4: {  	s3 =	srdreg.scid;
	s17 =	stileid.u32;
	s28 =	simm.s32 $0x2700  }
0x5: {  	s29 =	simm.s32 $0x80;
	s30 =	simm.s32 $0x2800;
	s31 =	simm.s32 $0x6800  }
0x6: {  	s5 =	sand.u32 $0x1, s3;
	s3 =	simm.s32 $0x0;
	s8 =	sadd.s32 $0xE800, s0  }
0x7: {  	s23 =	sshll.u32 s17, $0x4;
	s12 =	sshll.u32 s17, $0xE;
	s15 =	smul.u32 $0x2700, s17  }
0x8: {  	s4 =	sshll.u32 s5, $0x4;
	[smem:$0x7FF] =	sst s3;
	s9 =	ssub.s32 $0x2, s5  }
0x9: {  	s11 =	smul.u32 $0x138800, s5;
	s20 =	sor.u32 $0x40000, s12;
	s21 =	sor.u32 $0x80000, s12  }
0xa: {  	s5 =	smul.u32 $0x27000, s5;
	s6 =	sor.u32 s17, s4;
	_ =	strace $0x8000004A  }
0xb: {  	s4 =	sadd.s32 $0x18600, s0;
	s0 =	sadd.s32 $0x4A00, s0;
	s10 =	sshrl.u32 s9, $0x1  }
0xc: {  	s7 =	smul.u32 $0x2700, s6;
	s9 =	ssub.s32 s9, s10;
	s24 =	sshrl.u32 s11, $0x3  }
0xd: {  	s13 =	sadd.s32 s11, s12;
	s14 =	sadd.s32 s11, s20;
	s5 =	sadd.s32 s15, s5  }
0xe: {  	s20 =	sadd.s32 s20, s1;
	p1 =	sgt.u32 s6, $0x3;
	s6 =	simm.s32 $0x4  }
0xf: {  	s10 =	sadd.s32 s2, s24;
	s24 =	sor.u32 $0x40, s17;
	s13 =	sshrl.u32 s13, $0x3  }
0x10: {  	s14 =	sshrl.u32 s14, $0x3;
	s18 =	sadd.s32 $0x180, s5;
	s5 =	sadd.s32 $0x200, s5  }
0x11: {  	s7 =	sshrl.u32 s7, $0x3;
	s13 =	sadd.s32 s2, s13;
	s26 =	sadd.s32 s2, s14  }
0x12: {  	s14 =	sadd.s32 s11, s21;
	s5 =	sshrl.u32 s5, $0x3;
	s19 =	sadd.s32 $0x27000, s10  }
0x13: {  	s21 =	sadd.s32 s21, s1;
	p0 =	slt.u32 s24, $0x4E;
	s22 =	sadd.s32 s8, s7  }
0x14: {  	s25 =	sadd.s32 s0, s7;
	s7 =	sor.u32 $0x9C00, s23;
	[dreg:$0x5] =	wrdreg s13  }
0x15: {  	s23 =	sshll.u32 s24, $0xE;
	[dreg:$0x6] =	wrdreg s26;
	s13 =	sshrl.u32 s14, $0x3  }
0x16: {  	[dreg:$0xc] =	wrdreg s19;
	s26 =	smax.u32 s9, $0x1;
	s19 =	sadd.s32 s12, s1  }
0x17: {  	p2 =	sne.s32 @!p0 s17, $0xE;
	s9 =	simm.s32 $0x0;
	[dreg:$0x4] =	wrdreg s22  }
0x18: {  	s22 =	sor.u32 $0xC0000, s12;
	s13 =	sadd.s32 s2, s13;
	s8 =	sadd.s32 s8, s7  }
0x19: {  	s7 =	sadd.s32 s0, s7;
	[dreg:$0xd] =	wrdreg s26;
	s24 =	sadd.s32 $0x10, s25  }
0x1a: {  	p2 =	por p2, p0;
	s26 =	simm.s32 $0x2;
	[dreg:$0x7] =	wrdreg s13  }
0x1b: {  	s15 =	sadd.s32 s11, s22;
	s11 =	sadd.s32 s11, s23;
	[dreg:$0xa] =	wrdreg s8  }
0x1c: {  	[dreg:$0xb] =	wrdreg s7;
	s22 =	sadd.s32 s22, s1;
	s23 =	sadd.s32 s23, s1  }
0x1d: {  	s7 =	simm.s32 $0x3;
	s8 =	simm.s32 $0x5;
	s14 =	sshrl.u32 s15, $0x3  }
.Ltmp0:
0x1e: {  	s11 =	sshrl.u32 s11, $0x3;
	s16 =	sadd.s32 s2, s14;
	(pc) =	sbr.rel .LBB2_1-.Ltmp0, $4  }
0x1f: {  	s15 =	sadd.s32 s5, s0;
	s2 =	sadd.s32 s2, s11;
	[dreg:$0x8] =	wrdreg s16  }
0x20: {  	s5 =	simm.s32 $0x1;
	[dreg:$0x9] =	wrdreg s2;
	s2 =	sshrl.u32 s18, $0x3  }
0x21: {  	s16 =	sadd.s32 $0x138000, s1;
	s18 =	smov.u32 s25;
	s25 =	sadd.s32 $0x20, s25  }
0x22: {  	v0 =	vimm.f32 $0.0e+00;
	s14 =	sadd.s32 s2, s0;
	s0 =	simm.s32 $0x7;
	s2 =	simm.s32 $0x2780  }
.LBB2_6:
0x23: {  	[spmem:s1] =	stream.indirect.scatter.add.f32 [tilespmem:s31], [sflag:$0x5], $0x80, s2, s29, $0xb8;
	[tilespmem:$0x1E080] =	vst v63  }
0x24: {  	_ =	swait.ge [sflag:s8], $0x4000  }
0x25: {  	s10 =	simm.s32 @!p1 $0x0;
	[sflag:s8] =	ssyncset.done $0x0  }
0x26: {  	s11 =	simm.s32 @!p1 $0x2780;
	s12 =	rddreg [dreg:$0xa];
	[sflag:s8] =	ssyncadd.s32 $0xFFFFC000  }
0x27: {  	[tilespmem:s11], [sflag:$0x6] =	stream.linear.gather @!p1 [hbm4b:s12+s10], $0x80, $0x38;
	[tilespmem:$0x1E080] =	vst v63  }
0x28: {  	s12 =	simm.s32 @!p1 $0x6  }
0x29: {  	_ =	swait.ge @!p1 [sflag:s12], $0x80  }
0x2a: {  	[sflag:s12] =	ssyncset.done @!p1 $0x0  }
0x2b: {  	s13 =	simm.s32 @!p1 $0x2700;
	s17 =	rddreg [dreg:$0xb];
	[sflag:s12] =	ssyncadd.s32 @!p1 $0xFFFFFF80  }
0x2c: {  	[tilespmem:s13], [sflag:$0x6] =	stream.linear.gather @!p1 [hbm4b:s17+s10], $0x80, $0x38;
	[tilespmem:$0x1E080] =	vst v63  }
0x2d: {  	_ =	swait.ge @!p1 [sflag:s12], $0x80  }
0x2e: {  	[sflag:s12] =	ssyncset.done @!p1 $0x0  }
0x2f: {  	s10 =	simm.s32 @!p1 $0x80;
	s17 =	simm.s32 @!p1 $0x2800;
	[sflag:s12] =	ssyncadd.s32 @!p1 $0xFFFFFF80  }
0x30: {  	[tilespmem:s17], [sflag:$0x1] =	stream.indirect.gather @!p1 [hbm4b:s4+s10], $0x80, s11, s10, $0xb8;
	[tilespmem:$0x1E080] =	vst v63  }
0x31: {  	s11 =	simm.s32 @!p1 $0x1  }
0x32: {  	_ =	swait.ge @!p1 [sflag:s11], $0x4000  }
0x33: {  	[sflag:s11] =	ssyncset.done @!p1 $0x0  }
0x34: {  	[sflag:s11] =	ssyncadd.s32 @!p1 $0xFFFFC000  }
0x35: {  	[spmem:s1] =	stream.indirect.scatter.add.f32 @!p1 [tilespmem:s17], [sflag:$0x6], $0x80, s13, s10, $0xb8;
	[tilespmem:$0x1E080] =	vst v63  }
0x36: {  	_ =	swait.ge @!p1 [sflag:s12], $0x4000  }
0x37: {  	[sflag:s12] =	ssyncset.done @!p1 $0x0  }
0x38: {  	s13 =	stileid.u32;
	[sflag:s12] =	ssyncadd.s32 @!p1 $0xFFFFC000  }
0x39: {  	s11 =	sshll.u32 s13, $0x6;
	[bflag:$0x0] =	sbarrier.arrive $0xFFFF  }
0x3a: {  	s10 =	sor.u32 $0x1C07, s11;
	s12 =	sshrl.u32 s19, $0x3;
	s17 =	rddreg [dreg:$0x5]  }
0x3b: {  	[hbm:s17], [sflag:s10] =	dma.local [spmem:s12], $0x800  }
0x3c: {  	_ =	swait.ge [sflag:s0], $0x800  }
0x3d: {  	[sflag:s0] =	ssyncset.done $0x0  }
0x3e: {  	s12 =	sshrl.u32 s20, $0x3;
	s17 =	rddreg [dreg:$0x6];
	[sflag:s0] =	ssyncadd.s32 $0xFFFFF800  }
0x3f: {  	[hbm:s17], [sflag:s10] =	dma.local [spmem:s12], $0x800  }
0x40: {  	_ =	swait.ge [sflag:s0], $0x800  }
0x41: {  	[sflag:s0] =	ssyncset.done $0x0  }
0x42: {  	s12 =	sshrl.u32 s21, $0x3;
	s17 =	rddreg [dreg:$0x7];
	[sflag:s0] =	ssyncadd.s32 $0xFFFFF800  }
0x43: {  	[hbm:s17], [sflag:s10] =	dma.local [spmem:s12], $0x800  }
0x44: {  	_ =	swait.ge [sflag:s0], $0x800  }
0x45: {  	[sflag:s0] =	ssyncset.done $0x0  }
0x46: {  	s12 =	sshrl.u32 s22, $0x3;
	s17 =	rddreg [dreg:$0x8];
	[sflag:s0] =	ssyncadd.s32 $0xFFFFF800  }
0x47: {  	[hbm:s17], [sflag:s10] =	dma.local [spmem:s12], $0x800  }
0x48: {  	_ =	swait.ge [sflag:s0], $0x800  }
0x49: {  	[sflag:s0] =	ssyncset.done $0x0  }
0x4a: {  	s11 =	sshrl.u32 @p0 s23, $0x3;
	s12 =	rddreg [dreg:$0x9];
	[sflag:s0] =	ssyncadd.s32 $0xFFFFF800  }
0x4b: {  	[hbm:s12], [sflag:s10] =	dma.local @p0 [spmem:s11], $0x800  }
0x4c: {  	s10 =	simm.s32 @p0 $0x7  }
0x4d: {  	_ =	swait.ge @p0 [sflag:s10], $0x800  }
0x4e: {  	s11 =	sshll.u32 @!p2 s13, $0x6;
	[sflag:s10] =	ssyncset.done @p0 $0x0;
	s13 =	rddreg [dreg:$0xc]  }
0x4f: {  	[sflag:s10] =	ssyncadd.s32 @p0 $0xFFFFF800;
	s10 =	sor.u32 @!p2 $0x1C06, s11;
	s11 =	sshrl.u32 @!p2 s16, $0x3  }
0x50: {  	[hbm:s13], [sflag:s10] =	dma.local @!p2 [spmem:s11], $0x100  }
0x51: {  	s10 =	simm.s32 @!p2 $0x6  }
0x52: {  	_ =	swait.ge @!p2 [sflag:s10], $0x100  }
0x53: {  	s9 =	sadd.s32 $0x1, s9;
	s17 =	rddreg [dreg:$0xd]  }
0x54: {  	p3 =	sne.s32 s9, s17  }
.Ltmp1:
0x55: {  	_ = 	snop;
	(pc) =	sbr.rel @!p3 .LBB2_7-.Ltmp1, $3  }
0x56: {  	_ =	sdelay $0x1  }
0x57: {  	[sflag:s10] =	ssyncset.done @!p2 $0x0  }
0x58: {  	s12 =	stileid.u32;
	[sflag:s10] =	ssyncadd.s32 @!p2 $0xFFFFFF00  }
.LBB2_1:
0x59: {  	s10 =	rddreg [dreg:$0x4];
	s17 =	sand.u32 $0xFE00, s3  }
0x5a: {  	[tilespmem:s3], [sflag:$0x2] =	stream.linear.gather [hbm4b:s10+s3], $0x2700, $0x38;
	[tilespmem:$0x1E080] =	vst v63  }
0x5b: {  	s11 =	sand.u32 $0x70, s3;
	s12 =	sshrl.u32 s17, $0x2  }
0x5c: {  	s10 =	simm.s32 $0x40;
	s12 =	sor.u32 s11, s12;
	s11 =	simm.s32 $0x0  }
.LBB2_2:
0x5d: {  	p3 =	sne.s32 s10, $0xFFC0  }
0x5e: {  	[tilespmem:s12+$0x6800] =	vst v0;
	s11 =	sadd.s32 $0x10, s11;
	s12 =	smov.u32 s10;
	s10 =	sadd.s32 $0x40, s10  }
.Ltmp2:
0x5f: {  	(pc) =	sbr.rel @p3 .LBB2_2-.Ltmp2, $4  }
0x60: {  	_ = 	snop  }
0x61: {  	s12 =	sand.u32 $0xFE00, s12  }
0x62: {  	s13 =	sand.u32 $0x70, s11;
	s12 =	sshrl.u32 s12, $0x2  }
0x63: {  	s12 =	sor.u32 s13, s12  }
0x64: {  	[tilespmem:s12+$0x6800] =	vst v0  }
0x65: {  	_ =	swait.ge [sflag:s26], $0x2700  }
0x66: {  	[sflag:s26] =	ssyncset.done $0x0  }
0x67: {  	[sflag:s26] =	ssyncadd.s32 $0xFFFFD900  }
0x68: {  	[tilespmem:s28], [sflag:$0x1] =	stream.linear.gather [hbm4b:s18+s3], $0x80, $0x38;
	[tilespmem:$0x1E080] =	vst v63  }
0x69: {  	_ = 	snop  }
0x6a: {  	[tilespmem:s30], [sflag:$0x1] =	stream.indirect.gather [hbm4b:s4+s29], $0x80, s3, s29, $0xb8;
	[tilespmem:$0x1E080] =	vst v63  }
0x6b: {  	_ = 	snop  }
0x6c: {  	[spmem:s19] =	stream.linear.scatter [tilespmem:s31], [sflag:$0x7], $0x4000, $0x38;
	[tilespmem:$0x1E080] =	vst v63  }
0x6d: {  	_ =	swait.ge [sflag:s0], $0x4000  }
0x6e: {  	[sflag:s0] =	ssyncset.done $0x0  }
0x6f: {  	[sflag:s0] =	ssyncadd.s32 $0xFFFFC000  }
0x70: {  	[spmem:s20] =	stream.linear.scatter [tilespmem:s31], [sflag:$0x7], $0x4000, $0x38;
	[tilespmem:$0x1E080] =	vst v63  }
0x71: {  	_ =	swait.ge [sflag:s0], $0x4000  }
0x72: {  	[sflag:s0] =	ssyncset.done $0x0  }
0x73: {  	[sflag:s0] =	ssyncadd.s32 $0xFFFFC000  }
0x74: {  	[spmem:s21] =	stream.linear.scatter [tilespmem:s31], [sflag:$0x7], $0x4000, $0x38;
	[tilespmem:$0x1E080] =	vst v63  }
0x75: {  	_ =	swait.ge [sflag:s0], $0x4000  }
0x76: {  	[sflag:s0] =	ssyncset.done $0x0  }
0x77: {  	[sflag:s0] =	ssyncadd.s32 $0xFFFFC000  }
0x78: {  	[spmem:s22] =	stream.linear.scatter [tilespmem:s31], [sflag:$0x7], $0x4000, $0x38;
	[tilespmem:$0x1E080] =	vst v63  }
0x79: {  	_ =	swait.ge [sflag:s0], $0x4000  }
0x7a: {  	[sflag:s0] =	ssyncset.done $0x0  }
0x7b: {  	s10 =	simm.s32 @p0 $0x6800;
	[sflag:s0] =	ssyncadd.s32 $0xFFFFC000  }
0x7c: {  	[spmem:s23] =	stream.linear.scatter @p0 [tilespmem:s10], [sflag:$0x7], $0x4000, $0x38;
	[tilespmem:$0x1E080] =	vst v63  }
0x7d: {  	s10 =	simm.s32 @p0 $0x7  }
0x7e: {  	_ =	swait.ge @p0 [sflag:s10], $0x4000  }
0x7f: {  	[sflag:s10] =	ssyncset.done @p0 $0x0  }
0x80: {  	[sflag:s10] =	ssyncadd.s32 @p0 $0xFFFFC000;
	s10 =	simm.s32 @!p2 $0x6800  }
0x81: {  	[spmem:s16] =	stream.linear.scatter @!p2 [tilespmem:s10], [sflag:$0x6], $0x800, $0x38;
	[tilespmem:$0x1E080] =	vst v63  }
0x82: {  	s10 =	simm.s32 @!p2 $0x6  }
0x83: {  	_ =	swait.ge @!p2 [sflag:s10], $0x800  }
0x84: {  	[sflag:s10] =	ssyncset.done @!p2 $0x0  }
0x85: {  	[sflag:s10] =	ssyncadd.s32 @!p2 $0xFFFFF800  }
0x86: {  	[bflag:$0x0] =	sbarrier.arrive $0xFFFF  }
0x87: {  	_ =	swait.ge [sflag:s5], $0x80  }
0x88: {  	[sflag:s5] =	ssyncset.done $0x0  }
0x89: {  	[sflag:s5] =	ssyncadd.s32 $0xFFFFFF80  }
0x8a: {  	_ =	swait.ge [sflag:s5], $0x4000  }
0x8b: {  	[sflag:s5] =	ssyncset.done $0x0  }
0x8c: {  	s10 =	simm.s32 $0x0;
	[sflag:s5] =	ssyncadd.s32 $0xFFFFC000  }
0x8d: {  	[tilespmem:s2], [sflag:$0x4] =	stream.linear.gather [hbm4b:s24+s10], $0x80, $0x38;
	[tilespmem:$0x1E080] =	vst v63  }
0x8e: {  	_ = 	snop  }
0x8f: {  	[tilespmem:s31], [sflag:$0x4] =	stream.indirect.gather [hbm4b:s4+s29], $0x80, s29, s29, $0xb8;
	[tilespmem:$0x1E080] =	vst v63  }
0x90: {  	_ = 	snop  }
0x91: {  	[spmem:s1] =	stream.indirect.scatter.add.f32 [tilespmem:s30], [sflag:$0x3], $0x80, s28, s29, $0xb8;
	[tilespmem:$0x1E080] =	vst v63  }
0x92: {  	_ =	swait.ge [sflag:s6], $0x80  }
0x93: {  	[sflag:s6] =	ssyncset.done $0x0  }
0x94: {  	[sflag:s6] =	ssyncadd.s32 $0xFFFFFF80  }
0x95: {  	_ =	swait.ge [sflag:s6], $0x4000  }
0x96: {  	[sflag:s6] =	ssyncset.done $0x0  }
0x97: {  	[sflag:s6] =	ssyncadd.s32 $0xFFFFC000  }
0x98: {  	_ =	swait.ge [sflag:s7], $0x4000  }
0x99: {  	[sflag:s7] =	ssyncset.done $0x0  }
0x9a: {  	[sflag:s7] =	ssyncadd.s32 $0xFFFFC000  }
0x9b: {  	[tilespmem:s28], [sflag:$0x1] =	stream.linear.gather [hbm4b:s25+s10], $0x80, $0x38;
	[tilespmem:$0x1E080] =	vst v63  }
0x9c: {  	s11 =	simm.s32 $0x100  }
0x9d: {  	[tilespmem:s30], [sflag:$0x1] =	stream.indirect.gather [hbm4b:s4+s29], $0x80, s11, s29, $0xb8;
	[tilespmem:$0x1E080] =	vst v63  }
0x9e: {  	s11 =	simm.s32 $0x180  }
0x9f: {  	[spmem:s1] =	stream.indirect.scatter.add.f32 [tilespmem:s31], [sflag:$0x5], $0x80, s2, s29, $0xb8;
	[tilespmem:$0x1E080] =	vst v63  }
.LBB2_4:
0xa0: {  	_ =	swait.ge [sflag:s5], $0x80  }
0xa1: {  	[sflag:s5] =	ssyncset.done $0x0  }
0xa2: {  	[sflag:s5] =	ssyncadd.s32 $0xFFFFFF80  }
0xa3: {  	_ =	swait.ge [sflag:s5], $0x4000  }
0xa4: {  	[sflag:s5] =	ssyncset.done $0x0  }
0xa5: {  	[sflag:s5] =	ssyncadd.s32 $0xFFFFC000  }
0xa6: {  	_ =	swait.ge [sflag:s8], $0x4000  }
0xa7: {  	[sflag:s8] =	ssyncset.done $0x0  }
0xa8: {  	s12 =	sadd.s32 s10, s14;
	[sflag:s8] =	ssyncadd.s32 $0xFFFFC000  }
0xa9: {  	[tilespmem:s2], [sflag:$0x4] =	stream.linear.gather [hbm4b:s12+s3], $0x80, $0x38;
	[tilespmem:$0x1E080] =	vst v63  }
0xaa: {  	_ = 	snop  }
0xab: {  	[tilespmem:s31], [sflag:$0x4] =	stream.indirect.gather [hbm4b:s4+s29], $0x80, s11, s29, $0xb8;
	[tilespmem:$0x1E080] =	vst v63  }
0xac: {  	_ = 	snop  }
0xad: {  	[spmem:s1] =	stream.indirect.scatter.add.f32 [tilespmem:s30], [sflag:$0x3], $0x80, s28, s29, $0xb8;
	[tilespmem:$0x1E080] =	vst v63  }
0xae: {  	_ =	swait.ge [sflag:s6], $0x80  }
0xaf: {  	[sflag:s6] =	ssyncset.done $0x0  }
0xb0: {  	[sflag:s6] =	ssyncadd.s32 $0xFFFFFF80  }
0xb1: {  	p3 =	seq.s32 s10, $0x4A0;
	_ =	swait.ge [sflag:s6], $0x4000  }
.Ltmp3:
0xb2: {  	[sflag:s6] =	ssyncset.done $0x0;
	(pc) =	sbr.rel @p3 .LBB2_6-.Ltmp3, $4  }
0xb3: {  	[sflag:s6] =	ssyncadd.s32 $0xFFFFC000  }
0xb4: {  	_ =	swait.ge [sflag:s7], $0x4000  }
0xb5: {  	[sflag:s7] =	ssyncset.done $0x0  }
0xb6: {  	[sflag:s7] =	ssyncadd.s32 $0xFFFFC000  }
0xb7: {  	s12 =	sadd.s32 s10, s15  }
0xb8: {  	[tilespmem:s28], [sflag:$0x1] =	stream.linear.gather [hbm4b:s12+s3], $0x80, $0x38;
	[tilespmem:$0x1E080] =	vst v63  }
.Ltmp4:
0xb9: {  	_ = 	snop;
	(pc) =	sbr.rel .LBB2_4-.Ltmp4, $4  }
0xba: {  	s17 =	sadd.s32 $0x80, s11  }
0xbb: {  	[tilespmem:s30], [sflag:$0x1] =	stream.indirect.gather [hbm4b:s4+s29], $0x80, s17, s29, $0xb8;
	[tilespmem:$0x1E080] =	vst v63  }
0xbc: {  	s10 =	sadd.s32 $0x20, s10;
	s11 =	sadd.s32 $0x100, s11  }
0xbd: {  	[spmem:s1] =	stream.indirect.scatter.add.f32 [tilespmem:s31], [sflag:$0x5], $0x80, s2, s29, $0xb8;
	[tilespmem:$0x1E080] =	vst v63  }
.LBB2_7:
0xbe: {  	_ =	sfence.sel $0x180000  }
0xbf: {  	[bflag:$0x0] =	sbarrier.arrive $0xFFFF  }
0xc0: {  	_ =	strace $0x9000004A  }
0xc1: {  	[bflag:$0x2] =	sbarrier.arrive $0xFFFF  }
0xc2: {  	p0 =	sne.s32 s12, $0x0;
	s0 =	rddreg [dreg:$0x3]  }
0xc3: {  	s0 =	sadd.s32 @!p0 $0x100000, s0  }
0xc4: {  	[sflag:s0] =	ssyncadd.tile.s32 @!p0 $0x1;
	_ =	shalt  }
.Lfunc_end2:
_tile_overlayer_lowered:
.L_overlay_start_2:
0xc5: {  	(tag) =	ssettag $0x2  }
0xc6: {  	s0 =	rddreg [dreg:$0x0];
	s2 =	stileid.u32  }
0xc7: {  	s1 =	rddreg [dreg:$0x1];
	p0 =	sne.s32 s2, $0x0  }
0xc8: {  	s3 =	rddreg [dreg:$0x2];
	[bflag:$0x3] =	sbarrier.arrive $0xFFFF;
	s2 =	simm.s32 @!p0 $0x1C06  }
0xc9: {  	[timem:s3], [sflag:s2] =	dma.local @!p0 [hbm:s0], s1  }
0xca: {  	s0 =	simm.s32 @!p0 $0x6  }
0xcb: {  	_ =	swait.ge @!p0 [sflag:s0], s1  }
0xcc: {  	s1 =	ssub.s32 @!p0 $0x0, s1;
	[sflag:s0] =	ssyncset.done @!p0 $0x0  }
0xcd: {  	[sflag:s0] =	ssyncadd.s32 @!p0 s1  }
0xce: {  	[bflag:$0x3] =	sbarrier.arrive $0xFFFF  }
0xcf: {  	_ =	shalt  }

// kernel: kernel.14.cloned.1.call-start
scs
__scs_entry_jumppad:
0x0: {  	(pc) =	sbr.rel $0x88, $3  }
0x1: {  	(tag) =	ssettag $0x0;
	lr =	simm.s32 $0x1  }
0x2: {  	[smem:$0x3F93] =	sst lr;
	_ =	strace $0xD0000000  }
0x3: {  	_ = 	snop  }
0x4: {  	_ = 	snop  }
0x5: {  	_ = 	snop  }
0x6: {  	_ = 	snop  }
0x7: {  	_ = 	snop  }
__scs_overlays_trampoline_lowered:
0x8: {  	[smem:$0x3FA2] =	sst s0  }
0x9: {  	[smem:$0x3FA3] =	sst s1  }
0xa: {  	[smem:$0x3FA4] =	sst s2  }
0xb: {  	[smem:$0x3FA5] =	sst s3  }
0xc: {  	[smem:$0x3FA6] =	sst s4  }
0xd: {  	[smem:$0x3FA7] =	sst s5  }
0xe: {  	[smem:$0x3FA8] =	sst s6  }
0xf: {  	[smem:$0x3FA9] =	sst s7  }
0x10: {  	[smem:$0x3FAA] =	sst s8  }
0x11: {  	[smem:$0x3FAB] =	sst s9;
	s0 =	simm.s32 @!p0 $0x0  }
0x12: {  	s1 =	sld [smem:$0x3F91];
	s0 =	simm.s32 @p0 $0x1  }
0x13: {  	[smem:$0x3FAC] =	sst s0;
	s0 =	simm.s32 @!p1 $0x0  }
0x14: {  	s2 =	sld [smem:$0x3F90];
	s0 =	simm.s32 @p1 $0x1  }
0x15: {  	[smem:$0x3FAD] =	sst s0;
	s0 =	simm.s32 @!p2 $0x0  }
0x16: {  	s3 =	sld [smem:$0x3FDB];
	s0 =	simm.s32 @p2 $0x1  }
0x17: {  	s4 =	simm.s32 $0x1BF5;
	[smem:$0x3FAF] =	sst s0  }
0x18: {  	s0 =	sld [smem:$0x3F92];
	_ =	swait.ge [sflag:s4], $0x0  }
0x19: {  	s7 =	sld [smem:$0x3F93]  }
0x1a: {  	s8 =	sadd.s32 $0xFFFFE003, lr  }
0x1b: {  	s9 =	sadd.s32 $0xFFFFFEF7, lr;
	s5 =	simm.s32 $0xFFFFFFFF;
	p2 =	slt.u32 s8, $0xFFFFF086  }
0x1c: {  	p1 =	slt.u32 s9, $0xF7A;
	s5 =	simm.s32 @!p2 $0x0  }
0x1d: {  	s5 =	simm.s32 @p1 $0x1;
	p0 =	seq.s32 s7, s2  }
0x1e: {  	s7 =	smul.u32 @!p0 $0xF7A, s2;
	p2 =	seq.s32 @!p0 s5, $0x0  }
0x1f: {  	s9 =	smul.u32 $0xF7A, s1;
	s8 =	simm.s32 @!p0 $0x1BF5;
	p2 =	por !p2, p0  }
0x20: {  	[sflag:s8] =	ssyncset.s32 @!p0 $0xFFFFF086;
	s6 =	sadd.s32 @!p0 s3, s7;
	s7 =	simm.s32 @!p0 $0x108  }
0x21: {  	s3 =	sadd.s32 s3, s9;
	s6 =	sadd.s32 @!p0 $0x88, s6;
	s7 =	simm.s32 @p2 $0x1082  }
0x22: {  	[simem:s7], [sflag:s8] =	dma.local @!p0 [hbm:s6], $0xF7A  }
0x23: {  	s9 =	sor.u32 $0xD0000000, s2;
	s6 =	simm.s32 $0x108;
	_ =	swait.ge @!p0 [sflag:s8], $0x0  }
0x24: {  	s3 =	sadd.s32 $0x88, s3;
	s6 =	simm.s32 @!p1 $0x1082;
	[sflag:s4] =	ssyncset.s32 $0xFFFFF086  }
0x25: {  	[simem:s6], [sflag:s4] =	dma.local [hbm:s3], $0xF7A  }
0x26: {  	[smem:$0x3F93] =	sst s1;
	(tag) =	ssettag s2;
	_ =	strace s9  }
0x27: {  	s1 =	sld [smem:$0x3FA3]  }
0x28: {  	s2 =	sld [smem:$0x3FA4]  }
0x29: {  	s4 =	sld [smem:$0x3FA6]  }
0x2a: {  	p0 =	seq.s32 s5, $0x0;
	s5 =	sld [smem:$0x3FA7]  }
0x2b: {  	s6 =	sld [smem:$0x3FA8]  }
0x2c: {  	s7 =	sld [smem:$0x3FA9]  }
0x2d: {  	s3 =	simm.s32 $0x108;
	s8 =	sld [smem:$0x3FAA]  }
0x2e: {  	s3 =	simm.s32 @!p0 $0x1082;
	s9 =	sld [smem:$0x3FAB]  }
0x2f: {  	lr =	sadd.s32 s0, s3;
	s0 =	sld [smem:$0x3FA2]  }
0x30: {  	s3 =	sld [smem:$0x3FA5]  }
0x31: {  	[smem:$0x3FAE] =	sst s10  }
0x32: {  	s10 =	sld [smem:$0x3FAC];
	_ =	sdelay $0x3  }
0x33: {  	p0 =	seq.s32 s10, $0x1;
	s10 =	sld [smem:$0x3FAE];
	_ =	sdelay $0x3  }
0x34: {  	[smem:$0x3FAE] =	sst s10  }
0x35: {  	s10 =	sld [smem:$0x3FAD];
	_ =	sdelay $0x3  }
0x36: {  	p1 =	seq.s32 s10, $0x1;
	s10 =	sld [smem:$0x3FAE];
	_ =	sdelay $0x3  }
0x37: {  	[smem:$0x3FAE] =	sst s10  }
0x38: {  	s10 =	sld [smem:$0x3FAF]  }
0x39: {  	_ = 	snop;
	(pc) =	sbr.ind lr, $3  }
0x3a: {  	_ = 	snop  }
0x3b: {  	_ = 	snop  }
0x3c: {  	p2 =	seq.s32 s10, $0x1;
	s10 =	sld [smem:$0x3FAE]  }
0x3d: {  	_ =	shalt  }
0x3e: {  	_ =	shalt  }
0x3f: {  	_ =	shalt  }
0x40: {  	_ =	shalt  }
0x41: {  	_ =	shalt  }
0x42: {  	_ =	shalt  }
0x43: {  	_ =	shalt  }
0x44: {  	_ =	shalt  }
0x45: {  	_ =	shalt  }
0x46: {  	_ =	shalt  }
0x47: {  	_ =	shalt  }
0x48: {  	_ =	shalt  }
0x49: {  	_ =	shalt  }
0x4a: {  	_ =	shalt  }
0x4b: {  	_ =	shalt  }
0x4c: {  	_ =	shalt  }
0x4d: {  	_ =	shalt  }
0x4e: {  	_ =	shalt  }
0x4f: {  	_ =	shalt  }
0x50: {  	_ =	shalt  }
0x51: {  	_ =	shalt  }
0x52: {  	_ =	shalt  }
0x53: {  	_ =	shalt  }
0x54: {  	_ =	shalt  }
0x55: {  	_ =	shalt  }
0x56: {  	_ =	shalt  }
0x57: {  	_ =	shalt  }
0x58: {  	_ =	shalt  }
0x59: {  	_ =	shalt  }
0x5a: {  	_ =	shalt  }
0x5b: {  	_ =	shalt  }
0x5c: {  	_ =	shalt  }
0x5d: {  	_ =	shalt  }
0x5e: {  	_ =	shalt  }
0x5f: {  	_ =	shalt  }
0x60: {  	_ =	shalt  }
0x61: {  	_ =	shalt  }
0x62: {  	_ =	shalt  }
0x63: {  	_ =	shalt  }
0x64: {  	_ =	shalt  }
0x65: {  	_ =	shalt  }
0x66: {  	_ =	shalt  }
0x67: {  	_ =	shalt  }
0x68: {  	_ =	shalt  }
0x69: {  	_ =	shalt  }
0x6a: {  	_ =	shalt  }
0x6b: {  	_ =	shalt  }
0x6c: {  	_ =	shalt  }
0x6d: {  	_ =	shalt  }
0x6e: {  	_ =	shalt  }
0x6f: {  	_ =	shalt  }
0x70: {  	_ =	shalt  }
0x71: {  	_ =	shalt  }
0x72: {  	_ =	shalt  }
0x73: {  	_ =	shalt  }
0x74: {  	_ =	shalt  }
0x75: {  	_ =	shalt  }
0x76: {  	_ =	shalt  }
0x77: {  	_ =	shalt  }
0x78: {  	_ =	shalt  }
0x79: {  	_ =	shalt  }
0x7a: {  	_ =	shalt  }
0x7b: {  	_ =	shalt  }
0x7c: {  	_ =	shalt  }
0x7d: {  	_ =	shalt  }
0x7e: {  	_ =	shalt  }
0x7f: {  	_ =	shalt  }
0x80: {  	_ =	shalt  }
0x81: {  	_ =	shalt  }
0x82: {  	_ =	shalt  }
0x83: {  	_ =	shalt  }
0x84: {  	_ =	shalt  }
0x85: {  	_ =	shalt  }
0x86: {  	_ =	shalt  }
0x87: {  	_ =	shalt  }
.Lfunc_end0:
.L_simem_size_0:
called_computation.2_lowered:
.L_overlay_start_0:
0x88: {  	s2 =	sld [smem:$0x3FD9]  }
0x89: {  	s3 =	sld [smem:$0x3FFE];
	_ =	sdelay $0x1  }
0x8a: {  	s1 =	srdreg.scid  }
0x8b: {  	s0 =	sand.u32 $0x1, s1  }
0x8c: {  	s14 =	sshll.u32 s0, $0xA;
	s2 =	sadd.s32 s3, s2  }
0x8d: {  	s2 =	sadd.s32 s2, s14  }
0x8e: {  	[smem:$0x3FBA] =	sst s2  }
0x8f: {  	_ = 	snop  }
0x90: {  	s2 =	sld [smem:$0x3FD0];
	_ =	sdelay $0x2  }
0x91: {  	s15 =	simm.s32 $0xA;
	s4 =	simm.s32 $0x10  }
0x92: {  	[smem:s4], [sflag:s15] =	dma.local [hbm:s2], $0x1  }
0x93: {  	_ =	swait.eq [sflag:s15], $0x1  }
0x94: {  	[sflag:s15] =	ssyncset.done $0x0  }
0x95: {  	[sflag:s15] =	ssyncadd.s32 $0xFFFFFFFF  }
0x96: {  	s16 =	sld [smem:$0x11];
	(tm) =	ssettm $0x1  }
0x97: {  	s17 =	sld [smem:$0x3FFB];
	_ =	sdelay $0x3  }
0x98: {  	_ =	strace s17  }
0x99: {  	s3 =	sld [smem:$0x3FFC];
	_ =	sdelay $0x3  }
0x9a: {  	_ =	strace s3  }
0x9b: {  	s3 =	sld [smem:$0x3FFD];
	_ =	sdelay $0x3  }
0x9c: {  	_ =	strace s3  }
0x9d: {  	_ =	strace $0x8FFFFFFF  }
0x9e: {  	s18 =	sld [smem:$0x3FDB];
	_ =	sdelay $0x1  }
0x9f: {  	s19 =	simm.s32 $_scs_section_size  }
0xa0: {  	s5 =	simm.s32 $_size__tile_overlayer_lowered;
	s6 =	simm.s32 $_tile_overlayer_lowered  }
0xa1: {  	s22 =	simm.s32 $0x1BFF;
	s21 =	sshll.u32 s6, $0x1;
	s3 =	sadd.s32 s19, s18  }
0xa2: {  	s7 =	simm.s32 $0x0;
	s20 =	sshll.u32 s5, $0x1;
	s5 =	sadd.s32 s21, s3  }
0xa3: {  	[timem:s7], [sflag:s22] =	dma.local [hbm:s5], s20  }
0xa4: {  	_ =	swait.ge [sflag:s22], s20  }
0xa5: {  	s4 =	ssub.s32 $0x0, s20;
	[sflag:s22] =	ssyncset.done $0x0  }
0xa6: {  	[sflag:s22] =	ssyncadd.s32 s4;
	_ =	sdelay $0x1  }
0xa7: {  	s23 =	simm.s32 $0x1B8B  }
0xa8: {  	_ =	swait.ge [sflag:s23], $0x1  }
0xa9: {  	[sflag:s23] =	ssyncset.done $0x0  }
0xaa: {  	s25 =	simm.s32 $0x1B8E;
	s24 =	sld [smem:$0x3FFE];
	[sflag:s23] =	ssyncadd.s32 $0xFFFFFFFF  }
0xab: {  	s26 =	simm.s32 $execute0_lowered;
	[smem:$0x3FD2] =	sst s25  }
0xac: {  	s5 =	sshll.u32 s26, $0x1;
	_ =	strace $0x8000004C;
	[dreg:$0x1] =	wrdreg $0xFFFFFFFF  }
0xad: {  	s28 =	simm.s32 $_size_execute0_lowered;
	s3 =	sadd.s32 s3, s5;
	[dreg:$0x0] =	wrdreg $0x0  }
0xae: {  	s5 =	sshll.u32 s28, $0x1;
	[dreg:$0x2] =	wrdreg s3  }
0xaf: {  	[dreg:$0x3] =	wrdreg s5  }
0xb0: {  	[dreg:$0x4] =	wrdreg $0xC0  }
0xb1: {  	_ =	task [dreg:s7], $0x5FFFF  }
0xb2: {  	[dreg:$0x1] =	wrdreg $0xFFFFFFFF  }
0xb3: {  	[dreg:$0x0] =	wrdreg $0x60  }
0xb4: {  	[dreg:$0x2] =	wrdreg s24  }
0xb5: {  	[dreg:$0x3] =	wrdreg s16  }
0xb6: {  	[dreg:$0x4] =	wrdreg $0xA8000  }
0xb7: {  	[dreg:$0x5] =	wrdreg $0x9  }
0xb8: {  	_ =	task.clear_ibuf [dreg:s7], $0x6FFFF;
	_ =	strace $0x9000004C  }
0xb9: {  	s29 =	simm.s32 $0x9;
	_ =	strace $0x8000004E  }
0xba: {  	_ =	swait.ge [sflag:s29], $0x1  }
0xbb: {  	[sflag:s29] =	ssyncadd.s32 $0xFFFFFFFF  }
0xbc: {  	_ =	strace $0x9000004E  }
0xbd: {  	_ =	sfence  }
0xbe: {  	s30 =	sld [smem:$0x0];
	_ =	sdelay $0x2  }
0xbf: {  	s31 =	sshll.u32 s1, $0xD;
	s1 =	sshrl.u32 s1, $0x2  }
0xc0: {  	s3 =	sand.u32 $0x4000, s31;
	s1 =	sadd.s32 s1, s30  }
0xc1: {  	s0 =	sor.u32 s3, s0;
	s1 =	sshll.u32 s1, $0x11  }
0xc2: {  	s0 =	sor.u32 s1, s0  }
0xc3: {  	s0 =	sadd.s32 $0x8F2B, s0  }
0xc4: {  	[sflag:s0] =	ssyncadd.remote.s32 $0x1  }
0xc5: {  	_ =	sfence.sel $0xFFFF  }
0xc6: {  	[dreg:$0x0] =	wrdreg $0xFFFFFFFF;
	(pc) =	sbr.abs _section_cstart, $3  }
0xc7: {  	[dreg:$0x1] =	wrdreg $0xFFFFFFFF  }
0xc8: {  	_ =	task.clear_ibuf [dreg:s7], $0x2FFFF;
	_ =	strace $0x9FFFFFFF  }
0xc9: {  	(tm) =	ssettm $0x7FFFFFFF  }
tec
execute0_lowered:
.L_overlay_start_1:
0x0: {  	(tag) =	ssettag $0x1  }
0x1: {  	s0 =	rddreg [dreg:$0x0]  }
0x2: {  	s2 =	rddreg [dreg:$0x1]  }
0x3: {  	s1 =	rddreg [dreg:$0x2]  }
0x4: {  	s3 =	srdreg.scid;
	s17 =	stileid.u32;
	s28 =	simm.s32 $0x2700  }
0x5: {  	s29 =	simm.s32 $0x80;
	s30 =	simm.s32 $0x2800;
	s31 =	simm.s32 $0x6800  }
0x6: {  	s5 =	sand.u32 $0x1, s3;
	s3 =	simm.s32 $0x0;
	s8 =	sadd.s32 $0xE800, s0  }
0x7: {  	s23 =	sshll.u32 s17, $0x4;
	s12 =	sshll.u32 s17, $0xE;
	s15 =	smul.u32 $0x2700, s17  }
0x8: {  	s4 =	sshll.u32 s5, $0x4;
	[smem:$0x7FF] =	sst s3;
	s9 =	ssub.s32 $0x2, s5  }
0x9: {  	s11 =	smul.u32 $0x138800, s5;
	s20 =	sor.u32 $0x40000, s12;
	s21 =	sor.u32 $0x80000, s12  }
0xa: {  	s5 =	smul.u32 $0x27000, s5;
	s6 =	sor.u32 s17, s4;
	_ =	strace $0x8000004D  }
0xb: {  	s4 =	sadd.s32 $0x18600, s0;
	s0 =	sadd.s32 $0x4A00, s0;
	s10 =	sshrl.u32 s9, $0x1  }
0xc: {  	s7 =	smul.u32 $0x2700, s6;
	s9 =	ssub.s32 s9, s10;
	s24 =	sshrl.u32 s11, $0x3  }
0xd: {  	s13 =	sadd.s32 s11, s12;
	s14 =	sadd.s32 s11, s20;
	s5 =	sadd.s32 s15, s5  }
0xe: {  	s20 =	sadd.s32 s20, s1;
	p1 =	sgt.u32 s6, $0x3;
	s6 =	simm.s32 $0x4  }
0xf: {  	s10 =	sadd.s32 s2, s24;
	s24 =	sor.u32 $0x40, s17;
	s13 =	sshrl.u32 s13, $0x3  }
0x10: {  	s14 =	sshrl.u32 s14, $0x3;
	s18 =	sadd.s32 $0x180, s5;
	s5 =	sadd.s32 $0x200, s5  }
0x11: {  	s7 =	sshrl.u32 s7, $0x3;
	s13 =	sadd.s32 s2, s13;
	s26 =	sadd.s32 s2, s14  }
0x12: {  	s14 =	sadd.s32 s11, s21;
	s5 =	sshrl.u32 s5, $0x3;
	s19 =	sadd.s32 $0x27000, s10  }
0x13: {  	s21 =	sadd.s32 s21, s1;
	p0 =	slt.u32 s24, $0x4E;
	s22 =	sadd.s32 s8, s7  }
0x14: {  	s25 =	sadd.s32 s0, s7;
	s7 =	sor.u32 $0x9C00, s23;
	[dreg:$0x5] =	wrdreg s13  }
0x15: {  	s23 =	sshll.u32 s24, $0xE;
	[dreg:$0x6] =	wrdreg s26;
	s13 =	sshrl.u32 s14, $0x3  }
0x16: {  	[dreg:$0xc] =	wrdreg s19;
	s26 =	smax.u32 s9, $0x1;
	s19 =	sadd.s32 s12, s1  }
0x17: {  	p2 =	sne.s32 @!p0 s17, $0xE;
	s9 =	simm.s32 $0x0;
	[dreg:$0x4] =	wrdreg s22  }
0x18: {  	s22 =	sor.u32 $0xC0000, s12;
	s13 =	sadd.s32 s2, s13;
	s8 =	sadd.s32 s8, s7  }
0x19: {  	s7 =	sadd.s32 s0, s7;
	[dreg:$0xd] =	wrdreg s26;
	s24 =	sadd.s32 $0x10, s25  }
0x1a: {  	p2 =	por p2, p0;
	s26 =	simm.s32 $0x2;
	[dreg:$0x7] =	wrdreg s13  }
0x1b: {  	s15 =	sadd.s32 s11, s22;
	s11 =	sadd.s32 s11, s23;
	[dreg:$0xa] =	wrdreg s8  }
0x1c: {  	[dreg:$0xb] =	wrdreg s7;
	s22 =	sadd.s32 s22, s1;
	s23 =	sadd.s32 s23, s1  }
0x1d: {  	s7 =	simm.s32 $0x3;
	s8 =	simm.s32 $0x5;
	s14 =	sshrl.u32 s15, $0x3  }
.Ltmp0:
0x1e: {  	s11 =	sshrl.u32 s11, $0x3;
	s16 =	sadd.s32 s2, s14;
	(pc) =	sbr.rel .LBB2_1-.Ltmp0, $4  }
0x1f: {  	s15 =	sadd.s32 s5, s0;
	s2 =	sadd.s32 s2, s11;
	[dreg:$0x8] =	wrdreg s16  }
0x20: {  	s5 =	simm.s32 $0x1;
	[dreg:$0x9] =	wrdreg s2;
	s2 =	sshrl.u32 s18, $0x3  }
0x21: {  	s16 =	sadd.s32 $0x138000, s1;
	s18 =	smov.u32 s25;
	s25 =	sadd.s32 $0x20, s25  }
0x22: {  	v0 =	vimm.f32 $0.0e+00;
	s14 =	sadd.s32 s2, s0;
	s0 =	simm.s32 $0x7;
	s2 =	simm.s32 $0x2780  }
.LBB2_6:
0x23: {  	[spmem:s1] =	stream.indirect.scatter.add.f32 [tilespmem:s31], [sflag:$0x5], $0x80, s2, s29, $0xb8;
	[tilespmem:$0x1E080] =	vst v63  }
0x24: {  	_ =	swait.ge [sflag:s8], $0x4000  }
0x25: {  	s10 =	simm.s32 @!p1 $0x0;
	[sflag:s8] =	ssyncset.done $0x0  }
0x26: {  	s11 =	simm.s32 @!p1 $0x2780;
	s12 =	rddreg [dreg:$0xa];
	[sflag:s8] =	ssyncadd.s32 $0xFFFFC000  }
0x27: {  	[tilespmem:s11], [sflag:$0x6] =	stream.linear.gather @!p1 [hbm4b:s12+s10], $0x80, $0x38;
	[tilespmem:$0x1E080] =	vst v63  }
0x28: {  	s12 =	simm.s32 @!p1 $0x6  }
0x29: {  	_ =	swait.ge @!p1 [sflag:s12], $0x80  }
0x2a: {  	[sflag:s12] =	ssyncset.done @!p1 $0x0  }
0x2b: {  	s13 =	simm.s32 @!p1 $0x2700;
	s17 =	rddreg [dreg:$0xb];
	[sflag:s12] =	ssyncadd.s32 @!p1 $0xFFFFFF80  }
0x2c: {  	[tilespmem:s13], [sflag:$0x6] =	stream.linear.gather @!p1 [hbm4b:s17+s10], $0x80, $0x38;
	[tilespmem:$0x1E080] =	vst v63  }
0x2d: {  	_ =	swait.ge @!p1 [sflag:s12], $0x80  }
0x2e: {  	[sflag:s12] =	ssyncset.done @!p1 $0x0  }
0x2f: {  	s10 =	simm.s32 @!p1 $0x80;
	s17 =	simm.s32 @!p1 $0x2800;
	[sflag:s12] =	ssyncadd.s32 @!p1 $0xFFFFFF80  }
0x30: {  	[tilespmem:s17], [sflag:$0x1] =	stream.indirect.gather @!p1 [hbm4b:s4+s10], $0x80, s11, s10, $0xb8;
	[tilespmem:$0x1E080] =	vst v63  }
0x31: {  	s11 =	simm.s32 @!p1 $0x1  }
0x32: {  	_ =	swait.ge @!p1 [sflag:s11], $0x4000  }
0x33: {  	[sflag:s11] =	ssyncset.done @!p1 $0x0  }
0x34: {  	[sflag:s11] =	ssyncadd.s32 @!p1 $0xFFFFC000  }
0x35: {  	[spmem:s1] =	stream.indirect.scatter.add.f32 @!p1 [tilespmem:s17], [sflag:$0x6], $0x80, s13, s10, $0xb8;
	[tilespmem:$0x1E080] =	vst v63  }
0x36: {  	_ =	swait.ge @!p1 [sflag:s12], $0x4000  }
0x37: {  	[sflag:s12] =	ssyncset.done @!p1 $0x0  }
0x38: {  	s13 =	stileid.u32;
	[sflag:s12] =	ssyncadd.s32 @!p1 $0xFFFFC000  }
0x39: {  	s11 =	sshll.u32 s13, $0x6;
	[bflag:$0x0] =	sbarrier.arrive $0xFFFF  }
0x3a: {  	s10 =	sor.u32 $0x1C07, s11;
	s12 =	sshrl.u32 s19, $0x3;
	s17 =	rddreg [dreg:$0x5]  }
0x3b: {  	[hbm:s17], [sflag:s10] =	dma.local [spmem:s12], $0x800  }
0x3c: {  	_ =	swait.ge [sflag:s0], $0x800  }
0x3d: {  	[sflag:s0] =	ssyncset.done $0x0  }
0x3e: {  	s12 =	sshrl.u32 s20, $0x3;
	s17 =	rddreg [dreg:$0x6];
	[sflag:s0] =	ssyncadd.s32 $0xFFFFF800  }
0x3f: {  	[hbm:s17], [sflag:s10] =	dma.local [spmem:s12], $0x800  }
0x40: {  	_ =	swait.ge [sflag:s0], $0x800  }
0x41: {  	[sflag:s0] =	ssyncset.done $0x0  }
0x42: {  	s12 =	sshrl.u32 s21, $0x3;
	s17 =	rddreg [dreg:$0x7];
	[sflag:s0] =	ssyncadd.s32 $0xFFFFF800  }
0x43: {  	[hbm:s17], [sflag:s10] =	dma.local [spmem:s12], $0x800  }
0x44: {  	_ =	swait.ge [sflag:s0], $0x800  }
0x45: {  	[sflag:s0] =	ssyncset.done $0x0  }
0x46: {  	s12 =	sshrl.u32 s22, $0x3;
	s17 =	rddreg [dreg:$0x8];
	[sflag:s0] =	ssyncadd.s32 $0xFFFFF800  }
0x47: {  	[hbm:s17], [sflag:s10] =	dma.local [spmem:s12], $0x800  }
0x48: {  	_ =	swait.ge [sflag:s0], $0x800  }
0x49: {  	[sflag:s0] =	ssyncset.done $0x0  }
0x4a: {  	s11 =	sshrl.u32 @p0 s23, $0x3;
	s12 =	rddreg [dreg:$0x9];
	[sflag:s0] =	ssyncadd.s32 $0xFFFFF800  }
0x4b: {  	[hbm:s12], [sflag:s10] =	dma.local @p0 [spmem:s11], $0x800  }
0x4c: {  	s10 =	simm.s32 @p0 $0x7  }
0x4d: {  	_ =	swait.ge @p0 [sflag:s10], $0x800  }
0x4e: {  	s11 =	sshll.u32 @!p2 s13, $0x6;
	[sflag:s10] =	ssyncset.done @p0 $0x0;
	s13 =	rddreg [dreg:$0xc]  }
0x4f: {  	[sflag:s10] =	ssyncadd.s32 @p0 $0xFFFFF800;
	s10 =	sor.u32 @!p2 $0x1C06, s11;
	s11 =	sshrl.u32 @!p2 s16, $0x3  }
0x50: {  	[hbm:s13], [sflag:s10] =	dma.local @!p2 [spmem:s11], $0x100  }
0x51: {  	s10 =	simm.s32 @!p2 $0x6  }
0x52: {  	_ =	swait.ge @!p2 [sflag:s10], $0x100  }
0x53: {  	s9 =	sadd.s32 $0x1, s9;
	s17 =	rddreg [dreg:$0xd]  }
0x54: {  	p3 =	sne.s32 s9, s17  }
.Ltmp1:
0x55: {  	_ = 	snop;
	(pc) =	sbr.rel @!p3 .LBB2_7-.Ltmp1, $3  }
0x56: {  	_ =	sdelay $0x1  }
0x57: {  	[sflag:s10] =	ssyncset.done @!p2 $0x0  }
0x58: {  	s12 =	stileid.u32;
	[sflag:s10] =	ssyncadd.s32 @!p2 $0xFFFFFF00  }
.LBB2_1:
0x59: {  	s10 =	rddreg [dreg:$0x4];
	s17 =	sand.u32 $0xFE00, s3  }
0x5a: {  	[tilespmem:s3], [sflag:$0x2] =	stream.linear.gather [hbm4b:s10+s3], $0x2700, $0x38;
	[tilespmem:$0x1E080] =	vst v63  }
0x5b: {  	s11 =	sand.u32 $0x70, s3;
	s12 =	sshrl.u32 s17, $0x2  }
0x5c: {  	s10 =	simm.s32 $0x40;
	s12 =	sor.u32 s11, s12;
	s11 =	simm.s32 $0x0  }
.LBB2_2:
0x5d: {  	p3 =	sne.s32 s10, $0xFFC0  }
0x5e: {  	[tilespmem:s12+$0x6800] =	vst v0;
	s11 =	sadd.s32 $0x10, s11;
	s12 =	smov.u32 s10;
	s10 =	sadd.s32 $0x40, s10  }
.Ltmp2:
0x5f: {  	(pc) =	sbr.rel @p3 .LBB2_2-.Ltmp2, $4  }
0x60: {  	_ = 	snop  }
0x61: {  	s12 =	sand.u32 $0xFE00, s12  }
0x62: {  	s13 =	sand.u32 $0x70, s11;
	s12 =	sshrl.u32 s12, $0x2  }
0x63: {  	s12 =	sor.u32 s13, s12  }
0x64: {  	[tilespmem:s12+$0x6800] =	vst v0  }
0x65: {  	_ =	swait.ge [sflag:s26], $0x2700  }
0x66: {  	[sflag:s26] =	ssyncset.done $0x0  }
0x67: {  	[sflag:s26] =	ssyncadd.s32 $0xFFFFD900  }
0x68: {  	[tilespmem:s28], [sflag:$0x1] =	stream.linear.gather [hbm4b:s18+s3], $0x80, $0x38;
	[tilespmem:$0x1E080] =	vst v63  }
0x69: {  	_ = 	snop  }
0x6a: {  	[tilespmem:s30], [sflag:$0x1] =	stream.indirect.gather [hbm4b:s4+s29], $0x80, s3, s29, $0xb8;
	[tilespmem:$0x1E080] =	vst v63  }
0x6b: {  	_ = 	snop  }
0x6c: {  	[spmem:s19] =	stream.linear.scatter [tilespmem:s31], [sflag:$0x7], $0x4000, $0x38;
	[tilespmem:$0x1E080] =	vst v63  }
0x6d: {  	_ =	swait.ge [sflag:s0], $0x4000  }
0x6e: {  	[sflag:s0] =	ssyncset.done $0x0  }
0x6f: {  	[sflag:s0] =	ssyncadd.s32 $0xFFFFC000  }
0x70: {  	[spmem:s20] =	stream.linear.scatter [tilespmem:s31], [sflag:$0x7], $0x4000, $0x38;
	[tilespmem:$0x1E080] =	vst v63  }
0x71: {  	_ =	swait.ge [sflag:s0], $0x4000  }
0x72: {  	[sflag:s0] =	ssyncset.done $0x0  }
0x73: {  	[sflag:s0] =	ssyncadd.s32 $0xFFFFC000  }
0x74: {  	[spmem:s21] =	stream.linear.scatter [tilespmem:s31], [sflag:$0x7], $0x4000, $0x38;
	[tilespmem:$0x1E080] =	vst v63  }
0x75: {  	_ =	swait.ge [sflag:s0], $0x4000  }
0x76: {  	[sflag:s0] =	ssyncset.done $0x0  }
0x77: {  	[sflag:s0] =	ssyncadd.s32 $0xFFFFC000  }
0x78: {  	[spmem:s22] =	stream.linear.scatter [tilespmem:s31], [sflag:$0x7], $0x4000, $0x38;
	[tilespmem:$0x1E080] =	vst v63  }
0x79: {  	_ =	swait.ge [sflag:s0], $0x4000  }
0x7a: {  	[sflag:s0] =	ssyncset.done $0x0  }
0x7b: {  	s10 =	simm.s32 @p0 $0x6800;
	[sflag:s0] =	ssyncadd.s32 $0xFFFFC000  }
0x7c: {  	[spmem:s23] =	stream.linear.scatter @p0 [tilespmem:s10], [sflag:$0x7], $0x4000, $0x38;
	[tilespmem:$0x1E080] =	vst v63  }
0x7d: {  	s10 =	simm.s32 @p0 $0x7  }
0x7e: {  	_ =	swait.ge @p0 [sflag:s10], $0x4000  }
0x7f: {  	[sflag:s10] =	ssyncset.done @p0 $0x0  }
0x80: {  	[sflag:s10] =	ssyncadd.s32 @p0 $0xFFFFC000;
	s10 =	simm.s32 @!p2 $0x6800  }
0x81: {  	[spmem:s16] =	stream.linear.scatter @!p2 [tilespmem:s10], [sflag:$0x6], $0x800, $0x38;
	[tilespmem:$0x1E080] =	vst v63  }
0x82: {  	s10 =	simm.s32 @!p2 $0x6  }
0x83: {  	_ =	swait.ge @!p2 [sflag:s10], $0x800  }
0x84: {  	[sflag:s10] =	ssyncset.done @!p2 $0x0  }
0x85: {  	[sflag:s10] =	ssyncadd.s32 @!p2 $0xFFFFF800  }
0x86: {  	[bflag:$0x0] =	sbarrier.arrive $0xFFFF  }
0x87: {  	_ =	swait.ge [sflag:s5], $0x80  }
0x88: {  	[sflag:s5] =	ssyncset.done $0x0  }
0x89: {  	[sflag:s5] =	ssyncadd.s32 $0xFFFFFF80  }
0x8a: {  	_ =	swait.ge [sflag:s5], $0x4000  }
0x8b: {  	[sflag:s5] =	ssyncset.done $0x0  }
0x8c: {  	s10 =	simm.s32 $0x0;
	[sflag:s5] =	ssyncadd.s32 $0xFFFFC000  }
0x8d: {  	[tilespmem:s2], [sflag:$0x4] =	stream.linear.gather [hbm4b:s24+s10], $0x80, $0x38;
	[tilespmem:$0x1E080] =	vst v63  }
0x8e: {  	_ = 	snop  }
0x8f: {  	[tilespmem:s31], [sflag:$0x4] =	stream.indirect.gather [hbm4b:s4+s29], $0x80, s29, s29, $0xb8;
	[tilespmem:$0x1E080] =	vst v63  }
0x90: {  	_ = 	snop  }
0x91: {  	[spmem:s1] =	stream.indirect.scatter.add.f32 [tilespmem:s30], [sflag:$0x3], $0x80, s28, s29, $0xb8;
	[tilespmem:$0x1E080] =	vst v63  }
0x92: {  	_ =	swait.ge [sflag:s6], $0x80  }
0x93: {  	[sflag:s6] =	ssyncset.done $0x0  }
0x94: {  	[sflag:s6] =	ssyncadd.s32 $0xFFFFFF80  }
0x95: {  	_ =	swait.ge [sflag:s6], $0x4000  }
0x96: {  	[sflag:s6] =	ssyncset.done $0x0  }
0x97: {  	[sflag:s6] =	ssyncadd.s32 $0xFFFFC000  }
0x98: {  	_ =	swait.ge [sflag:s7], $0x4000  }
0x99: {  	[sflag:s7] =	ssyncset.done $0x0  }
0x9a: {  	[sflag:s7] =	ssyncadd.s32 $0xFFFFC000  }
0x9b: {  	[tilespmem:s28], [sflag:$0x1] =	stream.linear.gather [hbm4b:s25+s10], $0x80, $0x38;
	[tilespmem:$0x1E080] =	vst v63  }
0x9c: {  	s11 =	simm.s32 $0x100  }
0x9d: {  	[tilespmem:s30], [sflag:$0x1] =	stream.indirect.gather [hbm4b:s4+s29], $0x80, s11, s29, $0xb8;
	[tilespmem:$0x1E080] =	vst v63  }
0x9e: {  	s11 =	simm.s32 $0x180  }
0x9f: {  	[spmem:s1] =	stream.indirect.scatter.add.f32 [tilespmem:s31], [sflag:$0x5], $0x80, s2, s29, $0xb8;
	[tilespmem:$0x1E080] =	vst v63  }
.LBB2_4:
0xa0: {  	_ =	swait.ge [sflag:s5], $0x80  }
0xa1: {  	[sflag:s5] =	ssyncset.done $0x0  }
0xa2: {  	[sflag:s5] =	ssyncadd.s32 $0xFFFFFF80  }
0xa3: {  	_ =	swait.ge [sflag:s5], $0x4000  }
0xa4: {  	[sflag:s5] =	ssyncset.done $0x0  }
0xa5: {  	[sflag:s5] =	ssyncadd.s32 $0xFFFFC000  }
0xa6: {  	_ =	swait.ge [sflag:s8], $0x4000  }
0xa7: {  	[sflag:s8] =	ssyncset.done $0x0  }
0xa8: {  	s12 =	sadd.s32 s10, s14;
	[sflag:s8] =	ssyncadd.s32 $0xFFFFC000  }
0xa9: {  	[tilespmem:s2], [sflag:$0x4] =	stream.linear.gather [hbm4b:s12+s3], $0x80, $0x38;
	[tilespmem:$0x1E080] =	vst v63  }
0xaa: {  	_ = 	snop  }
0xab: {  	[tilespmem:s31], [sflag:$0x4] =	stream.indirect.gather [hbm4b:s4+s29], $0x80, s11, s29, $0xb8;
	[tilespmem:$0x1E080] =	vst v63  }
0xac: {  	_ = 	snop  }
0xad: {  	[spmem:s1] =	stream.indirect.scatter.add.f32 [tilespmem:s30], [sflag:$0x3], $0x80, s28, s29, $0xb8;
	[tilespmem:$0x1E080] =	vst v63  }
0xae: {  	_ =	swait.ge [sflag:s6], $0x80  }
0xaf: {  	[sflag:s6] =	ssyncset.done $0x0  }
0xb0: {  	[sflag:s6] =	ssyncadd.s32 $0xFFFFFF80  }
0xb1: {  	p3 =	seq.s32 s10, $0x4A0;
	_ =	swait.ge [sflag:s6], $0x4000  }
.Ltmp3:
0xb2: {  	[sflag:s6] =	ssyncset.done $0x0;
	(pc) =	sbr.rel @p3 .LBB2_6-.Ltmp3, $4  }
0xb3: {  	[sflag:s6] =	ssyncadd.s32 $0xFFFFC000  }
0xb4: {  	_ =	swait.ge [sflag:s7], $0x4000  }
0xb5: {  	[sflag:s7] =	ssyncset.done $0x0  }
0xb6: {  	[sflag:s7] =	ssyncadd.s32 $0xFFFFC000  }
0xb7: {  	s12 =	sadd.s32 s10, s15  }
0xb8: {  	[tilespmem:s28], [sflag:$0x1] =	stream.linear.gather [hbm4b:s12+s3], $0x80, $0x38;
	[tilespmem:$0x1E080] =	vst v63  }
.Ltmp4:
0xb9: {  	_ = 	snop;
	(pc) =	sbr.rel .LBB2_4-.Ltmp4, $4  }
0xba: {  	s17 =	sadd.s32 $0x80, s11  }
0xbb: {  	[tilespmem:s30], [sflag:$0x1] =	stream.indirect.gather [hbm4b:s4+s29], $0x80, s17, s29, $0xb8;
	[tilespmem:$0x1E080] =	vst v63  }
0xbc: {  	s10 =	sadd.s32 $0x20, s10;
	s11 =	sadd.s32 $0x100, s11  }
0xbd: {  	[spmem:s1] =	stream.indirect.scatter.add.f32 [tilespmem:s31], [sflag:$0x5], $0x80, s2, s29, $0xb8;
	[tilespmem:$0x1E080] =	vst v63  }
.LBB2_7:
0xbe: {  	_ =	sfence.sel $0x180000  }
0xbf: {  	[bflag:$0x0] =	sbarrier.arrive $0xFFFF  }
0xc0: {  	_ =	strace $0x9000004D  }
0xc1: {  	[bflag:$0x2] =	sbarrier.arrive $0xFFFF  }
0xc2: {  	p0 =	sne.s32 s12, $0x0;
	s0 =	rddreg [dreg:$0x3]  }
0xc3: {  	s0 =	sadd.s32 @!p0 $0x100000, s0  }
0xc4: {  	[sflag:s0] =	ssyncadd.tile.s32 @!p0 $0x1;
	_ =	shalt  }
.Lfunc_end2:
_tile_overlayer_lowered:
.L_overlay_start_2:
0xc5: {  	(tag) =	ssettag $0x2  }
0xc6: {  	s0 =	rddreg [dreg:$0x0];
	s2 =	stileid.u32  }
0xc7: {  	s1 =	rddreg [dreg:$0x1];
	p0 =	sne.s32 s2, $0x0  }
0xc8: {  	s3 =	rddreg [dreg:$0x2];
	[bflag:$0x3] =	sbarrier.arrive $0xFFFF;
	s2 =	simm.s32 @!p0 $0x1C06  }
0xc9: {  	[timem:s3], [sflag:s2] =	dma.local @!p0 [hbm:s0], s1  }
0xca: {  	s0 =	simm.s32 @!p0 $0x6  }
0xcb: {  	_ =	swait.ge @!p0 [sflag:s0], s1  }
0xcc: {  	s1 =	ssub.s32 @!p0 $0x0, s1;
	[sflag:s0] =	ssyncset.done @!p0 $0x0  }
0xcd: {  	[sflag:s0] =	ssyncadd.s32 @!p0 s1  }
0xce: {  	[bflag:$0x3] =	sbarrier.arrive $0xFFFF  }
0xcf: {  	_ =	shalt  }

// kernel: kernel.8.cloned.1.call-start
scs
__scs_entry_jumppad:
0x0: {  	(pc) =	sbr.rel $0x88, $3  }
0x1: {  	(tag) =	ssettag $0x0;
	lr =	simm.s32 $0x1  }
0x2: {  	[smem:$0x3F93] =	sst lr;
	_ =	strace $0xD0000000  }
0x3: {  	_ = 	snop  }
0x4: {  	_ = 	snop  }
0x5: {  	_ = 	snop  }
0x6: {  	_ = 	snop  }
0x7: {  	_ = 	snop  }
__scs_overlays_trampoline_lowered:
0x8: {  	[smem:$0x3FA2] =	sst s0  }
0x9: {  	[smem:$0x3FA3] =	sst s1  }
0xa: {  	[smem:$0x3FA4] =	sst s2  }
0xb: {  	[smem:$0x3FA5] =	sst s3  }
0xc: {  	[smem:$0x3FA6] =	sst s4  }
0xd: {  	[smem:$0x3FA7] =	sst s5  }
0xe: {  	[smem:$0x3FA8] =	sst s6  }
0xf: {  	[smem:$0x3FA9] =	sst s7  }
0x10: {  	[smem:$0x3FAA] =	sst s8  }
0x11: {  	[smem:$0x3FAB] =	sst s9;
	s0 =	simm.s32 @!p0 $0x0  }
0x12: {  	s1 =	sld [smem:$0x3F91];
	s0 =	simm.s32 @p0 $0x1  }
0x13: {  	[smem:$0x3FAC] =	sst s0;
	s0 =	simm.s32 @!p1 $0x0  }
0x14: {  	s2 =	sld [smem:$0x3F90];
	s0 =	simm.s32 @p1 $0x1  }
0x15: {  	[smem:$0x3FAD] =	sst s0;
	s0 =	simm.s32 @!p2 $0x0  }
0x16: {  	s3 =	sld [smem:$0x3FDB];
	s0 =	simm.s32 @p2 $0x1  }
0x17: {  	s4 =	simm.s32 $0x1BF5;
	[smem:$0x3FAF] =	sst s0  }
0x18: {  	s0 =	sld [smem:$0x3F92];
	_ =	swait.ge [sflag:s4], $0x0  }
0x19: {  	s7 =	sld [smem:$0x3F93]  }
0x1a: {  	s8 =	sadd.s32 $0xFFFFE003, lr  }
0x1b: {  	s9 =	sadd.s32 $0xFFFFFEF7, lr;
	s5 =	simm.s32 $0xFFFFFFFF;
	p2 =	slt.u32 s8, $0xFFFFF086  }
0x1c: {  	p1 =	slt.u32 s9, $0xF7A;
	s5 =	simm.s32 @!p2 $0x0  }
0x1d: {  	s5 =	simm.s32 @p1 $0x1;
	p0 =	seq.s32 s7, s2  }
0x1e: {  	s7 =	smul.u32 @!p0 $0xF7A, s2;
	p2 =	seq.s32 @!p0 s5, $0x0  }
0x1f: {  	s9 =	smul.u32 $0xF7A, s1;
	s8 =	simm.s32 @!p0 $0x1BF5;
	p2 =	por !p2, p0  }
0x20: {  	[sflag:s8] =	ssyncset.s32 @!p0 $0xFFFFF086;
	s6 =	sadd.s32 @!p0 s3, s7;
	s7 =	simm.s32 @!p0 $0x108  }
0x21: {  	s3 =	sadd.s32 s3, s9;
	s6 =	sadd.s32 @!p0 $0x88, s6;
	s7 =	simm.s32 @p2 $0x1082  }
0x22: {  	[simem:s7], [sflag:s8] =	dma.local @!p0 [hbm:s6], $0xF7A  }
0x23: {  	s9 =	sor.u32 $0xD0000000, s2;
	s6 =	simm.s32 $0x108;
	_ =	swait.ge @!p0 [sflag:s8], $0x0  }
0x24: {  	s3 =	sadd.s32 $0x88, s3;
	s6 =	simm.s32 @!p1 $0x1082;
	[sflag:s4] =	ssyncset.s32 $0xFFFFF086  }
0x25: {  	[simem:s6], [sflag:s4] =	dma.local [hbm:s3], $0xF7A  }
0x26: {  	[smem:$0x3F93] =	sst s1;
	(tag) =	ssettag s2;
	_ =	strace s9  }
0x27: {  	s1 =	sld [smem:$0x3FA3]  }
0x28: {  	s2 =	sld [smem:$0x3FA4]  }
0x29: {  	s4 =	sld [smem:$0x3FA6]  }
0x2a: {  	p0 =	seq.s32 s5, $0x0;
	s5 =	sld [smem:$0x3FA7]  }
0x2b: {  	s6 =	sld [smem:$0x3FA8]  }
0x2c: {  	s7 =	sld [smem:$0x3FA9]  }
0x2d: {  	s3 =	simm.s32 $0x108;
	s8 =	sld [smem:$0x3FAA]  }
0x2e: {  	s3 =	simm.s32 @!p0 $0x1082;
	s9 =	sld [smem:$0x3FAB]  }
0x2f: {  	lr =	sadd.s32 s0, s3;
	s0 =	sld [smem:$0x3FA2]  }
0x30: {  	s3 =	sld [smem:$0x3FA5]  }
0x31: {  	[smem:$0x3FAE] =	sst s10  }
0x32: {  	s10 =	sld [smem:$0x3FAC];
	_ =	sdelay $0x3  }
0x33: {  	p0 =	seq.s32 s10, $0x1;
	s10 =	sld [smem:$0x3FAE];
	_ =	sdelay $0x3  }
0x34: {  	[smem:$0x3FAE] =	sst s10  }
0x35: {  	s10 =	sld [smem:$0x3FAD];
	_ =	sdelay $0x3  }
0x36: {  	p1 =	seq.s32 s10, $0x1;
	s10 =	sld [smem:$0x3FAE];
	_ =	sdelay $0x3  }
0x37: {  	[smem:$0x3FAE] =	sst s10  }
0x38: {  	s10 =	sld [smem:$0x3FAF]  }
0x39: {  	_ = 	snop;
	(pc) =	sbr.ind lr, $3  }
0x3a: {  	_ = 	snop  }
0x3b: {  	_ = 	snop  }
0x3c: {  	p2 =	seq.s32 s10, $0x1;
	s10 =	sld [smem:$0x3FAE]  }
0x3d: {  	_ =	shalt  }
0x3e: {  	_ =	shalt  }
0x3f: {  	_ =	shalt  }
0x40: {  	_ =	shalt  }
0x41: {  	_ =	shalt  }
0x42: {  	_ =	shalt  }
0x43: {  	_ =	shalt  }
0x44: {  	_ =	shalt  }
0x45: {  	_ =	shalt  }
0x46: {  	_ =	shalt  }
0x47: {  	_ =	shalt  }
0x48: {  	_ =	shalt  }
0x49: {  	_ =	shalt  }
0x4a: {  	_ =	shalt  }
0x4b: {  	_ =	shalt  }
0x4c: {  	_ =	shalt  }
0x4d: {  	_ =	shalt  }
0x4e: {  	_ =	shalt  }
0x4f: {  	_ =	shalt  }
0x50: {  	_ =	shalt  }
0x51: {  	_ =	shalt  }
0x52: {  	_ =	shalt  }
0x53: {  	_ =	shalt  }
0x54: {  	_ =	shalt  }
0x55: {  	_ =	shalt  }
0x56: {  	_ =	shalt  }
0x57: {  	_ =	shalt  }
0x58: {  	_ =	shalt  }
0x59: {  	_ =	shalt  }
0x5a: {  	_ =	shalt  }
0x5b: {  	_ =	shalt  }
0x5c: {  	_ =	shalt  }
0x5d: {  	_ =	shalt  }
0x5e: {  	_ =	shalt  }
0x5f: {  	_ =	shalt  }
0x60: {  	_ =	shalt  }
0x61: {  	_ =	shalt  }
0x62: {  	_ =	shalt  }
0x63: {  	_ =	shalt  }
0x64: {  	_ =	shalt  }
0x65: {  	_ =	shalt  }
0x66: {  	_ =	shalt  }
0x67: {  	_ =	shalt  }
0x68: {  	_ =	shalt  }
0x69: {  	_ =	shalt  }
0x6a: {  	_ =	shalt  }
0x6b: {  	_ =	shalt  }
0x6c: {  	_ =	shalt  }
0x6d: {  	_ =	shalt  }
0x6e: {  	_ =	shalt  }
0x6f: {  	_ =	shalt  }
0x70: {  	_ =	shalt  }
0x71: {  	_ =	shalt  }
0x72: {  	_ =	shalt  }
0x73: {  	_ =	shalt  }
0x74: {  	_ =	shalt  }
0x75: {  	_ =	shalt  }
0x76: {  	_ =	shalt  }
0x77: {  	_ =	shalt  }
0x78: {  	_ =	shalt  }
0x79: {  	_ =	shalt  }
0x7a: {  	_ =	shalt  }
0x7b: {  	_ =	shalt  }
0x7c: {  	_ =	shalt  }
0x7d: {  	_ =	shalt  }
0x7e: {  	_ =	shalt  }
0x7f: {  	_ =	shalt  }
0x80: {  	_ =	shalt  }
0x81: {  	_ =	shalt  }
0x82: {  	_ =	shalt  }
0x83: {  	_ =	shalt  }
0x84: {  	_ =	shalt  }
0x85: {  	_ =	shalt  }
0x86: {  	_ =	shalt  }
0x87: {  	_ =	shalt  }
.Lfunc_end0:
.L_simem_size_0:
called_computation_lowered:
.L_overlay_start_0:
0x88: {  	s2 =	sld [smem:$0x3FD9]  }
0x89: {  	s3 =	sld [smem:$0x3FFE];
	_ =	sdelay $0x1  }
0x8a: {  	s1 =	srdreg.scid  }
0x8b: {  	s0 =	sand.u32 $0x1, s1  }
0x8c: {  	s14 =	sshll.u32 s0, $0xA;
	s2 =	sadd.s32 s3, s2  }
0x8d: {  	s2 =	sadd.s32 s2, s14  }
0x8e: {  	[smem:$0x3FBA] =	sst s2  }
0x8f: {  	_ = 	snop  }
0x90: {  	s2 =	sld [smem:$0x3FD0];
	_ =	sdelay $0x2  }
0x91: {  	s4 =	simm.s32 $0xA;
	s5 =	simm.s32 $0x10;
	s15 =	sld [smem:$0x3FC9]  }
0x92: {  	[smem:s5], [sflag:s4] =	dma.local [hbm:s2], $0x1  }
0x93: {  	_ =	swait.eq [sflag:s4], $0x1  }
0x94: {  	[sflag:s4] =	ssyncset.done $0x0  }
0x95: {  	[sflag:s4] =	ssyncadd.s32 $0xFFFFFFFF  }
0x96: {  	s16 =	sld [smem:$0x11];
	(tm) =	ssettm $0x1  }
0x97: {  	s17 =	sld [smem:$0x3FFB];
	_ =	sdelay $0x3  }
0x98: {  	_ =	strace s17  }
0x99: {  	s4 =	sld [smem:$0x3FFC];
	_ =	sdelay $0x3  }
0x9a: {  	_ =	strace s4  }
0x9b: {  	s4 =	sld [smem:$0x3FFD];
	_ =	sdelay $0x3  }
0x9c: {  	_ =	strace s4  }
0x9d: {  	_ =	strace $0x8FFFFFFF  }
0x9e: {  	s18 =	sld [smem:$0x3FDB];
	_ =	sdelay $0x1  }
0x9f: {  	s19 =	simm.s32 $_scs_section_size  }
0xa0: {  	s6 =	simm.s32 $_size__tile_overlayer_lowered;
	s7 =	simm.s32 $_tile_overlayer_lowered  }
0xa1: {  	s22 =	simm.s32 $0x1BFF;
	s21 =	sshll.u32 s7, $0x1;
	s4 =	sadd.s32 s19, s18  }
0xa2: {  	s8 =	simm.s32 $0x0;
	s20 =	sshll.u32 s6, $0x1;
	s6 =	sadd.s32 s21, s4  }
0xa3: {  	[timem:s8], [sflag:s22] =	dma.local [hbm:s6], s20  }
0xa4: {  	_ =	swait.ge [sflag:s22], s20  }
0xa5: {  	s5 =	ssub.s32 $0x0, s20;
	[sflag:s22] =	ssyncset.done $0x0  }
0xa6: {  	[sflag:s22] =	ssyncadd.s32 s5;
	_ =	sdelay $0x1  }
0xa7: {  	s23 =	simm.s32 $0x1B8B  }
0xa8: {  	_ =	swait.ge [sflag:s23], $0x1  }
0xa9: {  	[sflag:s23] =	ssyncset.done $0x0  }
0xaa: {  	s25 =	simm.s32 $0x1B8E;
	s24 =	sld [smem:$0x3FFE];
	[sflag:s23] =	ssyncadd.s32 $0xFFFFFFFF  }
0xab: {  	s26 =	simm.s32 $execute0_lowered;
	[smem:$0x3FD2] =	sst s25  }
0xac: {  	s6 =	sshll.u32 s26, $0x1;
	_ =	strace $0x80000046;
	[dreg:$0x1] =	wrdreg $0xFFFFFFFF  }
0xad: {  	s28 =	simm.s32 $_size_execute0_lowered;
	s4 =	sadd.s32 s4, s6;
	[dreg:$0x0] =	wrdreg $0x0  }
0xae: {  	s6 =	sshll.u32 s28, $0x1;
	[dreg:$0x2] =	wrdreg s4  }
0xaf: {  	[dreg:$0x3] =	wrdreg s6  }
0xb0: {  	[dreg:$0x4] =	wrdreg $0xC0  }
0xb1: {  	_ =	task [dreg:s8], $0x5FFFF  }
0xb2: {  	[dreg:$0x1] =	wrdreg $0xFFFFFFFF  }
0xb3: {  	[dreg:$0x0] =	wrdreg $0x60  }
0xb4: {  	[dreg:$0x2] =	wrdreg s15  }
0xb5: {  	[dreg:$0x3] =	wrdreg s24  }
0xb6: {  	[dreg:$0x4] =	wrdreg s16  }
0xb7: {  	[dreg:$0x5] =	wrdreg $0xA8000  }
0xb8: {  	[dreg:$0x6] =	wrdreg $0x9  }
0xb9: {  	_ =	task.clear_ibuf [dreg:s8], $0x7FFFF;
	_ =	strace $0x90000046  }
0xba: {  	s29 =	simm.s32 $0x9;
	_ =	strace $0x80000048  }
0xbb: {  	_ =	swait.ge [sflag:s29], $0x1  }
0xbc: {  	[sflag:s29] =	ssyncadd.s32 $0xFFFFFFFF  }
0xbd: {  	_ =	strace $0x90000048  }
0xbe: {  	_ =	sfence  }
0xbf: {  	s30 =	sld [smem:$0x0];
	_ =	sdelay $0x2  }
0xc0: {  	s31 =	sshll.u32 s1, $0xD;
	s1 =	sshrl.u32 s1, $0x2  }
0xc1: {  	s3 =	sand.u32 $0x4000, s31;
	s1 =	sadd.s32 s1, s30  }
0xc2: {  	s0 =	sor.u32 s3, s0;
	s1 =	sshll.u32 s1, $0x11  }
0xc3: {  	s0 =	sor.u32 s1, s0  }
0xc4: {  	s0 =	sadd.s32 $0x8F2B, s0  }
0xc5: {  	[sflag:s0] =	ssyncadd.remote.s32 $0x1  }
0xc6: {  	_ =	sfence.sel $0xFFFF  }
0xc7: {  	[dreg:$0x0] =	wrdreg $0xFFFFFFFF;
	(pc) =	sbr.abs _section_cstart, $3  }
0xc8: {  	[dreg:$0x1] =	wrdreg $0xFFFFFFFF  }
0xc9: {  	_ =	task.clear_ibuf [dreg:s8], $0x2FFFF;
	_ =	strace $0x9FFFFFFF  }
0xca: {  	(tm) =	ssettm $0x7FFFFFFF  }
0xcb: {  	_ =	shalt  }
tec
execute0_lowered:
.L_overlay_start_1:
0x0: {  	(tag) =	ssettag $0x1  }
0x1: {  	s1 =	rddreg [dreg:$0x0]  }
0x2: {  	s0 =	rddreg [dreg:$0x1]  }
0x3: {  	s3 =	rddreg [dreg:$0x2]  }
0x4: {  	s2 =	rddreg [dreg:$0x3]  }
0x5: {  	s4 =	srdreg.scid;
	s17 =	stileid.u32  }
0x6: {  	s28 =	simm.s32 $0x2700;
	s29 =	simm.s32 $0x80;
	s30 =	simm.s32 $0x2800  }
0x7: {  	s31 =	simm.s32 $0x6800;
	s5 =	sand.u32 $0x1, s4;
	s4 =	simm.s32 $0x0  }
0x8: {  	s8 =	sadd.s32 $0xE800, s0;
	s0 =	sadd.s32 $0x4A00, s0;
	s23 =	sshll.u32 s17, $0x4  }
0x9: {  	s12 =	sshll.u32 s17, $0xE;
	s15 =	smul.u32 $0x2700, s17;
	s6 =	sshll.u32 s5, $0x4  }
0xa: {  	[smem:$0x7FF] =	sst s4;
	s9 =	ssub.s32 $0x2, s5;
	s11 =	smul.u32 $0x138800, s5  }
0xb: {  	s20 =	sor.u32 $0x40000, s12;
	s21 =	sor.u32 $0x80000, s12;
	s5 =	smul.u32 $0x27000, s5  }
0xc: {  	s6 =	sor.u32 s17, s6;
	_ =	strace $0x80000047;
	s10 =	sshrl.u32 s9, $0x1  }
0xd: {  	s7 =	smul.u32 $0x2700, s6;
	s9 =	ssub.s32 s9, s10;
	s24 =	sshrl.u32 s11, $0x3  }
0xe: {  	s13 =	sadd.s32 s11, s12;
	s14 =	sadd.s32 s11, s20;
	s5 =	sadd.s32 s15, s5  }
0xf: {  	s20 =	sadd.s32 s20, s2;
	p1 =	sgt.u32 s6, $0x3;
	s6 =	simm.s32 $0x4  }
0x10: {  	s10 =	sadd.s32 s3, s24;
	s24 =	sor.u32 $0x40, s17;
	s13 =	sshrl.u32 s13, $0x3  }
0x11: {  	s14 =	sshrl.u32 s14, $0x3;
	s18 =	sadd.s32 $0x180, s5;
	s5 =	sadd.s32 $0x200, s5  }
0x12: {  	s7 =	sshrl.u32 s7, $0x3;
	s13 =	sadd.s32 s3, s13;
	s26 =	sadd.s32 s3, s14  }
0x13: {  	s14 =	sadd.s32 s11, s21;
	s5 =	sshrl.u32 s5, $0x3;
	s19 =	sadd.s32 $0x27000, s10  }
0x14: {  	s21 =	sadd.s32 s21, s2;
	p0 =	slt.u32 s24, $0x4E;
	s22 =	sadd.s32 s8, s7  }
0x15: {  	s25 =	sadd.s32 s0, s7;
	s7 =	sor.u32 $0x9C00, s23;
	[dreg:$0x6] =	wrdreg s13  }
0x16: {  	s23 =	sshll.u32 s24, $0xE;
	[dreg:$0x7] =	wrdreg s26;
	s13 =	sshrl.u32 s14, $0x3  }
0x17: {  	[dreg:$0xd] =	wrdreg s19;
	s26 =	smax.u32 s9, $0x1;
	s19 =	sadd.s32 s12, s2  }
0x18: {  	p2 =	sne.s32 @!p0 s17, $0xE;
	s9 =	simm.s32 $0x0;
	[dreg:$0x5] =	wrdreg s22  }
0x19: {  	s22 =	sor.u32 $0xC0000, s12;
	s13 =	sadd.s32 s3, s13;
	s8 =	sadd.s32 s8, s7  }
0x1a: {  	s7 =	sadd.s32 s0, s7;
	[dreg:$0xe] =	wrdreg s26;
	s24 =	sadd.s32 $0x10, s25  }
0x1b: {  	p2 =	por p2, p0;
	s26 =	simm.s32 $0x2;
	[dreg:$0x8] =	wrdreg s13  }
0x1c: {  	s15 =	sadd.s32 s11, s22;
	s11 =	sadd.s32 s11, s23;
	[dreg:$0xb] =	wrdreg s8  }
0x1d: {  	[dreg:$0xc] =	wrdreg s7;
	s22 =	sadd.s32 s22, s2;
	s23 =	sadd.s32 s23, s2  }
0x1e: {  	s7 =	simm.s32 $0x3;
	s8 =	simm.s32 $0x5;
	s14 =	sshrl.u32 s15, $0x3  }
.Ltmp0:
0x1f: {  	s11 =	sshrl.u32 s11, $0x3;
	s16 =	sadd.s32 s3, s14;
	(pc) =	sbr.rel .LBB2_1-.Ltmp0, $4  }
0x20: {  	s15 =	sadd.s32 s5, s0;
	s3 =	sadd.s32 s3, s11;
	[dreg:$0x9] =	wrdreg s16  }
0x21: {  	s5 =	simm.s32 $0x1;
	[dreg:$0xa] =	wrdreg s3;
	s3 =	sshrl.u32 s18, $0x3  }
0x22: {  	s16 =	sadd.s32 $0x138000, s2;
	s18 =	smov.u32 s25;
	s25 =	sadd.s32 $0x20, s25  }
0x23: {  	v0 =	vimm.f32 $0.0e+00;
	s14 =	sadd.s32 s3, s0;
	s0 =	simm.s32 $0x7;
	s3 =	simm.s32 $0x2780  }
.LBB2_6:
0x24: {  	[spmem:s2] =	stream.indirect.scatter.add.f32 [tilespmem:s31], [sflag:$0x5], $0x80, s3, s29, $0xb8;
	[tilespmem:$0x1E080] =	vst v63  }
0x25: {  	_ =	swait.ge [sflag:s8], $0x4000  }
0x26: {  	s10 =	simm.s32 @!p1 $0x0;
	[sflag:s8] =	ssyncset.done $0x0  }
0x27: {  	s11 =	simm.s32 @!p1 $0x2780;
	s12 =	rddreg [dreg:$0xb];
	[sflag:s8] =	ssyncadd.s32 $0xFFFFC000  }
0x28: {  	[tilespmem:s11], [sflag:$0x6] =	stream.linear.gather @!p1 [hbm4b:s12+s10], $0x80, $0x38;
	[tilespmem:$0x1E080] =	vst v63  }
0x29: {  	s12 =	simm.s32 @!p1 $0x6  }
0x2a: {  	_ =	swait.ge @!p1 [sflag:s12], $0x80  }
0x2b: {  	[sflag:s12] =	ssyncset.done @!p1 $0x0  }
0x2c: {  	s13 =	simm.s32 @!p1 $0x2700;
	s17 =	rddreg [dreg:$0xc];
	[sflag:s12] =	ssyncadd.s32 @!p1 $0xFFFFFF80  }
0x2d: {  	[tilespmem:s13], [sflag:$0x6] =	stream.linear.gather @!p1 [hbm4b:s17+s10], $0x80, $0x38;
	[tilespmem:$0x1E080] =	vst v63  }
0x2e: {  	_ =	swait.ge @!p1 [sflag:s12], $0x80  }
0x2f: {  	[sflag:s12] =	ssyncset.done @!p1 $0x0  }
0x30: {  	s10 =	simm.s32 @!p1 $0x80;
	s17 =	simm.s32 @!p1 $0x2800;
	[sflag:s12] =	ssyncadd.s32 @!p1 $0xFFFFFF80  }
0x31: {  	[tilespmem:s17], [sflag:$0x1] =	stream.indirect.gather @!p1 [hbm4b:s1+s10], $0x80, s11, s10, $0xb8;
	[tilespmem:$0x1E080] =	vst v63  }
0x32: {  	s11 =	simm.s32 @!p1 $0x1  }
0x33: {  	_ =	swait.ge @!p1 [sflag:s11], $0x4000  }
0x34: {  	[sflag:s11] =	ssyncset.done @!p1 $0x0  }
0x35: {  	[sflag:s11] =	ssyncadd.s32 @!p1 $0xFFFFC000  }
0x36: {  	[spmem:s2] =	stream.indirect.scatter.add.f32 @!p1 [tilespmem:s17], [sflag:$0x6], $0x80, s13, s10, $0xb8;
	[tilespmem:$0x1E080] =	vst v63  }
0x37: {  	_ =	swait.ge @!p1 [sflag:s12], $0x4000  }
0x38: {  	[sflag:s12] =	ssyncset.done @!p1 $0x0  }
0x39: {  	s13 =	stileid.u32;
	[sflag:s12] =	ssyncadd.s32 @!p1 $0xFFFFC000  }
0x3a: {  	s11 =	sshll.u32 s13, $0x6;
	[bflag:$0x0] =	sbarrier.arrive $0xFFFF  }
0x3b: {  	s10 =	sor.u32 $0x1C07, s11;
	s12 =	sshrl.u32 s19, $0x3;
	s17 =	rddreg [dreg:$0x6]  }
0x3c: {  	[hbm:s17], [sflag:s10] =	dma.local [spmem:s12], $0x800  }
0x3d: {  	_ =	swait.ge [sflag:s0], $0x800  }
0x3e: {  	[sflag:s0] =	ssyncset.done $0x0  }
0x3f: {  	s12 =	sshrl.u32 s20, $0x3;
	s17 =	rddreg [dreg:$0x7];
	[sflag:s0] =	ssyncadd.s32 $0xFFFFF800  }
0x40: {  	[hbm:s17], [sflag:s10] =	dma.local [spmem:s12], $0x800  }
0x41: {  	_ =	swait.ge [sflag:s0], $0x800  }
0x42: {  	[sflag:s0] =	ssyncset.done $0x0  }
0x43: {  	s12 =	sshrl.u32 s21, $0x3;
	s17 =	rddreg [dreg:$0x8];
	[sflag:s0] =	ssyncadd.s32 $0xFFFFF800  }
0x44: {  	[hbm:s17], [sflag:s10] =	dma.local [spmem:s12], $0x800  }
0x45: {  	_ =	swait.ge [sflag:s0], $0x800  }
0x46: {  	[sflag:s0] =	ssyncset.done $0x0  }
0x47: {  	s12 =	sshrl.u32 s22, $0x3;
	s17 =	rddreg [dreg:$0x9];
	[sflag:s0] =	ssyncadd.s32 $0xFFFFF800  }
0x48: {  	[hbm:s17], [sflag:s10] =	dma.local [spmem:s12], $0x800  }
0x49: {  	_ =	swait.ge [sflag:s0], $0x800  }
0x4a: {  	[sflag:s0] =	ssyncset.done $0x0  }
0x4b: {  	s11 =	sshrl.u32 @p0 s23, $0x3;
	s12 =	rddreg [dreg:$0xa];
	[sflag:s0] =	ssyncadd.s32 $0xFFFFF800  }
0x4c: {  	[hbm:s12], [sflag:s10] =	dma.local @p0 [spmem:s11], $0x800  }
0x4d: {  	s10 =	simm.s32 @p0 $0x7  }
0x4e: {  	_ =	swait.ge @p0 [sflag:s10], $0x800  }
0x4f: {  	s11 =	sshll.u32 @!p2 s13, $0x6;
	[sflag:s10] =	ssyncset.done @p0 $0x0;
	s13 =	rddreg [dreg:$0xd]  }
0x50: {  	[sflag:s10] =	ssyncadd.s32 @p0 $0xFFFFF800;
	s10 =	sor.u32 @!p2 $0x1C06, s11;
	s11 =	sshrl.u32 @!p2 s16, $0x3  }
0x51: {  	[hbm:s13], [sflag:s10] =	dma.local @!p2 [spmem:s11], $0x100  }
0x52: {  	s10 =	simm.s32 @!p2 $0x6  }
0x53: {  	_ =	swait.ge @!p2 [sflag:s10], $0x100  }
0x54: {  	s9 =	sadd.s32 $0x1, s9;
	s17 =	rddreg [dreg:$0xe]  }
0x55: {  	p3 =	sne.s32 s9, s17  }
.Ltmp1:
0x56: {  	_ = 	snop;
	(pc) =	sbr.rel @!p3 .LBB2_7-.Ltmp1, $3  }
0x57: {  	_ =	sdelay $0x1  }
0x58: {  	[sflag:s10] =	ssyncset.done @!p2 $0x0  }
0x59: {  	s12 =	stileid.u32;
	[sflag:s10] =	ssyncadd.s32 @!p2 $0xFFFFFF00  }
.LBB2_1:
0x5a: {  	s10 =	rddreg [dreg:$0x5];
	s17 =	sand.u32 $0xFE00, s4  }
0x5b: {  	[tilespmem:s4], [sflag:$0x2] =	stream.linear.gather [hbm4b:s10+s4], $0x2700, $0x38;
	[tilespmem:$0x1E080] =	vst v63  }
0x5c: {  	s11 =	sand.u32 $0x70, s4;
	s12 =	sshrl.u32 s17, $0x2  }
0x5d: {  	s10 =	simm.s32 $0x40;
	s12 =	sor.u32 s11, s12;
	s11 =	simm.s32 $0x0  }
.LBB2_2:
0x5e: {  	p3 =	sne.s32 s10, $0xFFC0  }
0x5f: {  	[tilespmem:s12+$0x6800] =	vst v0;
	s11 =	sadd.s32 $0x10, s11;
	s12 =	smov.u32 s10;
	s10 =	sadd.s32 $0x40, s10  }
.Ltmp2:
0x60: {  	(pc) =	sbr.rel @p3 .LBB2_2-.Ltmp2, $4  }
0x61: {  	_ = 	snop  }
0x62: {  	s12 =	sand.u32 $0xFE00, s12  }
0x63: {  	s13 =	sand.u32 $0x70, s11;
	s12 =	sshrl.u32 s12, $0x2  }
0x64: {  	s12 =	sor.u32 s13, s12  }
0x65: {  	[tilespmem:s12+$0x6800] =	vst v0  }
0x66: {  	_ =	swait.ge [sflag:s26], $0x2700  }
0x67: {  	[sflag:s26] =	ssyncset.done $0x0  }
0x68: {  	[sflag:s26] =	ssyncadd.s32 $0xFFFFD900  }
0x69: {  	[tilespmem:s28], [sflag:$0x1] =	stream.linear.gather [hbm4b:s18+s4], $0x80, $0x38;
	[tilespmem:$0x1E080] =	vst v63  }
0x6a: {  	_ = 	snop  }
0x6b: {  	[tilespmem:s30], [sflag:$0x1] =	stream.indirect.gather [hbm4b:s1+s29], $0x80, s4, s29, $0xb8;
	[tilespmem:$0x1E080] =	vst v63  }
0x6c: {  	_ = 	snop  }
0x6d: {  	[spmem:s19] =	stream.linear.scatter [tilespmem:s31], [sflag:$0x7], $0x4000, $0x38;
	[tilespmem:$0x1E080] =	vst v63  }
0x6e: {  	_ =	swait.ge [sflag:s0], $0x4000  }
0x6f: {  	[sflag:s0] =	ssyncset.done $0x0  }
0x70: {  	[sflag:s0] =	ssyncadd.s32 $0xFFFFC000  }
0x71: {  	[spmem:s20] =	stream.linear.scatter [tilespmem:s31], [sflag:$0x7], $0x4000, $0x38;
	[tilespmem:$0x1E080] =	vst v63  }
0x72: {  	_ =	swait.ge [sflag:s0], $0x4000  }
0x73: {  	[sflag:s0] =	ssyncset.done $0x0  }
0x74: {  	[sflag:s0] =	ssyncadd.s32 $0xFFFFC000  }
0x75: {  	[spmem:s21] =	stream.linear.scatter [tilespmem:s31], [sflag:$0x7], $0x4000, $0x38;
	[tilespmem:$0x1E080] =	vst v63  }
0x76: {  	_ =	swait.ge [sflag:s0], $0x4000  }
0x77: {  	[sflag:s0] =	ssyncset.done $0x0  }
0x78: {  	[sflag:s0] =	ssyncadd.s32 $0xFFFFC000  }
0x79: {  	[spmem:s22] =	stream.linear.scatter [tilespmem:s31], [sflag:$0x7], $0x4000, $0x38;
	[tilespmem:$0x1E080] =	vst v63  }
0x7a: {  	_ =	swait.ge [sflag:s0], $0x4000  }
0x7b: {  	[sflag:s0] =	ssyncset.done $0x0  }
0x7c: {  	s10 =	simm.s32 @p0 $0x6800;
	[sflag:s0] =	ssyncadd.s32 $0xFFFFC000  }
0x7d: {  	[spmem:s23] =	stream.linear.scatter @p0 [tilespmem:s10], [sflag:$0x7], $0x4000, $0x38;
	[tilespmem:$0x1E080] =	vst v63  }
0x7e: {  	s10 =	simm.s32 @p0 $0x7  }
0x7f: {  	_ =	swait.ge @p0 [sflag:s10], $0x4000  }
0x80: {  	[sflag:s10] =	ssyncset.done @p0 $0x0  }
0x81: {  	[sflag:s10] =	ssyncadd.s32 @p0 $0xFFFFC000;
	s10 =	simm.s32 @!p2 $0x6800  }
0x82: {  	[spmem:s16] =	stream.linear.scatter @!p2 [tilespmem:s10], [sflag:$0x6], $0x800, $0x38;
	[tilespmem:$0x1E080] =	vst v63  }
0x83: {  	s10 =	simm.s32 @!p2 $0x6  }
0x84: {  	_ =	swait.ge @!p2 [sflag:s10], $0x800  }
0x85: {  	[sflag:s10] =	ssyncset.done @!p2 $0x0  }
0x86: {  	[sflag:s10] =	ssyncadd.s32 @!p2 $0xFFFFF800  }
0x87: {  	[bflag:$0x0] =	sbarrier.arrive $0xFFFF  }
0x88: {  	_ =	swait.ge [sflag:s5], $0x80  }
0x89: {  	[sflag:s5] =	ssyncset.done $0x0  }
0x8a: {  	[sflag:s5] =	ssyncadd.s32 $0xFFFFFF80  }
0x8b: {  	_ =	swait.ge [sflag:s5], $0x4000  }
0x8c: {  	[sflag:s5] =	ssyncset.done $0x0  }
0x8d: {  	s10 =	simm.s32 $0x0;
	[sflag:s5] =	ssyncadd.s32 $0xFFFFC000  }
0x8e: {  	[tilespmem:s3], [sflag:$0x4] =	stream.linear.gather [hbm4b:s24+s10], $0x80, $0x38;
	[tilespmem:$0x1E080] =	vst v63  }
0x8f: {  	_ = 	snop  }
0x90: {  	[tilespmem:s31], [sflag:$0x4] =	stream.indirect.gather [hbm4b:s1+s29], $0x80, s29, s29, $0xb8;
	[tilespmem:$0x1E080] =	vst v63  }
0x91: {  	_ = 	snop  }
0x92: {  	[spmem:s2] =	stream.indirect.scatter.add.f32 [tilespmem:s30], [sflag:$0x3], $0x80, s28, s29, $0xb8;
	[tilespmem:$0x1E080] =	vst v63  }
0x93: {  	_ =	swait.ge [sflag:s6], $0x80  }
0x94: {  	[sflag:s6] =	ssyncset.done $0x0  }
0x95: {  	[sflag:s6] =	ssyncadd.s32 $0xFFFFFF80  }
0x96: {  	_ =	swait.ge [sflag:s6], $0x4000  }
0x97: {  	[sflag:s6] =	ssyncset.done $0x0  }
0x98: {  	[sflag:s6] =	ssyncadd.s32 $0xFFFFC000  }
0x99: {  	_ =	swait.ge [sflag:s7], $0x4000  }
0x9a: {  	[sflag:s7] =	ssyncset.done $0x0  }
0x9b: {  	[sflag:s7] =	ssyncadd.s32 $0xFFFFC000  }
0x9c: {  	[tilespmem:s28], [sflag:$0x1] =	stream.linear.gather [hbm4b:s25+s10], $0x80, $0x38;
	[tilespmem:$0x1E080] =	vst v63  }
0x9d: {  	s11 =	simm.s32 $0x100  }
0x9e: {  	[tilespmem:s30], [sflag:$0x1] =	stream.indirect.gather [hbm4b:s1+s29], $0x80, s11, s29, $0xb8;
	[tilespmem:$0x1E080] =	vst v63  }
0x9f: {  	s11 =	simm.s32 $0x180  }
0xa0: {  	[spmem:s2] =	stream.indirect.scatter.add.f32 [tilespmem:s31], [sflag:$0x5], $0x80, s3, s29, $0xb8;
	[tilespmem:$0x1E080] =	vst v63  }
.LBB2_4:
0xa1: {  	_ =	swait.ge [sflag:s5], $0x80  }
0xa2: {  	[sflag:s5] =	ssyncset.done $0x0  }
0xa3: {  	[sflag:s5] =	ssyncadd.s32 $0xFFFFFF80  }
0xa4: {  	_ =	swait.ge [sflag:s5], $0x4000  }
0xa5: {  	[sflag:s5] =	ssyncset.done $0x0  }
0xa6: {  	[sflag:s5] =	ssyncadd.s32 $0xFFFFC000  }
0xa7: {  	_ =	swait.ge [sflag:s8], $0x4000  }
0xa8: {  	[sflag:s8] =	ssyncset.done $0x0  }
0xa9: {  	s12 =	sadd.s32 s10, s14;
	[sflag:s8] =	ssyncadd.s32 $0xFFFFC000  }
0xaa: {  	[tilespmem:s3], [sflag:$0x4] =	stream.linear.gather [hbm4b:s12+s4], $0x80, $0x38;
	[tilespmem:$0x1E080] =	vst v63  }
0xab: {  	_ = 	snop  }
0xac: {  	[tilespmem:s31], [sflag:$0x4] =	stream.indirect.gather [hbm4b:s1+s29], $0x80, s11, s29, $0xb8;
	[tilespmem:$0x1E080] =	vst v63  }
0xad: {  	_ = 	snop  }
0xae: {  	[spmem:s2] =	stream.indirect.scatter.add.f32 [tilespmem:s30], [sflag:$0x3], $0x80, s28, s29, $0xb8;
	[tilespmem:$0x1E080] =	vst v63  }
0xaf: {  	_ =	swait.ge [sflag:s6], $0x80  }
0xb0: {  	[sflag:s6] =	ssyncset.done $0x0  }
0xb1: {  	[sflag:s6] =	ssyncadd.s32 $0xFFFFFF80  }
0xb2: {  	p3 =	seq.s32 s10, $0x4A0;
	_ =	swait.ge [sflag:s6], $0x4000  }
.Ltmp3:
0xb3: {  	[sflag:s6] =	ssyncset.done $0x0;
	(pc) =	sbr.rel @p3 .LBB2_6-.Ltmp3, $4  }
0xb4: {  	[sflag:s6] =	ssyncadd.s32 $0xFFFFC000  }
0xb5: {  	_ =	swait.ge [sflag:s7], $0x4000  }
0xb6: {  	[sflag:s7] =	ssyncset.done $0x0  }
0xb7: {  	[sflag:s7] =	ssyncadd.s32 $0xFFFFC000  }
0xb8: {  	s12 =	sadd.s32 s10, s15  }
0xb9: {  	[tilespmem:s28], [sflag:$0x1] =	stream.linear.gather [hbm4b:s12+s4], $0x80, $0x38;
	[tilespmem:$0x1E080] =	vst v63  }
.Ltmp4:
0xba: {  	_ = 	snop;
	(pc) =	sbr.rel .LBB2_4-.Ltmp4, $4  }
0xbb: {  	s17 =	sadd.s32 $0x80, s11  }
0xbc: {  	[tilespmem:s30], [sflag:$0x1] =	stream.indirect.gather [hbm4b:s1+s29], $0x80, s17, s29, $0xb8;
	[tilespmem:$0x1E080] =	vst v63  }
0xbd: {  	s10 =	sadd.s32 $0x20, s10;
	s11 =	sadd.s32 $0x100, s11  }
0xbe: {  	[spmem:s2] =	stream.indirect.scatter.add.f32 [tilespmem:s31], [sflag:$0x5], $0x80, s3, s29, $0xb8;
	[tilespmem:$0x1E080] =	vst v63  }
.LBB2_7:
0xbf: {  	_ =	sfence.sel $0x180000  }
0xc0: {  	[bflag:$0x0] =	sbarrier.arrive $0xFFFF  }
0xc1: {  	_ =	strace $0x90000047  }
0xc2: {  	[bflag:$0x2] =	sbarrier.arrive $0xFFFF  }
0xc3: {  	p0 =	sne.s32 s12, $0x0;
	s0 =	rddreg [dreg:$0x4]  }
0xc4: {  	s0 =	sadd.s32 @!p0 $0x100000, s0  }
0xc5: {  	[sflag:s0] =	ssyncadd.tile.s32 @!p0 $0x1;
	_ =	shalt  }
.Lfunc_end2:
_tile_overlayer_lowered:
.L_overlay_start_2:
0xc6: {  	(tag) =	ssettag $0x2  }
0xc7: {  	s0 =	rddreg [dreg:$0x0];
	s2 =	stileid.u32  }
0xc8: {  	s1 =	rddreg [dreg:$0x1];
	p0 =	sne.s32 s2, $0x0  }
0xc9: {  	s3 =	rddreg [dreg:$0x2];
	[bflag:$0x3] =	sbarrier.arrive $0xFFFF;
	s2 =	simm.s32 @!p0 $0x1C06  }
0xca: {  	[timem:s3], [sflag:s2] =	dma.local @!p0 [hbm:s0], s1  }
0xcb: {  	s0 =	simm.s32 @!p0 $0x6  }
0xcc: {  	_ =	swait.ge @!p0 [sflag:s0], s1  }
0xcd: {  	s1 =	ssub.s32 @!p0 $0x0, s1;
	[sflag:s0] =	ssyncset.done @!p0 $0x0  }
0xce: {  	[sflag:s0] =	ssyncadd.s32 @!p0 s1  }
0xcf: {  	[bflag:$0x3] =	sbarrier.arrive $0xFFFF  }
0xd0: {  	_ =	shalt  }

</sc_bundles>
